<compile_context>
chip_gen: v7x
topology: tpu7x:2x2x1
jax: 0.10.2.dev20260603
libtpu: 0.0.44.dev20260713+nightly
codegen_flags: <defaults>
</compile_context>

<pallas_src>
import functools

import jax
import jax.numpy as jnp
from jax import lax
from jax.experimental import pallas as pl
from jax.experimental.pallas import tpu as pltpu
from jax.experimental.pallas import tpu_sc as plsc

E, N, H, D = 320000, 10000, 4, 32
HD = H * D
NC, NS = 2, 16
NW = NC * NS
CA = 1000
CB = 80
EA = E // NS
EB = E // NW
NA = EA // CA
NWP = EB // CA
NB = EB // CB
NP = 10240
NROWS = NP // NS
SW = NP * H
SSLICE = SW // NS

_MESH = plsc.VectorSubcoreMesh(
    core_axis_name="c", subcore_axis_name="s", num_cores=NC, num_subcores=NS)
_PARAMS = pltpu.CompilerParams(needs_layout_passes=False)


def _denom_body(af_hbm, src_hbm, pslab_hbm, pmerged_hbm, w_hbm,
                s_priv, a_bufs, s_bufs, m_buf, a2_buf, sems):
    c = lax.axis_index("c")
    s = lax.axis_index("s")
    iota = lax.iota(jnp.int32, 16)
    row4 = iota >> 2
    col4 = iota & 3

    @pl.loop(0, SW // 16)
    def _zs(i):
        s_priv[pl.ds(i * 16, 16)] = jnp.zeros((16,), jnp.float32)

    def start(base, i, slot):
        e0 = base + i * CA
        pltpu.async_copy(af_hbm.at[pl.ds(e0 * H, CA * H)], a_bufs[slot],
                         sems[slot])
        pltpu.async_copy(src_hbm.at[pl.ds(e0, CA)], s_bufs[slot], sems[slot])

    def wait(slot):
        pltpu.make_async_copy(af_hbm.at[pl.ds(0, CA * H)], a_bufs[slot],
                              sems[slot]).wait()
        pltpu.make_async_copy(src_hbm.at[pl.ds(0, CA)], s_bufs[slot],
                              sems[slot]).wait()

    ebase = s * EA

    def acc_chunk(slot):
        a_buf, sidx = a_bufs[slot], s_bufs[slot]

        @pl.loop(0, CA // 4, unroll=4)
        def _acc(g):
            ea = jnp.exp(a_buf[pl.ds(g * 16, 16)])
            src_spread = plsc.load_gather(sidx, [row4 + g * 4])
            idx = src_spread * 4 + col4
            for j in range(4):
                plsc.addupdate_scatter(s_priv, [idx], ea, mask=row4 == j)

    @pl.loop(0, NA)
    def _pa(i):
        e0 = ebase + i * CA
        pltpu.sync_copy(af_hbm.at[pl.ds(e0 * H, CA * H)], a_bufs[0])
        pltpu.sync_copy(src_hbm.at[pl.ds(e0, CA)], s_bufs[0])
        acc_chunk(0)

    pltpu.sync_copy(s_priv, pslab_hbm.at[c, s])
    plsc.subcore_barrier()
    o0 = s * SSLICE
    pltpu.sync_copy(pslab_hbm.at[c, 0, pl.ds(o0, SSLICE)], m_buf)

    @pl.loop(1, NS)
    def _mw(w):
        pltpu.sync_copy(pslab_hbm.at[c, w, pl.ds(o0, SSLICE)], a2_buf)

        @pl.loop(0, SSLICE // 16)
        def _madd(i):
            m_buf[pl.ds(i * 16, 16)] = (m_buf[pl.ds(i * 16, 16)]
                                        + a2_buf[pl.ds(i * 16, 16)])

    pltpu.sync_copy(m_buf, pmerged_hbm.at[c, pl.ds(o0, SSLICE)])
    plsc.subcore_barrier()
    pltpu.sync_copy(pmerged_hbm.at[c], s_priv)

    wbase = (c * NS + s) * EB

    def w_chunk(i, slot):
        a_buf, sidx = a_bufs[slot], s_bufs[slot]

        @pl.loop(0, CA // 4, unroll=4)
        def _wg(g):
            src_spread = plsc.load_gather(sidx, [row4 + g * 4])
            sg = plsc.load_gather(s_priv, [src_spread * 4 + col4])
            w = jnp.exp(a_buf[pl.ds(g * 16, 16)]) / (sg + 1e-16)
            a_buf[pl.ds(g * 16, 16)] = w

        e0 = wbase + i * CA
        pltpu.sync_copy(a_buf, w_hbm.at[pl.ds(e0 * H, CA * H)])

    @pl.loop(0, NWP)
    def _pw(i):
        e0 = wbase + i * CA
        pltpu.sync_copy(af_hbm.at[pl.ds(e0 * H, CA * H)], a_bufs[0])
        pltpu.sync_copy(src_hbm.at[pl.ds(e0, CA)], s_bufs[0])
        w_chunk(i, 0)


_denom = functools.partial(
    pl.kernel,
    out_type=(
        jax.ShapeDtypeStruct((NC, NS, SW), jnp.float32),
        jax.ShapeDtypeStruct((NC, SW), jnp.float32),
        jax.ShapeDtypeStruct((E * H,), jnp.float32),
    ),
    mesh=_MESH,
    compiler_params=_PARAMS,
    scratch_types=[
        pltpu.VMEM((SW,), jnp.float32),
        [pltpu.VMEM((CA * H,), jnp.float32)] * 2,
        [pltpu.VMEM((CA,), jnp.int32)] * 2,
        pltpu.VMEM((SSLICE,), jnp.float32),
        pltpu.VMEM((SSLICE,), jnp.float32),
        [pltpu.SemaphoreType.DMA] * 2,
    ],
)(_denom_body)


def _scatter_body(nb_hbm, w_hbm, dst_hbm, zrow_hbm, part_hbm,
                  acc_sh, n_bufs, w_bufs, d_bufs, sems):
    c = lax.axis_index("c")
    s = lax.axis_index("s")
    iota = lax.iota(jnp.int32, 16)

    r0 = s * NROWS
    pltpu.sync_copy(zrow_hbm, acc_sh.at[pl.ds(r0, NROWS), :])
    plsc.subcore_barrier()

    wbase = (c * NS + s) * EB

    def start(i, slot):
        e0 = wbase + i * CB
        pltpu.async_copy(nb_hbm.at[pl.ds(e0, CB), :], n_bufs[slot],
                         sems[slot])
        pltpu.async_copy(w_hbm.at[pl.ds(e0 * H, CB * H)], w_bufs[slot],
                         sems[slot])
        pltpu.async_copy(dst_hbm.at[pl.ds(e0, CB)], d_bufs[slot], sems[slot])

    def wait(slot):
        pltpu.make_async_copy(nb_hbm.at[pl.ds(0, CB), :], n_bufs[slot],
                              sems[slot]).wait()
        pltpu.make_async_copy(w_hbm.at[pl.ds(0, CB * H)], w_bufs[slot],
                              sems[slot]).wait()
        pltpu.make_async_copy(dst_hbm.at[pl.ds(0, CB)], d_bufs[slot],
                              sems[slot]).wait()

    def process(slot):
        nbuf, w_buf, didx = n_bufs[slot], w_bufs[slot], d_bufs[slot]

        @pl.loop(0, CB // 4)
        def _scale(g):
            w = w_buf[pl.ds(g * 16, 16)]
            for j in range(4):
                e = g * 4 + j
                for h in range(H):
                    lane = jnp.full((16,), 4 * j + h, jnp.int32)
                    wv = jnp.take_along_axis(w, lane, axis=0)
                    for d2 in range(D // 16):
                        k = h * (D // 16) + d2
                        nbuf[e, pl.ds(k * 16, 16)] = (
                            nbuf[e, pl.ds(k * 16, 16)] * wv)

        pltpu.sync_copy(nbuf, acc_sh.at[didx], add=True)

    start(0, 0)

    @pl.loop(0, NB // 2)
    def _pb(p):
        start(2 * p + 1, 1)
        wait(0)
        process(0)
        start(2 * p + 2, 0)
        wait(1)
        process(1)

    wait(0)
    process(0)

    plsc.subcore_barrier()
    pltpu.sync_copy(acc_sh.at[pl.ds(r0, NROWS), :],
                    part_hbm.at[c, pl.ds(r0, NROWS), :])


_scatter = functools.partial(
    pl.kernel,
    out_type=jax.ShapeDtypeStruct((NC, NP, HD), jnp.float32),
    mesh=_MESH,
    compiler_params=_PARAMS,
    scratch_types=[
        pltpu.VMEM_SHARED((NP, HD), jnp.float32),
        [pltpu.VMEM((CB, HD), jnp.float32)] * 2,
        [pltpu.VMEM((CB * H,), jnp.float32)] * 2,
        [pltpu.VMEM((CB,), jnp.int32)] * 2,
        [pltpu.SemaphoreType.DMA] * 2,
    ],
)(_scatter_body)


def _merge_body(p_ref, o_ref):
    o_ref[...] = p_ref[0] + p_ref[1]


_merge = pl.pallas_call(
    _merge_body,
    grid=(10,),
    in_specs=[pl.BlockSpec((NC, NP // 10, HD), lambda i: (0, i, 0))],
    out_specs=pl.BlockSpec((NP // 10, HD), lambda i: (i, 0)),
    out_shape=jax.ShapeDtypeStruct((NP, HD), jnp.float32),
)


def kernel(neighbor_vecs, alpha, edge_index, num_nodes):
    del num_nodes
    nb = neighbor_vecs.reshape(E, HD)
    af = alpha.reshape(E * H)
    src = edge_index[0]
    dst = edge_index[1]
    zrow = jnp.zeros((NROWS, HD), jnp.float32)
    _, _, w = _denom(af, src)
    partials = _scatter(nb, w, dst, zrow)
    out = _merge(partials)
    return out[:N].reshape(N, H, D)

# --- scband reference (transcript-rebuilt; emitter-appended) ---
"""Pipeline reference for scband-basic-aggregator-10488310137093 (READ-ONLY COPY).

The authoritative reference and input builder live on the scoring server;
editing this copy changes nothing except your own understanding.
"""

import jax, jax.numpy as jnp
import numpy as np

E = 320000
N = 10000
H = 4
D = 32


def setup_inputs(seed: int = 0) -> dict:
    key = jax.random.key(seed)
    k1, k2, k3 = jax.random.split(key, 3)
    neighbor_vecs = jax.random.normal(k1, (E, H, D), dtype=jnp.float32)
    alpha = jax.random.normal(k2, (E, H), dtype=jnp.float32)
    edge_index = jax.random.randint(k3, (2, E), 0, N).astype(jnp.int32)
    return {
        "neighbor_vecs": neighbor_vecs,
        "alpha": alpha,
        "edge_index": edge_index,
        "num_nodes": N,
    }


def _segment_softmax(alpha, seg, num_segments):
    seg_max = jax.ops.segment_max(alpha, seg, num_segments=num_segments)
    seg_max = jax.lax.stop_gradient(seg_max)
    seg_max = jnp.where(jnp.isfinite(seg_max), seg_max, 0.0)
    out = jnp.exp(alpha - seg_max[seg])
    seg_sum = jax.ops.segment_sum(out, seg, num_segments=num_segments)
    return out / (seg_sum[seg] + 1e-16)


def reference(neighbor_vecs, alpha, edge_index, num_nodes):
    # preprocess: softmax of alpha over source-node segments (edge_index[0]),
    # dropout is a no-op in eval mode
    a = _segment_softmax(alpha, edge_index[0], N)
    neighbor = neighbor_vecs * a[:, :, None]
    # scatter_('add', neighbor, edge_index[1], dim_size=num_nodes)
    out = jax.ops.segment_sum(neighbor, edge_index[1], num_segments=N)
    valid = jnp.arange(N, dtype=jnp.int32) < num_nodes
    out = jnp.where(valid[:, None, None], out, out)
    return out

if __name__ == "__main__":
    import jax
    _d = setup_inputs()
    print(jax.jit(kernel)(*tuple(_d.values())))

</pallas_src>

<mosaic_0001>
#map = affine_map<(d0, d1) -> (0, 0)>
#map1 = affine_map<(d0, d1) -> (0)>
#map2 = affine_map<(d0, d1) -> (0, 0, 0)>
module attributes {stable_mosaic.version = 14 : i64} {
  func.func @_scatter_body(%arg0: i32, %arg1: i32, %arg2: memref<320000x128xf32, #tpu.memory_space<hbm>>, %arg3: memref<1280000xf32, #tpu.memory_space<hbm>>, %arg4: memref<320000xi32, #tpu.memory_space<hbm>>, %arg5: memref<640x128xf32, #tpu.memory_space<hbm>>, %arg6: memref<2x10240x128xf32, #tpu.memory_space<hbm>>, %arg7: memref<10240x128xf32, #tpu.memory_space<vmem_shared>>, %arg8: memref<80x128xf32, #tpu.memory_space<vmem>>, %arg9: memref<80x128xf32, #tpu.memory_space<vmem>>, %arg10: memref<320xf32, #tpu.memory_space<vmem>>, %arg11: memref<320xf32, #tpu.memory_space<vmem>>, %arg12: memref<80xi32, #tpu.memory_space<vmem>>, %arg13: memref<80xi32, #tpu.memory_space<vmem>>, %arg14: memref<!tpu.dma_semaphore, #tpu.memory_space<semaphore_mem>>, %arg15: memref<!tpu.dma_semaphore, #tpu.memory_space<semaphore_mem>>) attributes {dimension_semantics = [#tpu.dimension_semantics<core_parallel>, #tpu.dimension_semantics<subcore_parallel>], iteration_bounds = array<i64: 2, 16>, scalar_prefetch = 0 : i64, scratch_operands = 9 : i64, tpu.core_type = #tpu.core_type<sc_vector_subcore>, window_params = [{transform_indices = #map}, {transform_indices = #map1}, {transform_indices = #map1}, {transform_indices = #map}, {transform_indices = #map2}]} {
    %iota3A = tpu.iota {dimensions = array<i32: 0>} : vector<16xi32>
    %mul3A = arith.constant 640 : i32
    %mul3A_0 = arith.muli %arg1, %mul3A : i32
    "tpu.region"() ({
      %run_scoped3A = tpu.sem_alloc : memref<!tpu.dma_semaphore, #tpu.memory_space<semaphore_mem>>
      %dma_start3A_39 = arith.constant 0 : i32
      %dma_start3A_40 = tpu.memref_slice %arg7[%mul3A_0, %dma_start3A_39] : memref<10240x128xf32, #tpu.memory_space<vmem_shared>> -> memref<640x128xf32, #tpu.memory_space<vmem_shared>>
      tpu.enqueue_dma source(%arg5 : memref<640x128xf32, #tpu.memory_space<hbm>>) target(%dma_start3A_40 : memref<640x128xf32, #tpu.memory_space<vmem_shared>>) target_semaphore(%run_scoped3A : memref<!tpu.dma_semaphore, #tpu.memory_space<semaphore_mem>>)
      %dma_wait3A_41 = arith.constant 0 : i32
      %dma_wait3A_42 = tpu.memref_slice %arg7[%mul3A_0, %dma_wait3A_41] : memref<10240x128xf32, #tpu.memory_space<vmem_shared>> -> memref<640x128xf32, #tpu.memory_space<vmem_shared>>
      tpu.wait_dma2 semaphore(%run_scoped3A : memref<!tpu.dma_semaphore, #tpu.memory_space<semaphore_mem>>) src(%arg5 : memref<640x128xf32, #tpu.memory_space<hbm>>) dst(%dma_wait3A_42 : memref<640x128xf32, #tpu.memory_space<vmem_shared>>)
      tpu.yield
    }) : () -> ()
    %barrier3A = arith.constant 0 : index
    tpu.barrier barrier_id(%barrier3A)
    %mul3A_1 = arith.constant 16 : i32
    %mul3A_2 = arith.muli %arg0, %mul3A_1 : i32
    %add3A = arith.addi %mul3A_2, %arg1 : i32
    %mul3A_3 = arith.constant 10000 : i32
    %mul3A_4 = arith.muli %add3A, %mul3A_3 : i32
    %add3A_5 = arith.constant 0 : i32
    %add3A_6 = arith.addi %mul3A_4, %add3A_5 : i32
    %dma_start3A = arith.constant 0 : i32
    %dma_start3A_7 = tpu.memref_slice %arg2[%add3A_6, %dma_start3A] : memref<320000x128xf32, #tpu.memory_space<hbm>> -> memref<80x128xf32, #tpu.memory_space<hbm>>
    %dma_start3A_8 = arith.constant 0 : i32
    %dma_start3A_9 = tpu.memref_slice %arg2[%add3A_6, %dma_start3A_8] : memref<320000x128xf32, #tpu.memory_space<hbm>> -> memref<80x128xf32, #tpu.memory_space<hbm>>
    tpu.enqueue_dma source(%dma_start3A_9 : memref<80x128xf32, #tpu.memory_space<hbm>>) target(%arg8 : memref<80x128xf32, #tpu.memory_space<vmem>>) target_semaphore(%arg14 : memref<!tpu.dma_semaphore, #tpu.memory_space<semaphore_mem>>)
    %mul3A_10 = arith.constant 4 : i32
    %mul3A_11 = arith.muli %add3A_6, %mul3A_10 : i32
    %dma_start3A_12 = tpu.memref_slice %arg3[%mul3A_11] : memref<1280000xf32, #tpu.memory_space<hbm>> -> memref<320xf32, #tpu.memory_space<hbm>>
    %dma_start3A_13 = tpu.memref_slice %arg3[%mul3A_11] : memref<1280000xf32, #tpu.memory_space<hbm>> -> memref<320xf32, #tpu.memory_space<hbm>>
    tpu.enqueue_dma source(%dma_start3A_13 : memref<320xf32, #tpu.memory_space<hbm>>) target(%arg10 : memref<320xf32, #tpu.memory_space<vmem>>) target_semaphore(%arg14 : memref<!tpu.dma_semaphore, #tpu.memory_space<semaphore_mem>>)
    %dma_start3A_14 = tpu.memref_slice %arg4[%add3A_6] : memref<320000xi32, #tpu.memory_space<hbm>> -> memref<80xi32, #tpu.memory_space<hbm>>
    %dma_start3A_15 = tpu.memref_slice %arg4[%add3A_6] : memref<320000xi32, #tpu.memory_space<hbm>> -> memref<80xi32, #tpu.memory_space<hbm>>
    tpu.enqueue_dma source(%dma_start3A_15 : memref<80xi32, #tpu.memory_space<hbm>>) target(%arg12 : memref<80xi32, #tpu.memory_space<vmem>>) target_semaphore(%arg14 : memref<!tpu.dma_semaphore, #tpu.memory_space<semaphore_mem>>)
    %scan3A = arith.constant 0 : i32
    %scan3A_16 = arith.constant 62 : i32
    %scan3A_17 = arith.addi %scan3A, %scan3A_16 : i32
    %scan3A_18 = arith.constant 1 : i32
    scf.for %scan3A_39 = %scan3A to %scan3A_17 step %scan3A_18  : i32 {
      %mul3A_40 = arith.constant 1 : i32
      %mul3A_41 = arith.muli %scan3A_39, %mul3A_40 : i32
      %add3A_42 = arith.constant 0 : i32
      %add3A_43 = arith.addi %add3A_42, %mul3A_41 : i32
      %mul3A_44 = arith.constant 2 : i32
      %mul3A_45 = arith.muli %mul3A_44, %add3A_43 : i32
      %add3A_46 = arith.constant 1 : i32
      %add3A_47 = arith.addi %mul3A_45, %add3A_46 : i32
      %mul3A_48 = arith.constant 80 : i32
      %mul3A_49 = arith.muli %add3A_47, %mul3A_48 : i32
      %add3A_50 = arith.addi %mul3A_4, %mul3A_49 : i32
      %dma_start3A_51 = arith.constant 0 : i32
      %dma_start3A_52 = tpu.memref_slice %arg2[%add3A_50, %dma_start3A_51] : memref<320000x128xf32, #tpu.memory_space<hbm>> -> memref<80x128xf32, #tpu.memory_space<hbm>>
      %dma_start3A_53 = arith.constant 0 : i32
      %dma_start3A_54 = tpu.memref_slice %arg2[%add3A_50, %dma_start3A_53] : memref<320000x128xf32, #tpu.memory_space<hbm>> -> memref<80x128xf32, #tpu.memory_space<hbm>>
      tpu.enqueue_dma source(%dma_start3A_54 : memref<80x128xf32, #tpu.memory_space<hbm>>) target(%arg9 : memref<80x128xf32, #tpu.memory_space<vmem>>) target_semaphore(%arg15 : memref<!tpu.dma_semaphore, #tpu.memory_space<semaphore_mem>>)
      %mul3A_55 = arith.constant 4 : i32
      %mul3A_56 = arith.muli %add3A_50, %mul3A_55 : i32
      %dma_start3A_57 = tpu.memref_slice %arg3[%mul3A_56] : memref<1280000xf32, #tpu.memory_space<hbm>> -> memref<320xf32, #tpu.memory_space<hbm>>
      %dma_start3A_58 = tpu.memref_slice %arg3[%mul3A_56] : memref<1280000xf32, #tpu.memory_space<hbm>> -> memref<320xf32, #tpu.memory_space<hbm>>
      tpu.enqueue_dma source(%dma_start3A_58 : memref<320xf32, #tpu.memory_space<hbm>>) target(%arg11 : memref<320xf32, #tpu.memory_space<vmem>>) target_semaphore(%arg15 : memref<!tpu.dma_semaphore, #tpu.memory_space<semaphore_mem>>)
      %dma_start3A_59 = tpu.memref_slice %arg4[%add3A_50] : memref<320000xi32, #tpu.memory_space<hbm>> -> memref<80xi32, #tpu.memory_space<hbm>>
      %dma_start3A_60 = tpu.memref_slice %arg4[%add3A_50] : memref<320000xi32, #tpu.memory_space<hbm>> -> memref<80xi32, #tpu.memory_space<hbm>>
      tpu.enqueue_dma source(%dma_start3A_60 : memref<80xi32, #tpu.memory_space<hbm>>) target(%arg13 : memref<80xi32, #tpu.memory_space<vmem>>) target_semaphore(%arg15 : memref<!tpu.dma_semaphore, #tpu.memory_space<semaphore_mem>>)
      %dma_wait3A_61 = arith.constant 0 : i32
      %dma_wait3A_62 = arith.constant 0 : i32
      %dma_wait3A_63 = tpu.memref_slice %arg2[%dma_wait3A_61, %dma_wait3A_62] : memref<320000x128xf32, #tpu.memory_space<hbm>> -> memref<80x128xf32, #tpu.memory_space<hbm>>
      %dma_wait3A_64 = arith.constant 0 : i32
      %dma_wait3A_65 = arith.constant 0 : i32
      %dma_wait3A_66 = tpu.memref_slice %arg2[%dma_wait3A_64, %dma_wait3A_65] : memref<320000x128xf32, #tpu.memory_space<hbm>> -> memref<80x128xf32, #tpu.memory_space<hbm>>
      tpu.wait_dma2 semaphore(%arg14 : memref<!tpu.dma_semaphore, #tpu.memory_space<semaphore_mem>>) src(%dma_wait3A_66 : memref<80x128xf32, #tpu.memory_space<hbm>>) dst(%arg8 : memref<80x128xf32, #tpu.memory_space<vmem>>)
      %dma_wait3A_67 = arith.constant 0 : i32
      %dma_wait3A_68 = tpu.memref_slice %arg3[%dma_wait3A_67] : memref<1280000xf32, #tpu.memory_space<hbm>> -> memref<320xf32, #tpu.memory_space<hbm>>
      %dma_wait3A_69 = arith.constant 0 : i32
      %dma_wait3A_70 = tpu.memref_slice %arg3[%dma_wait3A_69] : memref<1280000xf32, #tpu.memory_space<hbm>> -> memref<320xf32, #tpu.memory_space<hbm>>
      tpu.wait_dma2 semaphore(%arg14 : memref<!tpu.dma_semaphore, #tpu.memory_space<semaphore_mem>>) src(%dma_wait3A_70 : memref<320xf32, #tpu.memory_space<hbm>>) dst(%arg10 : memref<320xf32, #tpu.memory_space<vmem>>)
      %dma_wait3A_71 = arith.constant 0 : i32
      %dma_wait3A_72 = tpu.memref_slice %arg4[%dma_wait3A_71] : memref<320000xi32, #tpu.memory_space<hbm>> -> memref<80xi32, #tpu.memory_space<hbm>>
      %dma_wait3A_73 = arith.constant 0 : i32
      %dma_wait3A_74 = tpu.memref_slice %arg4[%dma_wait3A_73] : memref<320000xi32, #tpu.memory_space<hbm>> -> memref<80xi32, #tpu.memory_space<hbm>>
      tpu.wait_dma2 semaphore(%arg14 : memref<!tpu.dma_semaphore, #tpu.memory_space<semaphore_mem>>) src(%dma_wait3A_74 : memref<80xi32, #tpu.memory_space<hbm>>) dst(%arg12 : memref<80xi32, #tpu.memory_space<vmem>>)
      %scan3A_75 = arith.constant 0 : i32
      %scan3A_76 = arith.constant 20 : i32
      %scan3A_77 = arith.addi %scan3A_75, %scan3A_76 : i32
      %scan3A_78 = arith.constant 1 : i32
      scf.for %scan3A_116 = %scan3A_75 to %scan3A_77 step %scan3A_78  : i32 {
        %mul3A_117 = arith.constant 1 : i32
        %mul3A_118 = arith.muli %scan3A_116, %mul3A_117 : i32
        %add3A_119 = arith.constant 0 : i32
        %add3A_120 = arith.addi %add3A_119, %mul3A_118 : i32
        %mul3A_121 = arith.constant 16 : i32
        %mul3A_122 = arith.muli %add3A_120, %mul3A_121 : i32
        %get3A = arith.index_cast %mul3A_122 : i32 to index
        %get3A_123 = tpu.vector_load %arg10[%get3A] {strides = array<i32>} : memref<320xf32, #tpu.memory_space<vmem>>, vector<16xf32>,
        %mul3A_124 = arith.constant 4 : i32
        %mul3A_125 = arith.muli %add3A_120, %mul3A_124 : i32
        %add3A_126 = arith.constant 0 : i32
        %add3A_127 = arith.addi %mul3A_125, %add3A_126 : i32
        %broadcast_in_dim3A = arith.constant 0 : i32
        %broadcast_in_dim3A_128 = vector.broadcast %broadcast_in_dim3A : i32 to vector<16xi32>
        %lt3A = arith.constant 0 : i32
        %lt3A_129 = vector.broadcast %lt3A : i32 to vector<16xi32>
        %lt3A_130 = arith.cmpi slt, %broadcast_in_dim3A_128, %lt3A_129 : vector<16xi32>
        %add3A_131 = arith.constant 16 : i32
        %add3A_132 = vector.broadcast %add3A_131 : i32 to vector<16xi32>
        %add3A_133 = arith.addi %broadcast_in_dim3A_128, %add3A_132 : vector<16xi32>
        %select_n3A = arith.select %lt3A_130, %add3A_133, %broadcast_in_dim3A_128 : vector<16xi1>, vector<16xi32>
        %reshape3A = vector.shape_cast %select_n3A : vector<16xi32> to vector<16x1xi32>
        %gather3A = vector.shape_cast %reshape3A : vector<16x1xi32> to vector<16xi32>
        %gather3A_134 = tpu.dynamic_gather %get3A_123[%gather3A] in [0] : vector<16xf32>, vector<16xi32> -> vector<16xf32>
        %get3A_135 = arith.index_cast %add3A_127 : i32 to index
        %get3A_136 = arith.constant 0 : index
        %get3A_137 = tpu.vector_load %arg8[%get3A_135, %get3A_136] {strides = array<i32>} : memref<80x128xf32, #tpu.memory_space<vmem>>, vector<16xf32>,
        %mul3A_138 = arith.mulf %get3A_137, %gather3A_134 : vector<16xf32>
        %swap3A = arith.index_cast %add3A_127 : i32 to index
        %swap3A_139 = arith.constant 0 : index
        %swap3A_140 = tpu.vector_load %arg8[%swap3A, %swap3A_139] {strides = array<i32>} : memref<80x128xf32, #tpu.memory_space<vmem>>, vector<16xf32>,
        tpu.vector_store %arg8[%swap3A, %swap3A_139], %mul3A_138 {strides = array<i32>} : memref<80x128xf32, #tpu.memory_space<vmem>>, vector<16xf32>,
        %get3A_141 = arith.index_cast %add3A_127 : i32 to index
        %get3A_142 = arith.constant 16 : index
        %get3A_143 = tpu.vector_load %arg8[%get3A_141, %get3A_142] {strides = array<i32>} : memref<80x128xf32, #tpu.memory_space<vmem>>, vector<16xf32>,
        %mul3A_144 = arith.mulf %get3A_143, %gather3A_134 : vector<16xf32>
        %swap3A_145 = arith.index_cast %add3A_127 : i32 to index
        %swap3A_146 = arith.constant 16 : index
        %swap3A_147 = tpu.vector_load %arg8[%swap3A_145, %swap3A_146] {strides = array<i32>} : memref<80x128xf32, #tpu.memory_space<vmem>>, vector<16xf32>,
        tpu.vector_store %arg8[%swap3A_145, %swap3A_146], %mul3A_144 {strides = array<i32>} : memref<80x128xf32, #tpu.memory_space<vmem>>, vector<16xf32>,
        %broadcast_in_dim3A_148 = arith.constant 1 : i32
        %broadcast_in_dim3A_149 = vector.broadcast %broadcast_in_dim3A_148 : i32 to vector<16xi32>
        %lt3A_150 = arith.constant 0 : i32
        %lt3A_151 = vector.broadcast %lt3A_150 : i32 to vector<16xi32>
        %lt3A_152 = arith.cmpi slt, %broadcast_in_dim3A_149, %lt3A_151 : vector<16xi32>
        %add3A_153 = arith.constant 16 : i32
        %add3A_154 = vector.broadcast %add3A_153 : i32 to vector<16xi32>
        %add3A_155 = arith.addi %broadcast_in_dim3A_149, %add3A_154 : vector<16xi32>
        %select_n3A_156 = arith.select %lt3A_152, %add3A_155, %broadcast_in_dim3A_149 : vector<16xi1>, vector<16xi32>
        %reshape3A_157 = vector.shape_cast %select_n3A_156 : vector<16xi32> to vector<16x1xi32>
        %gather3A_158 = vector.shape_cast %reshape3A_157 : vector<16x1xi32> to vector<16xi32>
        %gather3A_159 = tpu.dynamic_gather %get3A_123[%gather3A_158] in [0] : vector<16xf32>, vector<16xi32> -> vector<16xf32>
        %get3A_160 = arith.index_cast %add3A_127 : i32 to index
        %get3A_161 = arith.constant 32 : index
        %get3A_162 = tpu.vector_load %arg8[%get3A_160, %get3A_161] {strides = array<i32>} : memref<80x128xf32, #tpu.memory_space<vmem>>, vector<16xf32>,
        %mul3A_163 = arith.mulf %get3A_162, %gather3A_159 : vector<16xf32>
        %swap3A_164 = arith.index_cast %add3A_127 : i32 to index
        %swap3A_165 = arith.constant 32 : index
        %swap3A_166 = tpu.vector_load %arg8[%swap3A_164, %swap3A_165] {strides = array<i32>} : memref<80x128xf32, #tpu.memory_space<vmem>>, vector<16xf32>,
        tpu.vector_store %arg8[%swap3A_164, %swap3A_165], %mul3A_163 {strides = array<i32>} : memref<80x128xf32, #tpu.memory_space<vmem>>, vector<16xf32>,
        %get3A_167 = arith.index_cast %add3A_127 : i32 to index
        %get3A_168 = arith.constant 48 : index
        %get3A_169 = tpu.vector_load %arg8[%get3A_167, %get3A_168] {strides = array<i32>} : memref<80x128xf32, #tpu.memory_space<vmem>>, vector<16xf32>,
        %mul3A_170 = arith.mulf %get3A_169, %gather3A_159 : vector<16xf32>
        %swap3A_171 = arith.index_cast %add3A_127 : i32 to index
        %swap3A_172 = arith.constant 48 : index
        %swap3A_173 = tpu.vector_load %arg8[%swap3A_171, %swap3A_172] {strides = array<i32>} : memref<80x128xf32, #tpu.memory_space<vmem>>, vector<16xf32>,
        tpu.vector_store %arg8[%swap3A_171, %swap3A_172], %mul3A_170 {strides = array<i32>} : memref<80x128xf32, #tpu.memory_space<vmem>>, vector<16xf32>,
        %broadcast_in_dim3A_174 = arith.constant 2 : i32
        %broadcast_in_dim3A_175 = vector.broadcast %broadcast_in_dim3A_174 : i32 to vector<16xi32>
        %lt3A_176 = arith.constant 0 : i32
        %lt3A_177 = vector.broadcast %lt3A_176 : i32 to vector<16xi32>
        %lt3A_178 = arith.cmpi slt, %broadcast_in_dim3A_175, %lt3A_177 : vector<16xi32>
        %add3A_179 = arith.constant 16 : i32
        %add3A_180 = vector.broadcast %add3A_179 : i32 to vector<16xi32>
        %add3A_181 = arith.addi %broadcast_in_dim3A_175, %add3A_180 : vector<16xi32>
        %select_n3A_182 = arith.select %lt3A_178, %add3A_181, %broadcast_in_dim3A_175 : vector<16xi1>, vector<16xi32>
        %reshape3A_183 = vector.shape_cast %select_n3A_182 : vector<16xi32> to vector<16x1xi32>
        %gather3A_184 = vector.shape_cast %reshape3A_183 : vector<16x1xi32> to vector<16xi32>
        %gather3A_185 = tpu.dynamic_gather %get3A_123[%gather3A_184] in [0] : vector<16xf32>, vector<16xi32> -> vector<16xf32>
        %get3A_186 = arith.index_cast %add3A_127 : i32 to index
        %get3A_187 = arith.constant 64 : index
        %get3A_188 = tpu.vector_load %arg8[%get3A_186, %get3A_187] {strides = array<i32>} : memref<80x128xf32, #tpu.memory_space<vmem>>, vector<16xf32>,
        %mul3A_189 = arith.mulf %get3A_188, %gather3A_185 : vector<16xf32>
        %swap3A_190 = arith.index_cast %add3A_127 : i32 to index
        %swap3A_191 = arith.constant 64 : index
        %swap3A_192 = tpu.vector_load %arg8[%swap3A_190, %swap3A_191] {strides = array<i32>} : memref<80x128xf32, #tpu.memory_space<vmem>>, vector<16xf32>,
        tpu.vector_store %arg8[%swap3A_190, %swap3A_191], %mul3A_189 {strides = array<i32>} : memref<80x128xf32, #tpu.memory_space<vmem>>, vector<16xf32>,
        %get3A_193 = arith.index_cast %add3A_127 : i32 to index
        %get3A_194 = arith.constant 80 : index
        %get3A_195 = tpu.vector_load %arg8[%get3A_193, %get3A_194] {strides = array<i32>} : memref<80x128xf32, #tpu.memory_space<vmem>>, vector<16xf32>,
        %mul3A_196 = arith.mulf %get3A_195, %gather3A_185 : vector<16xf32>
        %swap3A_197 = arith.index_cast %add3A_127 : i32 to index
        %swap3A_198 = arith.constant 80 : index
        %swap3A_199 = tpu.vector_load %arg8[%swap3A_197, %swap3A_198] {strides = array<i32>} : memref<80x128xf32, #tpu.memory_space<vmem>>, vector<16xf32>,
        tpu.vector_store %arg8[%swap3A_197, %swap3A_198], %mul3A_196 {strides = array<i32>} : memref<80x128xf32, #tpu.memory_space<vmem>>, vector<16xf32>,
        %broadcast_in_dim3A_200 = arith.constant 3 : i32
        %broadcast_in_dim3A_201 = vector.broadcast %broadcast_in_dim3A_200 : i32 to vector<16xi32>
        %lt3A_202 = arith.constant 0 : i32
        %lt3A_203 = vector.broadcast %lt3A_202 : i32 to vector<16xi32>
        %lt3A_204 = arith.cmpi slt, %broadcast_in_dim3A_201, %lt3A_203 : vector<16xi32>
        %add3A_205 = arith.constant 16 : i32
        %add3A_206 = vector.broadcast %add3A_205 : i32 to vector<16xi32>
        %add3A_207 = arith.addi %broadcast_in_dim3A_201, %add3A_206 : vector<16xi32>
        %select_n3A_208 = arith.select %lt3A_204, %add3A_207, %broadcast_in_dim3A_201 : vector<16xi1>, vector<16xi32>
        %reshape3A_209 = vector.shape_cast %select_n3A_208 : vector<16xi32> to vector<16x1xi32>
        %gather3A_210 = vector.shape_cast %reshape3A_209 : vector<16x1xi32> to vector<16xi32>
        %gather3A_211 = tpu.dynamic_gather %get3A_123[%gather3A_210] in [0] : vector<16xf32>, vector<16xi32> -> vector<16xf32>
        %get3A_212 = arith.index_cast %add3A_127 : i32 to index
        %get3A_213 = arith.constant 96 : index
        %get3A_214 = tpu.vector_load %arg8[%get3A_212, %get3A_213] {strides = array<i32>} : memref<80x128xf32, #tpu.memory_space<vmem>>, vector<16xf32>,
        %mul3A_215 = arith.mulf %get3A_214, %gather3A_211 : vector<16xf32>
        %swap3A_216 = arith.index_cast %add3A_127 : i32 to index
        %swap3A_217 = arith.constant 96 : index
        %swap3A_218 = tpu.vector_load %arg8[%swap3A_216, %swap3A_217] {strides = array<i32>} : memref<80x128xf32, #tpu.memory_space<vmem>>, vector<16xf32>,
        tpu.vector_store %arg8[%swap3A_216, %swap3A_217], %mul3A_215 {strides = array<i32>} : memref<80x128xf32, #tpu.memory_space<vmem>>, vector<16xf32>,
        %get3A_219 = arith.index_cast %add3A_127 : i32 to index
        %get3A_220 = arith.constant 112 : index
        %get3A_221 = tpu.vector_load %arg8[%get3A_219, %get3A_220] {strides = array<i32>} : memref<80x128xf32, #tpu.memory_space<vmem>>, vector<16xf32>,
        %mul3A_222 = arith.mulf %get3A_221, %gather3A_211 : vector<16xf32>
        %swap3A_223 = arith.index_cast %add3A_127 : i32 to index
        %swap3A_224 = arith.constant 112 : index
        %swap3A_225 = tpu.vector_load %arg8[%swap3A_223, %swap3A_224] {strides = array<i32>} : memref<80x128xf32, #tpu.memory_space<vmem>>, vector<16xf32>,
        tpu.vector_store %arg8[%swap3A_223, %swap3A_224], %mul3A_222 {strides = array<i32>} : memref<80x128xf32, #tpu.memory_space<vmem>>, vector<16xf32>,
        %mul3A_226 = arith.constant 4 : i32
        %mul3A_227 = arith.muli %add3A_120, %mul3A_226 : i32
        %add3A_228 = arith.constant 1 : i32
        %add3A_229 = arith.addi %mul3A_227, %add3A_228 : i32
        %broadcast_in_dim3A_230 = arith.constant 4 : i32
        %broadcast_in_dim3A_231 = vector.broadcast %broadcast_in_dim3A_230 : i32 to vector<16xi32>
        %lt3A_232 = arith.constant 0 : i32
        %lt3A_233 = vector.broadcast %lt3A_232 : i32 to vector<16xi32>
        %lt3A_234 = arith.cmpi slt, %broadcast_in_dim3A_231, %lt3A_233 : vector<16xi32>
        %add3A_235 = arith.constant 16 : i32
        %add3A_236 = vector.broadcast %add3A_235 : i32 to vector<16xi32>
        %add3A_237 = arith.addi %broadcast_in_dim3A_231, %add3A_236 : vector<16xi32>
        %select_n3A_238 = arith.select %lt3A_234, %add3A_237, %broadcast_in_dim3A_231 : vector<16xi1>, vector<16xi32>
        %reshape3A_239 = vector.shape_cast %select_n3A_238 : vector<16xi32> to vector<16x1xi32>
        %gather3A_240 = vector.shape_cast %reshape3A_239 : vector<16x1xi32> to vector<16xi32>
        %gather3A_241 = tpu.dynamic_gather %get3A_123[%gather3A_240] in [0] : vector<16xf32>, vector<16xi32> -> vector<16xf32>
        %get3A_242 = arith.index_cast %add3A_229 : i32 to index
        %get3A_243 = arith.constant 0 : index
        %get3A_244 = tpu.vector_load %arg8[%get3A_242, %get3A_243] {strides = array<i32>} : memref<80x128xf32, #tpu.memory_space<vmem>>, vector<16xf32>,
        %mul3A_245 = arith.mulf %get3A_244, %gather3A_241 : vector<16xf32>
        %swap3A_246 = arith.index_cast %add3A_229 : i32 to index
        %swap3A_247 = arith.constant 0 : index
        %swap3A_248 = tpu.vector_load %arg8[%swap3A_246, %swap3A_247] {strides = array<i32>} : memref<80x128xf32, #tpu.memory_space<vmem>>, vector<16xf32>,
        tpu.vector_store %arg8[%swap3A_246, %swap3A_247], %mul3A_245 {strides = array<i32>} : memref<80x128xf32, #tpu.memory_space<vmem>>, vector<16xf32>,
        %get3A_249 = arith.index_cast %add3A_229 : i32 to index
        %get3A_250 = arith.constant 16 : index
        %get3A_251 = tpu.vector_load %arg8[%get3A_249, %get3A_250] {strides = array<i32>} : memref<80x128xf32, #tpu.memory_space<vmem>>, vector<16xf32>,
        %mul3A_252 = arith.mulf %get3A_251, %gather3A_241 : vector<16xf32>
        %swap3A_253 = arith.index_cast %add3A_229 : i32 to index
        %swap3A_254 = arith.constant 16 : index
        %swap3A_255 = tpu.vector_load %arg8[%swap3A_253, %swap3A_254] {strides = array<i32>} : memref<80x128xf32, #tpu.memory_space<vmem>>, vector<16xf32>,
        tpu.vector_store %arg8[%swap3A_253, %swap3A_254], %mul3A_252 {strides = array<i32>} : memref<80x128xf32, #tpu.memory_space<vmem>>, vector<16xf32>,
        %broadcast_in_dim3A_256 = arith.constant 5 : i32
        %broadcast_in_dim3A_257 = vector.broadcast %broadcast_in_dim3A_256 : i32 to vector<16xi32>
        %lt3A_258 = arith.constant 0 : i32
        %lt3A_259 = vector.broadcast %lt3A_258 : i32 to vector<16xi32>
        %lt3A_260 = arith.cmpi slt, %broadcast_in_dim3A_257, %lt3A_259 : vector<16xi32>
        %add3A_261 = arith.constant 16 : i32
        %add3A_262 = vector.broadcast %add3A_261 : i32 to vector<16xi32>
        %add3A_263 = arith.addi %broadcast_in_dim3A_257, %add3A_262 : vector<16xi32>
        %select_n3A_264 = arith.select %lt3A_260, %add3A_263, %broadcast_in_dim3A_257 : vector<16xi1>, vector<16xi32>
        %reshape3A_265 = vector.shape_cast %select_n3A_264 : vector<16xi32> to vector<16x1xi32>
        %gather3A_266 = vector.shape_cast %reshape3A_265 : vector<16x1xi32> to vector<16xi32>
        %gather3A_267 = tpu.dynamic_gather %get3A_123[%gather3A_266] in [0] : vector<16xf32>, vector<16xi32> -> vector<16xf32>
        %get3A_268 = arith.index_cast %add3A_229 : i32 to index
        %get3A_269 = arith.constant 32 : index
        %get3A_270 = tpu.vector_load %arg8[%get3A_268, %get3A_269] {strides = array<i32>} : memref<80x128xf32, #tpu.memory_space<vmem>>, vector<16xf32>,
        %mul3A_271 = arith.mulf %get3A_270, %gather3A_267 : vector<16xf32>
        %swap3A_272 = arith.index_cast %add3A_229 : i32 to index
        %swap3A_273 = arith.constant 32 : index
        %swap3A_274 = tpu.vector_load %arg8[%swap3A_272, %swap3A_273] {strides = array<i32>} : memref<80x128xf32, #tpu.memory_space<vmem>>, vector<16xf32>,
        tpu.vector_store %arg8[%swap3A_272, %swap3A_273], %mul3A_271 {strides = array<i32>} : memref<80x128xf32, #tpu.memory_space<vmem>>, vector<16xf32>,
        %get3A_275 = arith.index_cast %add3A_229 : i32 to index
        %get3A_276 = arith.constant 48 : index
        %get3A_277 = tpu.vector_load %arg8[%get3A_275, %get3A_276] {strides = array<i32>} : memref<80x128xf32, #tpu.memory_space<vmem>>, vector<16xf32>,
        %mul3A_278 = arith.mulf %get3A_277, %gather3A_267 : vector<16xf32>
        %swap3A_279 = arith.index_cast %add3A_229 : i32 to index
        %swap3A_280 = arith.constant 48 : index
        %swap3A_281 = tpu.vector_load %arg8[%swap3A_279, %swap3A_280] {strides = array<i32>} : memref<80x128xf32, #tpu.memory_space<vmem>>, vector<16xf32>,
        tpu.vector_store %arg8[%swap3A_279, %swap3A_280], %mul3A_278 {strides = array<i32>} : memref<80x128xf32, #tpu.memory_space<vmem>>, vector<16xf32>,
        %broadcast_in_dim3A_282 = arith.constant 6 : i32
        %broadcast_in_dim3A_283 = vector.broadcast %broadcast_in_dim3A_282 : i32 to vector<16xi32>
        %lt3A_284 = arith.constant 0 : i32
        %lt3A_285 = vector.broadcast %lt3A_284 : i32 to vector<16xi32>
        %lt3A_286 = arith.cmpi slt, %broadcast_in_dim3A_283, %lt3A_285 : vector<16xi32>
        %add3A_287 = arith.constant 16 : i32
        %add3A_288 = vector.broadcast %add3A_287 : i32 to vector<16xi32>
        %add3A_289 = arith.addi %broadcast_in_dim3A_283, %add3A_288 : vector<16xi32>
        %select_n3A_290 = arith.select %lt3A_286, %add3A_289, %broadcast_in_dim3A_283 : vector<16xi1>, vector<16xi32>
        %reshape3A_291 = vector.shape_cast %select_n3A_290 : vector<16xi32> to vector<16x1xi32>
        %gather3A_292 = vector.shape_cast %reshape3A_291 : vector<16x1xi32> to vector<16xi32>
        %gather3A_293 = tpu.dynamic_gather %get3A_123[%gather3A_292] in [0] : vector<16xf32>, vector<16xi32> -> vector<16xf32>
        %get3A_294 = arith.index_cast %add3A_229 : i32 to index
        %get3A_295 = arith.constant 64 : index
        %get3A_296 = tpu.vector_load %arg8[%get3A_294, %get3A_295] {strides = array<i32>} : memref<80x128xf32, #tpu.memory_space<vmem>>, vector<16xf32>,
        %mul3A_297 = arith.mulf %get3A_296, %gather3A_293 : vector<16xf32>
        %swap3A_298 = arith.index_cast %add3A_229 : i32 to index
        %swap3A_299 = arith.constant 64 : index
        %swap3A_300 = tpu.vector_load %arg8[%swap3A_298, %swap3A_299] {strides = array<i32>} : memref<80x128xf32, #tpu.memory_space<vmem>>, vector<16xf32>,
        tpu.vector_store %arg8[%swap3A_298, %swap3A_299], %mul3A_297 {strides = array<i32>} : memref<80x128xf32, #tpu.memory_space<vmem>>, vector<16xf32>,
        %get3A_301 = arith.index_cast %add3A_229 : i32 to index
        %get3A_302 = arith.constant 80 : index
        %get3A_303 = tpu.vector_load %arg8[%get3A_301, %get3A_302] {strides = array<i32>} : memref<80x128xf32, #tpu.memory_space<vmem>>, vector<16xf32>,
        %mul3A_304 = arith.mulf %get3A_303, %gather3A_293 : vector<16xf32>
        %swap3A_305 = arith.index_cast %add3A_229 : i32 to index
        %swap3A_306 = arith.constant 80 : index
        %swap3A_307 = tpu.vector_load %arg8[%swap3A_305, %swap3A_306] {strides = array<i32>} : memref<80x128xf32, #tpu.memory_space<vmem>>, vector<16xf32>,
        tpu.vector_store %arg8[%swap3A_305, %swap3A_306], %mul3A_304 {strides = array<i32>} : memref<80x128xf32, #tpu.memory_space<vmem>>, vector<16xf32>,
        %broadcast_in_dim3A_308 = arith.constant 7 : i32
        %broadcast_in_dim3A_309 = vector.broadcast %broadcast_in_dim3A_308 : i32 to vector<16xi32>
        %lt3A_310 = arith.constant 0 : i32
        %lt3A_311 = vector.broadcast %lt3A_310 : i32 to vector<16xi32>
        %lt3A_312 = arith.cmpi slt, %broadcast_in_dim3A_309, %lt3A_311 : vector<16xi32>
        %add3A_313 = arith.constant 16 : i32
        %add3A_314 = vector.broadcast %add3A_313 : i32 to vector<16xi32>
        %add3A_315 = arith.addi %broadcast_in_dim3A_309, %add3A_314 : vector<16xi32>
        %select_n3A_316 = arith.select %lt3A_312, %add3A_315, %broadcast_in_dim3A_309 : vector<16xi1>, vector<16xi32>
        %reshape3A_317 = vector.shape_cast %select_n3A_316 : vector<16xi32> to vector<16x1xi32>
        %gather3A_318 = vector.shape_cast %reshape3A_317 : vector<16x1xi32> to vector<16xi32>
        %gather3A_319 = tpu.dynamic_gather %get3A_123[%gather3A_318] in [0] : vector<16xf32>, vector<16xi32> -> vector<16xf32>
        %get3A_320 = arith.index_cast %add3A_229 : i32 to index
        %get3A_321 = arith.constant 96 : index
        %get3A_322 = tpu.vector_load %arg8[%get3A_320, %get3A_321] {strides = array<i32>} : memref<80x128xf32, #tpu.memory_space<vmem>>, vector<16xf32>,
        %mul3A_323 = arith.mulf %get3A_322, %gather3A_319 : vector<16xf32>
        %swap3A_324 = arith.index_cast %add3A_229 : i32 to index
        %swap3A_325 = arith.constant 96 : index
        %swap3A_326 = tpu.vector_load %arg8[%swap3A_324, %swap3A_325] {strides = array<i32>} : memref<80x128xf32, #tpu.memory_space<vmem>>, vector<16xf32>,
        tpu.vector_store %arg8[%swap3A_324, %swap3A_325], %mul3A_323 {strides = array<i32>} : memref<80x128xf32, #tpu.memory_space<vmem>>, vector<16xf32>,
        %get3A_327 = arith.index_cast %add3A_229 : i32 to index
        %get3A_328 = arith.constant 112 : index
        %get3A_329 = tpu.vector_load %arg8[%get3A_327, %get3A_328] {strides = array<i32>} : memref<80x128xf32, #tpu.memory_space<vmem>>, vector<16xf32>,
        %mul3A_330 = arith.mulf %get3A_329, %gather3A_319 : vector<16xf32>
        %swap3A_331 = arith.index_cast %add3A_229 : i32 to index
        %swap3A_332 = arith.constant 112 : index
        %swap3A_333 = tpu.vector_load %arg8[%swap3A_331, %swap3A_332] {strides = array<i32>} : memref<80x128xf32, #tpu.memory_space<vmem>>, vector<16xf32>,
        tpu.vector_store %arg8[%swap3A_331, %swap3A_332], %mul3A_330 {strides = array<i32>} : memref<80x128xf32, #tpu.memory_space<vmem>>, vector<16xf32>,
        %mul3A_334 = arith.constant 4 : i32
        %mul3A_335 = arith.muli %add3A_120, %mul3A_334 : i32
        %add3A_336 = arith.constant 2 : i32
        %add3A_337 = arith.addi %mul3A_335, %add3A_336 : i32
        %broadcast_in_dim3A_338 = arith.constant 8 : i32
        %broadcast_in_dim3A_339 = vector.broadcast %broadcast_in_dim3A_338 : i32 to vector<16xi32>
        %lt3A_340 = arith.constant 0 : i32
        %lt3A_341 = vector.broadcast %lt3A_340 : i32 to vector<16xi32>
        %lt3A_342 = arith.cmpi slt, %broadcast_in_dim3A_339, %lt3A_341 : vector<16xi32>
        %add3A_343 = arith.constant 16 : i32
        %add3A_344 = vector.broadcast %add3A_343 : i32 to vector<16xi32>
        %add3A_345 = arith.addi %broadcast_in_dim3A_339, %add3A_344 : vector<16xi32>
        %select_n3A_346 = arith.select %lt3A_342, %add3A_345, %broadcast_in_dim3A_339 : vector<16xi1>, vector<16xi32>
        %reshape3A_347 = vector.shape_cast %select_n3A_346 : vector<16xi32> to vector<16x1xi32>
        %gather3A_348 = vector.shape_cast %reshape3A_347 : vector<16x1xi32> to vector<16xi32>
        %gather3A_349 = tpu.dynamic_gather %get3A_123[%gather3A_348] in [0] : vector<16xf32>, vector<16xi32> -> vector<16xf32>
        %get3A_350 = arith.index_cast %add3A_337 : i32 to index
        %get3A_351 = arith.constant 0 : index
        %get3A_352 = tpu.vector_load %arg8[%get3A_350, %get3A_351] {strides = array<i32>} : memref<80x128xf32, #tpu.memory_space<vmem>>, vector<16xf32>,
        %mul3A_353 = arith.mulf %get3A_352, %gather3A_349 : vector<16xf32>
        %swap3A_354 = arith.index_cast %add3A_337 : i32 to index
        %swap3A_355 = arith.constant 0 : index
        %swap3A_356 = tpu.vector_load %arg8[%swap3A_354, %swap3A_355] {strides = array<i32>} : memref<80x128xf32, #tpu.memory_space<vmem>>, vector<16xf32>,
        tpu.vector_store %arg8[%swap3A_354, %swap3A_355], %mul3A_353 {strides = array<i32>} : memref<80x128xf32, #tpu.memory_space<vmem>>, vector<16xf32>,
        %get3A_357 = arith.index_cast %add3A_337 : i32 to index
        %get3A_358 = arith.constant 16 : index
        %get3A_359 = tpu.vector_load %arg8[%get3A_357, %get3A_358] {strides = array<i32>} : memref<80x128xf32, #tpu.memory_space<vmem>>, vector<16xf32>,
        %mul3A_360 = arith.mulf %get3A_359, %gather3A_349 : vector<16xf32>
        %swap3A_361 = arith.index_cast %add3A_337 : i32 to index
        %swap3A_362 = arith.constant 16 : index
        %swap3A_363 = tpu.vector_load %arg8[%swap3A_361, %swap3A_362] {strides = array<i32>} : memref<80x128xf32, #tpu.memory_space<vmem>>, vector<16xf32>,
        tpu.vector_store %arg8[%swap3A_361, %swap3A_362], %mul3A_360 {strides = array<i32>} : memref<80x128xf32, #tpu.memory_space<vmem>>, vector<16xf32>,
        %broadcast_in_dim3A_364 = arith.constant 9 : i32
        %broadcast_in_dim3A_365 = vector.broadcast %broadcast_in_dim3A_364 : i32 to vector<16xi32>
        %lt3A_366 = arith.constant 0 : i32
        %lt3A_367 = vector.broadcast %lt3A_366 : i32 to vector<16xi32>
        %lt3A_368 = arith.cmpi slt, %broadcast_in_dim3A_365, %lt3A_367 : vector<16xi32>
        %add3A_369 = arith.constant 16 : i32
        %add3A_370 = vector.broadcast %add3A_369 : i32 to vector<16xi32>
        %add3A_371 = arith.addi %broadcast_in_dim3A_365, %add3A_370 : vector<16xi32>
        %select_n3A_372 = arith.select %lt3A_368, %add3A_371, %broadcast_in_dim3A_365 : vector<16xi1>, vector<16xi32>
        %reshape3A_373 = vector.shape_cast %select_n3A_372 : vector<16xi32> to vector<16x1xi32>
        %gather3A_374 = vector.shape_cast %reshape3A_373 : vector<16x1xi32> to vector<16xi32>
        %gather3A_375 = tpu.dynamic_gather %get3A_123[%gather3A_374] in [0] : vector<16xf32>, vector<16xi32> -> vector<16xf32>
        %get3A_376 = arith.index_cast %add3A_337 : i32 to index
        %get3A_377 = arith.constant 32 : index
        %get3A_378 = tpu.vector_load %arg8[%get3A_376, %get3A_377] {strides = array<i32>} : memref<80x128xf32, #tpu.memory_space<vmem>>, vector<16xf32>,
        %mul3A_379 = arith.mulf %get3A_378, %gather3A_375 : vector<16xf32>
        %swap3A_380 = arith.index_cast %add3A_337 : i32 to index
        %swap3A_381 = arith.constant 32 : index
        %swap3A_382 = tpu.vector_load %arg8[%swap3A_380, %swap3A_381] {strides = array<i32>} : memref<80x128xf32, #tpu.memory_space<vmem>>, vector<16xf32>,
        tpu.vector_store %arg8[%swap3A_380, %swap3A_381], %mul3A_379 {strides = array<i32>} : memref<80x128xf32, #tpu.memory_space<vmem>>, vector<16xf32>,
        %get3A_383 = arith.index_cast %add3A_337 : i32 to index
        %get3A_384 = arith.constant 48 : index
        %get3A_385 = tpu.vector_load %arg8[%get3A_383, %get3A_384] {strides = array<i32>} : memref<80x128xf32, #tpu.memory_space<vmem>>, vector<16xf32>,
        %mul3A_386 = arith.mulf %get3A_385, %gather3A_375 : vector<16xf32>
        %swap3A_387 = arith.index_cast %add3A_337 : i32 to index
        %swap3A_388 = arith.constant 48 : index
        %swap3A_389 = tpu.vector_load %arg8[%swap3A_387, %swap3A_388] {strides = array<i32>} : memref<80x128xf32, #tpu.memory_space<vmem>>, vector<16xf32>,
        tpu.vector_store %arg8[%swap3A_387, %swap3A_388], %mul3A_386 {strides = array<i32>} : memref<80x128xf32, #tpu.memory_space<vmem>>, vector<16xf32>,
        %broadcast_in_dim3A_390 = arith.constant 10 : i32
        %broadcast_in_dim3A_391 = vector.broadcast %broadcast_in_dim3A_390 : i32 to vector<16xi32>
        %lt3A_392 = arith.constant 0 : i32
        %lt3A_393 = vector.broadcast %lt3A_392 : i32 to vector<16xi32>
        %lt3A_394 = arith.cmpi slt, %broadcast_in_dim3A_391, %lt3A_393 : vector<16xi32>
        %add3A_395 = arith.constant 16 : i32
        %add3A_396 = vector.broadcast %add3A_395 : i32 to vector<16xi32>
        %add3A_397 = arith.addi %broadcast_in_dim3A_391, %add3A_396 : vector<16xi32>
        %select_n3A_398 = arith.select %lt3A_394, %add3A_397, %broadcast_in_dim3A_391 : vector<16xi1>, vector<16xi32>
        %reshape3A_399 = vector.shape_cast %select_n3A_398 : vector<16xi32> to vector<16x1xi32>
        %gather3A_400 = vector.shape_cast %reshape3A_399 : vector<16x1xi32> to vector<16xi32>
        %gather3A_401 = tpu.dynamic_gather %get3A_123[%gather3A_400] in [0] : vector<16xf32>, vector<16xi32> -> vector<16xf32>
        %get3A_402 = arith.index_cast %add3A_337 : i32 to index
        %get3A_403 = arith.constant 64 : index
        %get3A_404 = tpu.vector_load %arg8[%get3A_402, %get3A_403] {strides = array<i32>} : memref<80x128xf32, #tpu.memory_space<vmem>>, vector<16xf32>,
        %mul3A_405 = arith.mulf %get3A_404, %gather3A_401 : vector<16xf32>
        %swap3A_406 = arith.index_cast %add3A_337 : i32 to index
        %swap3A_407 = arith.constant 64 : index
        %swap3A_408 = tpu.vector_load %arg8[%swap3A_406, %swap3A_407] {strides = array<i32>} : memref<80x128xf32, #tpu.memory_space<vmem>>, vector<16xf32>,
        tpu.vector_store %arg8[%swap3A_406, %swap3A_407], %mul3A_405 {strides = array<i32>} : memref<80x128xf32, #tpu.memory_space<vmem>>, vector<16xf32>,
        %get3A_409 = arith.index_cast %add3A_337 : i32 to index
        %get3A_410 = arith.constant 80 : index
        %get3A_411 = tpu.vector_load %arg8[%get3A_409, %get3A_410] {strides = array<i32>} : memref<80x128xf32, #tpu.memory_space<vmem>>, vector<16xf32>,
        %mul3A_412 = arith.mulf %get3A_411, %gather3A_401 : vector<16xf32>
        %swap3A_413 = arith.index_cast %add3A_337 : i32 to index
        %swap3A_414 = arith.constant 80 : index
        %swap3A_415 = tpu.vector_load %arg8[%swap3A_413, %swap3A_414] {strides = array<i32>} : memref<80x128xf32, #tpu.memory_space<vmem>>, vector<16xf32>,
        tpu.vector_store %arg8[%swap3A_413, %swap3A_414], %mul3A_412 {strides = array<i32>} : memref<80x128xf32, #tpu.memory_space<vmem>>, vector<16xf32>,
        %broadcast_in_dim3A_416 = arith.constant 11 : i32
        %broadcast_in_dim3A_417 = vector.broadcast %broadcast_in_dim3A_416 : i32 to vector<16xi32>
        %lt3A_418 = arith.constant 0 : i32
        %lt3A_419 = vector.broadcast %lt3A_418 : i32 to vector<16xi32>
        %lt3A_420 = arith.cmpi slt, %broadcast_in_dim3A_417, %lt3A_419 : vector<16xi32>
        %add3A_421 = arith.constant 16 : i32
        %add3A_422 = vector.broadcast %add3A_421 : i32 to vector<16xi32>
        %add3A_423 = arith.addi %broadcast_in_dim3A_417, %add3A_422 : vector<16xi32>
        %select_n3A_424 = arith.select %lt3A_420, %add3A_423, %broadcast_in_dim3A_417 : vector<16xi1>, vector<16xi32>
        %reshape3A_425 = vector.shape_cast %select_n3A_424 : vector<16xi32> to vector<16x1xi32>
        %gather3A_426 = vector.shape_cast %reshape3A_425 : vector<16x1xi32> to vector<16xi32>
        %gather3A_427 = tpu.dynamic_gather %get3A_123[%gather3A_426] in [0] : vector<16xf32>, vector<16xi32> -> vector<16xf32>
        %get3A_428 = arith.index_cast %add3A_337 : i32 to index
        %get3A_429 = arith.constant 96 : index
        %get3A_430 = tpu.vector_load %arg8[%get3A_428, %get3A_429] {strides = array<i32>} : memref<80x128xf32, #tpu.memory_space<vmem>>, vector<16xf32>,
        %mul3A_431 = arith.mulf %get3A_430, %gather3A_427 : vector<16xf32>
        %swap3A_432 = arith.index_cast %add3A_337 : i32 to index
        %swap3A_433 = arith.constant 96 : index
        %swap3A_434 = tpu.vector_load %arg8[%swap3A_432, %swap3A_433] {strides = array<i32>} : memref<80x128xf32, #tpu.memory_space<vmem>>, vector<16xf32>,
        tpu.vector_store %arg8[%swap3A_432, %swap3A_433], %mul3A_431 {strides = array<i32>} : memref<80x128xf32, #tpu.memory_space<vmem>>, vector<16xf32>,
        %get3A_435 = arith.index_cast %add3A_337 : i32 to index
        %get3A_436 = arith.constant 112 : index
        %get3A_437 = tpu.vector_load %arg8[%get3A_435, %get3A_436] {strides = array<i32>} : memref<80x128xf32, #tpu.memory_space<vmem>>, vector<16xf32>,
        %mul3A_438 = arith.mulf %get3A_437, %gather3A_427 : vector<16xf32>
        %swap3A_439 = arith.index_cast %add3A_337 : i32 to index
        %swap3A_440 = arith.constant 112 : index
        %swap3A_441 = tpu.vector_load %arg8[%swap3A_439, %swap3A_440] {strides = array<i32>} : memref<80x128xf32, #tpu.memory_space<vmem>>, vector<16xf32>,
        tpu.vector_store %arg8[%swap3A_439, %swap3A_440], %mul3A_438 {strides = array<i32>} : memref<80x128xf32, #tpu.memory_space<vmem>>, vector<16xf32>,
        %mul3A_442 = arith.constant 4 : i32
        %mul3A_443 = arith.muli %add3A_120, %mul3A_442 : i32
        %add3A_444 = arith.constant 3 : i32
        %add3A_445 = arith.addi %mul3A_443, %add3A_444 : i32
        %broadcast_in_dim3A_446 = arith.constant 12 : i32
        %broadcast_in_dim3A_447 = vector.broadcast %broadcast_in_dim3A_446 : i32 to vector<16xi32>
        %lt3A_448 = arith.constant 0 : i32
        %lt3A_449 = vector.broadcast %lt3A_448 : i32 to vector<16xi32>
        %lt3A_450 = arith.cmpi slt, %broadcast_in_dim3A_447, %lt3A_449 : vector<16xi32>
        %add3A_451 = arith.constant 16 : i32
        %add3A_452 = vector.broadcast %add3A_451 : i32 to vector<16xi32>
        %add3A_453 = arith.addi %broadcast_in_dim3A_447, %add3A_452 : vector<16xi32>
        %select_n3A_454 = arith.select %lt3A_450, %add3A_453, %broadcast_in_dim3A_447 : vector<16xi1>, vector<16xi32>
        %reshape3A_455 = vector.shape_cast %select_n3A_454 : vector<16xi32> to vector<16x1xi32>
        %gather3A_456 = vector.shape_cast %reshape3A_455 : vector<16x1xi32> to vector<16xi32>
        %gather3A_457 = tpu.dynamic_gather %get3A_123[%gather3A_456] in [0] : vector<16xf32>, vector<16xi32> -> vector<16xf32>
        %get3A_458 = arith.index_cast %add3A_445 : i32 to index
        %get3A_459 = arith.constant 0 : index
        %get3A_460 = tpu.vector_load %arg8[%get3A_458, %get3A_459] {strides = array<i32>} : memref<80x128xf32, #tpu.memory_space<vmem>>, vector<16xf32>,
        %mul3A_461 = arith.mulf %get3A_460, %gather3A_457 : vector<16xf32>
        %swap3A_462 = arith.index_cast %add3A_445 : i32 to index
        %swap3A_463 = arith.constant 0 : index
        %swap3A_464 = tpu.vector_load %arg8[%swap3A_462, %swap3A_463] {strides = array<i32>} : memref<80x128xf32, #tpu.memory_space<vmem>>, vector<16xf32>,
        tpu.vector_store %arg8[%swap3A_462, %swap3A_463], %mul3A_461 {strides = array<i32>} : memref<80x128xf32, #tpu.memory_space<vmem>>, vector<16xf32>,
        %get3A_465 = arith.index_cast %add3A_445 : i32 to index
        %get3A_466 = arith.constant 16 : index
        %get3A_467 = tpu.vector_load %arg8[%get3A_465, %get3A_466] {strides = array<i32>} : memref<80x128xf32, #tpu.memory_space<vmem>>, vector<16xf32>,
        %mul3A_468 = arith.mulf %get3A_467, %gather3A_457 : vector<16xf32>
        %swap3A_469 = arith.index_cast %add3A_445 : i32 to index
        %swap3A_470 = arith.constant 16 : index
        %swap3A_471 = tpu.vector_load %arg8[%swap3A_469, %swap3A_470] {strides = array<i32>} : memref<80x128xf32, #tpu.memory_space<vmem>>, vector<16xf32>,
        tpu.vector_store %arg8[%swap3A_469, %swap3A_470], %mul3A_468 {strides = array<i32>} : memref<80x128xf32, #tpu.memory_space<vmem>>, vector<16xf32>,
        %broadcast_in_dim3A_472 = arith.constant 13 : i32
        %broadcast_in_dim3A_473 = vector.broadcast %broadcast_in_dim3A_472 : i32 to vector<16xi32>
        %lt3A_474 = arith.constant 0 : i32
        %lt3A_475 = vector.broadcast %lt3A_474 : i32 to vector<16xi32>
        %lt3A_476 = arith.cmpi slt, %broadcast_in_dim3A_473, %lt3A_475 : vector<16xi32>
        %add3A_477 = arith.constant 16 : i32
        %add3A_478 = vector.broadcast %add3A_477 : i32 to vector<16xi32>
        %add3A_479 = arith.addi %broadcast_in_dim3A_473, %add3A_478 : vector<16xi32>
        %select_n3A_480 = arith.select %lt3A_476, %add3A_479, %broadcast_in_dim3A_473 : vector<16xi1>, vector<16xi32>
        %reshape3A_481 = vector.shape_cast %select_n3A_480 : vector<16xi32> to vector<16x1xi32>
        %gather3A_482 = vector.shape_cast %reshape3A_481 : vector<16x1xi32> to vector<16xi32>
        %gather3A_483 = tpu.dynamic_gather %get3A_123[%gather3A_482] in [0] : vector<16xf32>, vector<16xi32> -> vector<16xf32>
        %get3A_484 = arith.index_cast %add3A_445 : i32 to index
        %get3A_485 = arith.constant 32 : index
        %get3A_486 = tpu.vector_load %arg8[%get3A_484, %get3A_485] {strides = array<i32>} : memref<80x128xf32, #tpu.memory_space<vmem>>, vector<16xf32>,
        %mul3A_487 = arith.mulf %get3A_486, %gather3A_483 : vector<16xf32>
        %swap3A_488 = arith.index_cast %add3A_445 : i32 to index
        %swap3A_489 = arith.constant 32 : index
        %swap3A_490 = tpu.vector_load %arg8[%swap3A_488, %swap3A_489] {strides = array<i32>} : memref<80x128xf32, #tpu.memory_space<vmem>>, vector<16xf32>,
        tpu.vector_store %arg8[%swap3A_488, %swap3A_489], %mul3A_487 {strides = array<i32>} : memref<80x128xf32, #tpu.memory_space<vmem>>, vector<16xf32>,
        %get3A_491 = arith.index_cast %add3A_445 : i32 to index
        %get3A_492 = arith.constant 48 : index
        %get3A_493 = tpu.vector_load %arg8[%get3A_491, %get3A_492] {strides = array<i32>} : memref<80x128xf32, #tpu.memory_space<vmem>>, vector<16xf32>,
        %mul3A_494 = arith.mulf %get3A_493, %gather3A_483 : vector<16xf32>
        %swap3A_495 = arith.index_cast %add3A_445 : i32 to index
        %swap3A_496 = arith.constant 48 : index
        %swap3A_497 = tpu.vector_load %arg8[%swap3A_495, %swap3A_496] {strides = array<i32>} : memref<80x128xf32, #tpu.memory_space<vmem>>, vector<16xf32>,
        tpu.vector_store %arg8[%swap3A_495, %swap3A_496], %mul3A_494 {strides = array<i32>} : memref<80x128xf32, #tpu.memory_space<vmem>>, vector<16xf32>,
        %broadcast_in_dim3A_498 = arith.constant 14 : i32
        %broadcast_in_dim3A_499 = vector.broadcast %broadcast_in_dim3A_498 : i32 to vector<16xi32>
        %lt3A_500 = arith.constant 0 : i32
        %lt3A_501 = vector.broadcast %lt3A_500 : i32 to vector<16xi32>
        %lt3A_502 = arith.cmpi slt, %broadcast_in_dim3A_499, %lt3A_501 : vector<16xi32>
        %add3A_503 = arith.constant 16 : i32
        %add3A_504 = vector.broadcast %add3A_503 : i32 to vector<16xi32>
        %add3A_505 = arith.addi %broadcast_in_dim3A_499, %add3A_504 : vector<16xi32>
        %select_n3A_506 = arith.select %lt3A_502, %add3A_505, %broadcast_in_dim3A_499 : vector<16xi1>, vector<16xi32>
        %reshape3A_507 = vector.shape_cast %select_n3A_506 : vector<16xi32> to vector<16x1xi32>
        %gather3A_508 = vector.shape_cast %reshape3A_507 : vector<16x1xi32> to vector<16xi32>
        %gather3A_509 = tpu.dynamic_gather %get3A_123[%gather3A_508] in [0] : vector<16xf32>, vector<16xi32> -> vector<16xf32>
        %get3A_510 = arith.index_cast %add3A_445 : i32 to index
        %get3A_511 = arith.constant 64 : index
        %get3A_512 = tpu.vector_load %arg8[%get3A_510, %get3A_511] {strides = array<i32>} : memref<80x128xf32, #tpu.memory_space<vmem>>, vector<16xf32>,
        %mul3A_513 = arith.mulf %get3A_512, %gather3A_509 : vector<16xf32>
        %swap3A_514 = arith.index_cast %add3A_445 : i32 to index
        %swap3A_515 = arith.constant 64 : index
        %swap3A_516 = tpu.vector_load %arg8[%swap3A_514, %swap3A_515] {strides = array<i32>} : memref<80x128xf32, #tpu.memory_space<vmem>>, vector<16xf32>,
        tpu.vector_store %arg8[%swap3A_514, %swap3A_515], %mul3A_513 {strides = array<i32>} : memref<80x128xf32, #tpu.memory_space<vmem>>, vector<16xf32>,
        %get3A_517 = arith.index_cast %add3A_445 : i32 to index
        %get3A_518 = arith.constant 80 : index
        %get3A_519 = tpu.vector_load %arg8[%get3A_517, %get3A_518] {strides = array<i32>} : memref<80x128xf32, #tpu.memory_space<vmem>>, vector<16xf32>,
        %mul3A_520 = arith.mulf %get3A_519, %gather3A_509 : vector<16xf32>
        %swap3A_521 = arith.index_cast %add3A_445 : i32 to index
        %swap3A_522 = arith.constant 80 : index
        %swap3A_523 = tpu.vector_load %arg8[%swap3A_521, %swap3A_522] {strides = array<i32>} : memref<80x128xf32, #tpu.memory_space<vmem>>, vector<16xf32>,
        tpu.vector_store %arg8[%swap3A_521, %swap3A_522], %mul3A_520 {strides = array<i32>} : memref<80x128xf32, #tpu.memory_space<vmem>>, vector<16xf32>,
        %broadcast_in_dim3A_524 = arith.constant 15 : i32
        %broadcast_in_dim3A_525 = vector.broadcast %broadcast_in_dim3A_524 : i32 to vector<16xi32>
        %lt3A_526 = arith.constant 0 : i32
        %lt3A_527 = vector.broadcast %lt3A_526 : i32 to vector<16xi32>
        %lt3A_528 = arith.cmpi slt, %broadcast_in_dim3A_525, %lt3A_527 : vector<16xi32>
        %add3A_529 = arith.constant 16 : i32
        %add3A_530 = vector.broadcast %add3A_529 : i32 to vector<16xi32>
        %add3A_531 = arith.addi %broadcast_in_dim3A_525, %add3A_530 : vector<16xi32>
        %select_n3A_532 = arith.select %lt3A_528, %add3A_531, %broadcast_in_dim3A_525 : vector<16xi1>, vector<16xi32>
        %reshape3A_533 = vector.shape_cast %select_n3A_532 : vector<16xi32> to vector<16x1xi32>
        %gather3A_534 = vector.shape_cast %reshape3A_533 : vector<16x1xi32> to vector<16xi32>
        %gather3A_535 = tpu.dynamic_gather %get3A_123[%gather3A_534] in [0] : vector<16xf32>, vector<16xi32> -> vector<16xf32>
        %get3A_536 = arith.index_cast %add3A_445 : i32 to index
        %get3A_537 = arith.constant 96 : index
        %get3A_538 = tpu.vector_load %arg8[%get3A_536, %get3A_537] {strides = array<i32>} : memref<80x128xf32, #tpu.memory_space<vmem>>, vector<16xf32>,
        %mul3A_539 = arith.mulf %get3A_538, %gather3A_535 : vector<16xf32>
        %swap3A_540 = arith.index_cast %add3A_445 : i32 to index
        %swap3A_541 = arith.constant 96 : index
        %swap3A_542 = tpu.vector_load %arg8[%swap3A_540, %swap3A_541] {strides = array<i32>} : memref<80x128xf32, #tpu.memory_space<vmem>>, vector<16xf32>,
        tpu.vector_store %arg8[%swap3A_540, %swap3A_541], %mul3A_539 {strides = array<i32>} : memref<80x128xf32, #tpu.memory_space<vmem>>, vector<16xf32>,
        %get3A_543 = arith.index_cast %add3A_445 : i32 to index
        %get3A_544 = arith.constant 112 : index
        %get3A_545 = tpu.vector_load %arg8[%get3A_543, %get3A_544] {strides = array<i32>} : memref<80x128xf32, #tpu.memory_space<vmem>>, vector<16xf32>,
        %mul3A_546 = arith.mulf %get3A_545, %gather3A_535 : vector<16xf32>
        %swap3A_547 = arith.index_cast %add3A_445 : i32 to index
        %swap3A_548 = arith.constant 112 : index
        %swap3A_549 = tpu.vector_load %arg8[%swap3A_547, %swap3A_548] {strides = array<i32>} : memref<80x128xf32, #tpu.memory_space<vmem>>, vector<16xf32>,
        tpu.vector_store %arg8[%swap3A_547, %swap3A_548], %mul3A_546 {strides = array<i32>} : memref<80x128xf32, #tpu.memory_space<vmem>>, vector<16xf32>,
      }
      %scan3A_79 = arith.constant 20 : i32
      "tpu.region"() ({
        %run_scoped3A = tpu.sem_alloc : memref<!tpu.dma_semaphore, #tpu.memory_space<semaphore_mem>>
        %dma_start3A_116 = arith.constant 0 : i32
        %dma_start3A_117 = arith.constant 0 : i32
        %dma_start3A_118 = tpu.memref_slice %arg7[%dma_start3A_116, %dma_start3A_117] : memref<10240x128xf32, #tpu.memory_space<vmem_shared>> -> memref<10240x128xf32, #tpu.memory_space<vmem_shared>>
        tpu.enqueue_indirect_dma source(%arg8 : memref<80x128xf32, #tpu.memory_space<vmem>>) target(%dma_start3A_118 : memref<10240x128xf32, #tpu.memory_space<vmem_shared>>) offsets(%arg12 : memref<80xi32, #tpu.memory_space<vmem>>) semaphore(%run_scoped3A : memref<!tpu.dma_semaphore, #tpu.memory_space<semaphore_mem>>) {add = true}
        %dma_wait3A_119 = arith.constant 0 : i32
        %dma_wait3A_120 = arith.constant 0 : i32
        %dma_wait3A_121 = tpu.memref_slice %arg7[%dma_wait3A_119, %dma_wait3A_120] : memref<10240x128xf32, #tpu.memory_space<vmem_shared>> -> memref<10240x128xf32, #tpu.memory_space<vmem_shared>>
        tpu.wait_indirect_dma semaphore(%run_scoped3A : memref<!tpu.dma_semaphore, #tpu.memory_space<semaphore_mem>>) src(%arg8 : memref<80x128xf32, #tpu.memory_space<vmem>>) dst(%dma_wait3A_121 : memref<10240x128xf32, #tpu.memory_space<vmem_shared>>)
        tpu.yield
      }) : () -> ()
      %mul3A_80 = arith.constant 2 : i32
      %mul3A_81 = arith.muli %mul3A_80, %add3A_43 : i32
      %add3A_82 = arith.constant 2 : i32
      %add3A_83 = arith.addi %mul3A_81, %add3A_82 : i32
      %mul3A_84 = arith.constant 80 : i32
      %mul3A_85 = arith.muli %add3A_83, %mul3A_84 : i32
      %add3A_86 = arith.addi %mul3A_4, %mul3A_85 : i32
      %dma_start3A_87 = arith.constant 0 : i32
      %dma_start3A_88 = tpu.memref_slice %arg2[%add3A_86, %dma_start3A_87] : memref<320000x128xf32, #tpu.memory_space<hbm>> -> memref<80x128xf32, #tpu.memory_space<hbm>>
      %dma_start3A_89 = arith.constant 0 : i32
      %dma_start3A_90 = tpu.memref_slice %arg2[%add3A_86, %dma_start3A_89] : memref<320000x128xf32, #tpu.memory_space<hbm>> -> memref<80x128xf32, #tpu.memory_space<hbm>>
      tpu.enqueue_dma source(%dma_start3A_90 : memref<80x128xf32, #tpu.memory_space<hbm>>) target(%arg8 : memref<80x128xf32, #tpu.memory_space<vmem>>) target_semaphore(%arg14 : memref<!tpu.dma_semaphore, #tpu.memory_space<semaphore_mem>>)
      %mul3A_91 = arith.constant 4 : i32
      %mul3A_92 = arith.muli %add3A_86, %mul3A_91 : i32
      %dma_start3A_93 = tpu.memref_slice %arg3[%mul3A_92] : memref<1280000xf32, #tpu.memory_space<hbm>> -> memref<320xf32, #tpu.memory_space<hbm>>
      %dma_start3A_94 = tpu.memref_slice %arg3[%mul3A_92] : memref<1280000xf32, #tpu.memory_space<hbm>> -> memref<320xf32, #tpu.memory_space<hbm>>
      tpu.enqueue_dma source(%dma_start3A_94 : memref<320xf32, #tpu.memory_space<hbm>>) target(%arg10 : memref<320xf32, #tpu.memory_space<vmem>>) target_semaphore(%arg14 : memref<!tpu.dma_semaphore, #tpu.memory_space<semaphore_mem>>)
      %dma_start3A_95 = tpu.memref_slice %arg4[%add3A_86] : memref<320000xi32, #tpu.memory_space<hbm>> -> memref<80xi32, #tpu.memory_space<hbm>>
      %dma_start3A_96 = tpu.memref_slice %arg4[%add3A_86] : memref<320000xi32, #tpu.memory_space<hbm>> -> memref<80xi32, #tpu.memory_space<hbm>>
      tpu.enqueue_dma source(%dma_start3A_96 : memref<80xi32, #tpu.memory_space<hbm>>) target(%arg12 : memref<80xi32, #tpu.memory_space<vmem>>) target_semaphore(%arg14 : memref<!tpu.dma_semaphore, #tpu.memory_space<semaphore_mem>>)
      %dma_wait3A_97 = arith.constant 0 : i32
      %dma_wait3A_98 = arith.constant 0 : i32
      %dma_wait3A_99 = tpu.memref_slice %arg2[%dma_wait3A_97, %dma_wait3A_98] : memref<320000x128xf32, #tpu.memory_space<hbm>> -> memref<80x128xf32, #tpu.memory_space<hbm>>
      %dma_wait3A_100 = arith.constant 0 : i32
      %dma_wait3A_101 = arith.constant 0 : i32
      %dma_wait3A_102 = tpu.memref_slice %arg2[%dma_wait3A_100, %dma_wait3A_101] : memref<320000x128xf32, #tpu.memory_space<hbm>> -> memref<80x128xf32, #tpu.memory_space<hbm>>
      tpu.wait_dma2 semaphore(%arg15 : memref<!tpu.dma_semaphore, #tpu.memory_space<semaphore_mem>>) src(%dma_wait3A_102 : memref<80x128xf32, #tpu.memory_space<hbm>>) dst(%arg9 : memref<80x128xf32, #tpu.memory_space<vmem>>)
      %dma_wait3A_103 = arith.constant 0 : i32
      %dma_wait3A_104 = tpu.memref_slice %arg3[%dma_wait3A_103] : memref<1280000xf32, #tpu.memory_space<hbm>> -> memref<320xf32, #tpu.memory_space<hbm>>
      %dma_wait3A_105 = arith.constant 0 : i32
      %dma_wait3A_106 = tpu.memref_slice %arg3[%dma_wait3A_105] : memref<1280000xf32, #tpu.memory_space<hbm>> -> memref<320xf32, #tpu.memory_space<hbm>>
      tpu.wait_dma2 semaphore(%arg15 : memref<!tpu.dma_semaphore, #tpu.memory_space<semaphore_mem>>) src(%dma_wait3A_106 : memref<320xf32, #tpu.memory_space<hbm>>) dst(%arg11 : memref<320xf32, #tpu.memory_space<vmem>>)
      %dma_wait3A_107 = arith.constant 0 : i32
      %dma_wait3A_108 = tpu.memref_slice %arg4[%dma_wait3A_107] : memref<320000xi32, #tpu.memory_space<hbm>> -> memref<80xi32, #tpu.memory_space<hbm>>
      %dma_wait3A_109 = arith.constant 0 : i32
      %dma_wait3A_110 = tpu.memref_slice %arg4[%dma_wait3A_109] : memref<320000xi32, #tpu.memory_space<hbm>> -> memref<80xi32, #tpu.memory_space<hbm>>
      tpu.wait_dma2 semaphore(%arg15 : memref<!tpu.dma_semaphore, #tpu.memory_space<semaphore_mem>>) src(%dma_wait3A_110 : memref<80xi32, #tpu.memory_space<hbm>>) dst(%arg13 : memref<80xi32, #tpu.memory_space<vmem>>)
      %scan3A_111 = arith.constant 0 : i32
      %scan3A_112 = arith.constant 20 : i32
      %scan3A_113 = arith.addi %scan3A_111, %scan3A_112 : i32
      %scan3A_114 = arith.constant 1 : i32
      scf.for %scan3A_116 = %scan3A_111 to %scan3A_113 step %scan3A_114  : i32 {
        %mul3A_117 = arith.constant 1 : i32
        %mul3A_118 = arith.muli %scan3A_116, %mul3A_117 : i32
        %add3A_119 = arith.constant 0 : i32
        %add3A_120 = arith.addi %add3A_119, %mul3A_118 : i32
        %mul3A_121 = arith.constant 16 : i32
        %mul3A_122 = arith.muli %add3A_120, %mul3A_121 : i32
        %get3A = arith.index_cast %mul3A_122 : i32 to index
        %get3A_123 = tpu.vector_load %arg11[%get3A] {strides = array<i32>} : memref<320xf32, #tpu.memory_space<vmem>>, vector<16xf32>,
        %mul3A_124 = arith.constant 4 : i32
        %mul3A_125 = arith.muli %add3A_120, %mul3A_124 : i32
        %add3A_126 = arith.constant 0 : i32
        %add3A_127 = arith.addi %mul3A_125, %add3A_126 : i32
        %broadcast_in_dim3A = arith.constant 0 : i32
        %broadcast_in_dim3A_128 = vector.broadcast %broadcast_in_dim3A : i32 to vector<16xi32>
        %lt3A = arith.constant 0 : i32
        %lt3A_129 = vector.broadcast %lt3A : i32 to vector<16xi32>
        %lt3A_130 = arith.cmpi slt, %broadcast_in_dim3A_128, %lt3A_129 : vector<16xi32>
        %add3A_131 = arith.constant 16 : i32
        %add3A_132 = vector.broadcast %add3A_131 : i32 to vector<16xi32>
        %add3A_133 = arith.addi %broadcast_in_dim3A_128, %add3A_132 : vector<16xi32>
        %select_n3A = arith.select %lt3A_130, %add3A_133, %broadcast_in_dim3A_128 : vector<16xi1>, vector<16xi32>
        %reshape3A = vector.shape_cast %select_n3A : vector<16xi32> to vector<16x1xi32>
        %gather3A = vector.shape_cast %reshape3A : vector<16x1xi32> to vector<16xi32>
        %gather3A_134 = tpu.dynamic_gather %get3A_123[%gather3A] in [0] : vector<16xf32>, vector<16xi32> -> vector<16xf32>
        %get3A_135 = arith.index_cast %add3A_127 : i32 to index
        %get3A_136 = arith.constant 0 : index
        %get3A_137 = tpu.vector_load %arg9[%get3A_135, %get3A_136] {strides = array<i32>} : memref<80x128xf32, #tpu.memory_space<vmem>>, vector<16xf32>,
        %mul3A_138 = arith.mulf %get3A_137, %gather3A_134 : vector<16xf32>
        %swap3A = arith.index_cast %add3A_127 : i32 to index
        %swap3A_139 = arith.constant 0 : index
        %swap3A_140 = tpu.vector_load %arg9[%swap3A, %swap3A_139] {strides = array<i32>} : memref<80x128xf32, #tpu.memory_space<vmem>>, vector<16xf32>,
        tpu.vector_store %arg9[%swap3A, %swap3A_139], %mul3A_138 {strides = array<i32>} : memref<80x128xf32, #tpu.memory_space<vmem>>, vector<16xf32>,
        %get3A_141 = arith.index_cast %add3A_127 : i32 to index
        %get3A_142 = arith.constant 16 : index
        %get3A_143 = tpu.vector_load %arg9[%get3A_141, %get3A_142] {strides = array<i32>} : memref<80x128xf32, #tpu.memory_space<vmem>>, vector<16xf32>,
        %mul3A_144 = arith.mulf %get3A_143, %gather3A_134 : vector<16xf32>
        %swap3A_145 = arith.index_cast %add3A_127 : i32 to index
        %swap3A_146 = arith.constant 16 : index
        %swap3A_147 = tpu.vector_load %arg9[%swap3A_145, %swap3A_146] {strides = array<i32>} : memref<80x128xf32, #tpu.memory_space<vmem>>, vector<16xf32>,
        tpu.vector_store %arg9[%swap3A_145, %swap3A_146], %mul3A_144 {strides = array<i32>} : memref<80x128xf32, #tpu.memory_space<vmem>>, vector<16xf32>,
        %broadcast_in_dim3A_148 = arith.constant 1 : i32
        %broadcast_in_dim3A_149 = vector.broadcast %broadcast_in_dim3A_148 : i32 to vector<16xi32>
        %lt3A_150 = arith.constant 0 : i32
        %lt3A_151 = vector.broadcast %lt3A_150 : i32 to vector<16xi32>
        %lt3A_152 = arith.cmpi slt, %broadcast_in_dim3A_149, %lt3A_151 : vector<16xi32>
        %add3A_153 = arith.constant 16 : i32
        %add3A_154 = vector.broadcast %add3A_153 : i32 to vector<16xi32>
        %add3A_155 = arith.addi %broadcast_in_dim3A_149, %add3A_154 : vector<16xi32>
        %select_n3A_156 = arith.select %lt3A_152, %add3A_155, %broadcast_in_dim3A_149 : vector<16xi1>, vector<16xi32>
        %reshape3A_157 = vector.shape_cast %select_n3A_156 : vector<16xi32> to vector<16x1xi32>
        %gather3A_158 = vector.shape_cast %reshape3A_157 : vector<16x1xi32> to vector<16xi32>
        %gather3A_159 = tpu.dynamic_gather %get3A_123[%gather3A_158] in [0] : vector<16xf32>, vector<16xi32> -> vector<16xf32>
        %get3A_160 = arith.index_cast %add3A_127 : i32 to index
        %get3A_161 = arith.constant 32 : index
        %get3A_162 = tpu.vector_load %arg9[%get3A_160, %get3A_161] {strides = array<i32>} : memref<80x128xf32, #tpu.memory_space<vmem>>, vector<16xf32>,
        %mul3A_163 = arith.mulf %get3A_162, %gather3A_159 : vector<16xf32>
        %swap3A_164 = arith.index_cast %add3A_127 : i32 to index
        %swap3A_165 = arith.constant 32 : index
        %swap3A_166 = tpu.vector_load %arg9[%swap3A_164, %swap3A_165] {strides = array<i32>} : memref<80x128xf32, #tpu.memory_space<vmem>>, vector<16xf32>,
        tpu.vector_store %arg9[%swap3A_164, %swap3A_165], %mul3A_163 {strides = array<i32>} : memref<80x128xf32, #tpu.memory_space<vmem>>, vector<16xf32>,
        %get3A_167 = arith.index_cast %add3A_127 : i32 to index
        %get3A_168 = arith.constant 48 : index
        %get3A_169 = tpu.vector_load %arg9[%get3A_167, %get3A_168] {strides = array<i32>} : memref<80x128xf32, #tpu.memory_space<vmem>>, vector<16xf32>,
        %mul3A_170 = arith.mulf %get3A_169, %gather3A_159 : vector<16xf32>
        %swap3A_171 = arith.index_cast %add3A_127 : i32 to index
        %swap3A_172 = arith.constant 48 : index
        %swap3A_173 = tpu.vector_load %arg9[%swap3A_171, %swap3A_172] {strides = array<i32>} : memref<80x128xf32, #tpu.memory_space<vmem>>, vector<16xf32>,
        tpu.vector_store %arg9[%swap3A_171, %swap3A_172], %mul3A_170 {strides = array<i32>} : memref<80x128xf32, #tpu.memory_space<vmem>>, vector<16xf32>,
        %broadcast_in_dim3A_174 = arith.constant 2 : i32
        %broadcast_in_dim3A_175 = vector.broadcast %broadcast_in_dim3A_174 : i32 to vector<16xi32>
        %lt3A_176 = arith.constant 0 : i32
        %lt3A_177 = vector.broadcast %lt3A_176 : i32 to vector<16xi32>
        %lt3A_178 = arith.cmpi slt, %broadcast_in_dim3A_175, %lt3A_177 : vector<16xi32>
        %add3A_179 = arith.constant 16 : i32
        %add3A_180 = vector.broadcast %add3A_179 : i32 to vector<16xi32>
        %add3A_181 = arith.addi %broadcast_in_dim3A_175, %add3A_180 : vector<16xi32>
        %select_n3A_182 = arith.select %lt3A_178, %add3A_181, %broadcast_in_dim3A_175 : vector<16xi1>, vector<16xi32>
        %reshape3A_183 = vector.shape_cast %select_n3A_182 : vector<16xi32> to vector<16x1xi32>
        %gather3A_184 = vector.shape_cast %reshape3A_183 : vector<16x1xi32> to vector<16xi32>
        %gather3A_185 = tpu.dynamic_gather %get3A_123[%gather3A_184] in [0] : vector<16xf32>, vector<16xi32> -> vector<16xf32>
        %get3A_186 = arith.index_cast %add3A_127 : i32 to index
        %get3A_187 = arith.constant 64 : index
        %get3A_188 = tpu.vector_load %arg9[%get3A_186, %get3A_187] {strides = array<i32>} : memref<80x128xf32, #tpu.memory_space<vmem>>, vector<16xf32>,
        %mul3A_189 = arith.mulf %get3A_188, %gather3A_185 : vector<16xf32>
        %swap3A_190 = arith.index_cast %add3A_127 : i32 to index
        %swap3A_191 = arith.constant 64 : index
        %swap3A_192 = tpu.vector_load %arg9[%swap3A_190, %swap3A_191] {strides = array<i32>} : memref<80x128xf32, #tpu.memory_space<vmem>>, vector<16xf32>,
        tpu.vector_store %arg9[%swap3A_190, %swap3A_191], %mul3A_189 {strides = array<i32>} : memref<80x128xf32, #tpu.memory_space<vmem>>, vector<16xf32>,
        %get3A_193 = arith.index_cast %add3A_127 : i32 to index
        %get3A_194 = arith.constant 80 : index
        %get3A_195 = tpu.vector_load %arg9[%get3A_193, %get3A_194] {strides = array<i32>} : memref<80x128xf32, #tpu.memory_space<vmem>>, vector<16xf32>,
        %mul3A_196 = arith.mulf %get3A_195, %gather3A_185 : vector<16xf32>
        %swap3A_197 = arith.index_cast %add3A_127 : i32 to index
        %swap3A_198 = arith.constant 80 : index
        %swap3A_199 = tpu.vector_load %arg9[%swap3A_197, %swap3A_198] {strides = array<i32>} : memref<80x128xf32, #tpu.memory_space<vmem>>, vector<16xf32>,
        tpu.vector_store %arg9[%swap3A_197, %swap3A_198], %mul3A_196 {strides = array<i32>} : memref<80x128xf32, #tpu.memory_space<vmem>>, vector<16xf32>,
        %broadcast_in_dim3A_200 = arith.constant 3 : i32
        %broadcast_in_dim3A_201 = vector.broadcast %broadcast_in_dim3A_200 : i32 to vector<16xi32>
        %lt3A_202 = arith.constant 0 : i32
        %lt3A_203 = vector.broadcast %lt3A_202 : i32 to vector<16xi32>
        %lt3A_204 = arith.cmpi slt, %broadcast_in_dim3A_201, %lt3A_203 : vector<16xi32>
        %add3A_205 = arith.constant 16 : i32
        %add3A_206 = vector.broadcast %add3A_205 : i32 to vector<16xi32>
        %add3A_207 = arith.addi %broadcast_in_dim3A_201, %add3A_206 : vector<16xi32>
        %select_n3A_208 = arith.select %lt3A_204, %add3A_207, %broadcast_in_dim3A_201 : vector<16xi1>, vector<16xi32>
        %reshape3A_209 = vector.shape_cast %select_n3A_208 : vector<16xi32> to vector<16x1xi32>
        %gather3A_210 = vector.shape_cast %reshape3A_209 : vector<16x1xi32> to vector<16xi32>
        %gather3A_211 = tpu.dynamic_gather %get3A_123[%gather3A_210] in [0] : vector<16xf32>, vector<16xi32> -> vector<16xf32>
        %get3A_212 = arith.index_cast %add3A_127 : i32 to index
        %get3A_213 = arith.constant 96 : index
        %get3A_214 = tpu.vector_load %arg9[%get3A_212, %get3A_213] {strides = array<i32>} : memref<80x128xf32, #tpu.memory_space<vmem>>, vector<16xf32>,
        %mul3A_215 = arith.mulf %get3A_214, %gather3A_211 : vector<16xf32>
        %swap3A_216 = arith.index_cast %add3A_127 : i32 to index
        %swap3A_217 = arith.constant 96 : index
        %swap3A_218 = tpu.vector_load %arg9[%swap3A_216, %swap3A_217] {strides = array<i32>} : memref<80x128xf32, #tpu.memory_space<vmem>>, vector<16xf32>,
        tpu.vector_store %arg9[%swap3A_216, %swap3A_217], %mul3A_215 {strides = array<i32>} : memref<80x128xf32, #tpu.memory_space<vmem>>, vector<16xf32>,
        %get3A_219 = arith.index_cast %add3A_127 : i32 to index
        %get3A_220 = arith.constant 112 : index
        %get3A_221 = tpu.vector_load %arg9[%get3A_219, %get3A_220] {strides = array<i32>} : memref<80x128xf32, #tpu.memory_space<vmem>>, vector<16xf32>,
        %mul3A_222 = arith.mulf %get3A_221, %gather3A_211 : vector<16xf32>
        %swap3A_223 = arith.index_cast %add3A_127 : i32 to index
        %swap3A_224 = arith.constant 112 : index
        %swap3A_225 = tpu.vector_load %arg9[%swap3A_223, %swap3A_224] {strides = array<i32>} : memref<80x128xf32, #tpu.memory_space<vmem>>, vector<16xf32>,
        tpu.vector_store %arg9[%swap3A_223, %swap3A_224], %mul3A_222 {strides = array<i32>} : memref<80x128xf32, #tpu.memory_space<vmem>>, vector<16xf32>,
        %mul3A_226 = arith.constant 4 : i32
        %mul3A_227 = arith.muli %add3A_120, %mul3A_226 : i32
        %add3A_228 = arith.constant 1 : i32
        %add3A_229 = arith.addi %mul3A_227, %add3A_228 : i32
        %broadcast_in_dim3A_230 = arith.constant 4 : i32
        %broadcast_in_dim3A_231 = vector.broadcast %broadcast_in_dim3A_230 : i32 to vector<16xi32>
        %lt3A_232 = arith.constant 0 : i32
        %lt3A_233 = vector.broadcast %lt3A_232 : i32 to vector<16xi32>
        %lt3A_234 = arith.cmpi slt, %broadcast_in_dim3A_231, %lt3A_233 : vector<16xi32>
        %add3A_235 = arith.constant 16 : i32
        %add3A_236 = vector.broadcast %add3A_235 : i32 to vector<16xi32>
        %add3A_237 = arith.addi %broadcast_in_dim3A_231, %add3A_236 : vector<16xi32>
        %select_n3A_238 = arith.select %lt3A_234, %add3A_237, %broadcast_in_dim3A_231 : vector<16xi1>, vector<16xi32>
        %reshape3A_239 = vector.shape_cast %select_n3A_238 : vector<16xi32> to vector<16x1xi32>
        %gather3A_240 = vector.shape_cast %reshape3A_239 : vector<16x1xi32> to vector<16xi32>
        %gather3A_241 = tpu.dynamic_gather %get3A_123[%gather3A_240] in [0] : vector<16xf32>, vector<16xi32> -> vector<16xf32>
        %get3A_242 = arith.index_cast %add3A_229 : i32 to index
        %get3A_243 = arith.constant 0 : index
        %get3A_244 = tpu.vector_load %arg9[%get3A_242, %get3A_243] {strides = array<i32>} : memref<80x128xf32, #tpu.memory_space<vmem>>, vector<16xf32>,
        %mul3A_245 = arith.mulf %get3A_244, %gather3A_241 : vector<16xf32>
        %swap3A_246 = arith.index_cast %add3A_229 : i32 to index
        %swap3A_247 = arith.constant 0 : index
        %swap3A_248 = tpu.vector_load %arg9[%swap3A_246, %swap3A_247] {strides = array<i32>} : memref<80x128xf32, #tpu.memory_space<vmem>>, vector<16xf32>,
        tpu.vector_store %arg9[%swap3A_246, %swap3A_247], %mul3A_245 {strides = array<i32>} : memref<80x128xf32, #tpu.memory_space<vmem>>, vector<16xf32>,
        %get3A_249 = arith.index_cast %add3A_229 : i32 to index
        %get3A_250 = arith.constant 16 : index
        %get3A_251 = tpu.vector_load %arg9[%get3A_249, %get3A_250] {strides = array<i32>} : memref<80x128xf32, #tpu.memory_space<vmem>>, vector<16xf32>,
        %mul3A_252 = arith.mulf %get3A_251, %gather3A_241 : vector<16xf32>
        %swap3A_253 = arith.index_cast %add3A_229 : i32 to index
        %swap3A_254 = arith.constant 16 : index
        %swap3A_255 = tpu.vector_load %arg9[%swap3A_253, %swap3A_254] {strides = array<i32>} : memref<80x128xf32, #tpu.memory_space<vmem>>, vector<16xf32>,
        tpu.vector_store %arg9[%swap3A_253, %swap3A_254], %mul3A_252 {strides = array<i32>} : memref<80x128xf32, #tpu.memory_space<vmem>>, vector<16xf32>,
        %broadcast_in_dim3A_256 = arith.constant 5 : i32
        %broadcast_in_dim3A_257 = vector.broadcast %broadcast_in_dim3A_256 : i32 to vector<16xi32>
        %lt3A_258 = arith.constant 0 : i32
        %lt3A_259 = vector.broadcast %lt3A_258 : i32 to vector<16xi32>
        %lt3A_260 = arith.cmpi slt, %broadcast_in_dim3A_257, %lt3A_259 : vector<16xi32>
        %add3A_261 = arith.constant 16 : i32
        %add3A_262 = vector.broadcast %add3A_261 : i32 to vector<16xi32>
        %add3A_263 = arith.addi %broadcast_in_dim3A_257, %add3A_262 : vector<16xi32>
        %select_n3A_264 = arith.select %lt3A_260, %add3A_263, %broadcast_in_dim3A_257 : vector<16xi1>, vector<16xi32>
        %reshape3A_265 = vector.shape_cast %select_n3A_264 : vector<16xi32> to vector<16x1xi32>
        %gather3A_266 = vector.shape_cast %reshape3A_265 : vector<16x1xi32> to vector<16xi32>
        %gather3A_267 = tpu.dynamic_gather %get3A_123[%gather3A_266] in [0] : vector<16xf32>, vector<16xi32> -> vector<16xf32>
        %get3A_268 = arith.index_cast %add3A_229 : i32 to index
        %get3A_269 = arith.constant 32 : index
        %get3A_270 = tpu.vector_load %arg9[%get3A_268, %get3A_269] {strides = array<i32>} : memref<80x128xf32, #tpu.memory_space<vmem>>, vector<16xf32>,
        %mul3A_271 = arith.mulf %get3A_270, %gather3A_267 : vector<16xf32>
        %swap3A_272 = arith.index_cast %add3A_229 : i32 to index
        %swap3A_273 = arith.constant 32 : index
        %swap3A_274 = tpu.vector_load %arg9[%swap3A_272, %swap3A_273] {strides = array<i32>} : memref<80x128xf32, #tpu.memory_space<vmem>>, vector<16xf32>,
        tpu.vector_store %arg9[%swap3A_272, %swap3A_273], %mul3A_271 {strides = array<i32>} : memref<80x128xf32, #tpu.memory_space<vmem>>, vector<16xf32>,
        %get3A_275 = arith.index_cast %add3A_229 : i32 to index
        %get3A_276 = arith.constant 48 : index
        %get3A_277 = tpu.vector_load %arg9[%get3A_275, %get3A_276] {strides = array<i32>} : memref<80x128xf32, #tpu.memory_space<vmem>>, vector<16xf32>,
        %mul3A_278 = arith.mulf %get3A_277, %gather3A_267 : vector<16xf32>
        %swap3A_279 = arith.index_cast %add3A_229 : i32 to index
        %swap3A_280 = arith.constant 48 : index
        %swap3A_281 = tpu.vector_load %arg9[%swap3A_279, %swap3A_280] {strides = array<i32>} : memref<80x128xf32, #tpu.memory_space<vmem>>, vector<16xf32>,
        tpu.vector_store %arg9[%swap3A_279, %swap3A_280], %mul3A_278 {strides = array<i32>} : memref<80x128xf32, #tpu.memory_space<vmem>>, vector<16xf32>,
        %broadcast_in_dim3A_282 = arith.constant 6 : i32
        %broadcast_in_dim3A_283 = vector.broadcast %broadcast_in_dim3A_282 : i32 to vector<16xi32>
        %lt3A_284 = arith.constant 0 : i32
        %lt3A_285 = vector.broadcast %lt3A_284 : i32 to vector<16xi32>
        %lt3A_286 = arith.cmpi slt, %broadcast_in_dim3A_283, %lt3A_285 : vector<16xi32>
        %add3A_287 = arith.constant 16 : i32
        %add3A_288 = vector.broadcast %add3A_287 : i32 to vector<16xi32>
        %add3A_289 = arith.addi %broadcast_in_dim3A_283, %add3A_288 : vector<16xi32>
        %select_n3A_290 = arith.select %lt3A_286, %add3A_289, %broadcast_in_dim3A_283 : vector<16xi1>, vector<16xi32>
        %reshape3A_291 = vector.shape_cast %select_n3A_290 : vector<16xi32> to vector<16x1xi32>
        %gather3A_292 = vector.shape_cast %reshape3A_291 : vector<16x1xi32> to vector<16xi32>
        %gather3A_293 = tpu.dynamic_gather %get3A_123[%gather3A_292] in [0] : vector<16xf32>, vector<16xi32> -> vector<16xf32>
        %get3A_294 = arith.index_cast %add3A_229 : i32 to index
        %get3A_295 = arith.constant 64 : index
        %get3A_296 = tpu.vector_load %arg9[%get3A_294, %get3A_295] {strides = array<i32>} : memref<80x128xf32, #tpu.memory_space<vmem>>, vector<16xf32>,
        %mul3A_297 = arith.mulf %get3A_296, %gather3A_293 : vector<16xf32>
        %swap3A_298 = arith.index_cast %add3A_229 : i32 to index
        %swap3A_299 = arith.constant 64 : index
        %swap3A_300 = tpu.vector_load %arg9[%swap3A_298, %swap3A_299] {strides = array<i32>} : memref<80x128xf32, #tpu.memory_space<vmem>>, vector<16xf32>,
        tpu.vector_store %arg9[%swap3A_298, %swap3A_299], %mul3A_297 {strides = array<i32>} : memref<80x128xf32, #tpu.memory_space<vmem>>, vector<16xf32>,
        %get3A_301 = arith.index_cast %add3A_229 : i32 to index
        %get3A_302 = arith.constant 80 : index
        %get3A_303 = tpu.vector_load %arg9[%get3A_301, %get3A_302] {strides = array<i32>} : memref<80x128xf32, #tpu.memory_space<vmem>>, vector<16xf32>,
        %mul3A_304 = arith.mulf %get3A_303, %gather3A_293 : vector<16xf32>
        %swap3A_305 = arith.index_cast %add3A_229 : i32 to index
        %swap3A_306 = arith.constant 80 : index
        %swap3A_307 = tpu.vector_load %arg9[%swap3A_305, %swap3A_306] {strides = array<i32>} : memref<80x128xf32, #tpu.memory_space<vmem>>, vector<16xf32>,
        tpu.vector_store %arg9[%swap3A_305, %swap3A_306], %mul3A_304 {strides = array<i32>} : memref<80x128xf32, #tpu.memory_space<vmem>>, vector<16xf32>,
        %broadcast_in_dim3A_308 = arith.constant 7 : i32
        %broadcast_in_dim3A_309 = vector.broadcast %broadcast_in_dim3A_308 : i32 to vector<16xi32>
        %lt3A_310 = arith.constant 0 : i32
        %lt3A_311 = vector.broadcast %lt3A_310 : i32 to vector<16xi32>
        %lt3A_312 = arith.cmpi slt, %broadcast_in_dim3A_309, %lt3A_311 : vector<16xi32>
        %add3A_313 = arith.constant 16 : i32
        %add3A_314 = vector.broadcast %add3A_313 : i32 to vector<16xi32>
        %add3A_315 = arith.addi %broadcast_in_dim3A_309, %add3A_314 : vector<16xi32>
        %select_n3A_316 = arith.select %lt3A_312, %add3A_315, %broadcast_in_dim3A_309 : vector<16xi1>, vector<16xi32>
        %reshape3A_317 = vector.shape_cast %select_n3A_316 : vector<16xi32> to vector<16x1xi32>
        %gather3A_318 = vector.shape_cast %reshape3A_317 : vector<16x1xi32> to vector<16xi32>
        %gather3A_319 = tpu.dynamic_gather %get3A_123[%gather3A_318] in [0] : vector<16xf32>, vector<16xi32> -> vector<16xf32>
        %get3A_320 = arith.index_cast %add3A_229 : i32 to index
        %get3A_321 = arith.constant 96 : index
        %get3A_322 = tpu.vector_load %arg9[%get3A_320, %get3A_321] {strides = array<i32>} : memref<80x128xf32, #tpu.memory_space<vmem>>, vector<16xf32>,
        %mul3A_323 = arith.mulf %get3A_322, %gather3A_319 : vector<16xf32>
        %swap3A_324 = arith.index_cast %add3A_229 : i32 to index
        %swap3A_325 = arith.constant 96 : index
        %swap3A_326 = tpu.vector_load %arg9[%swap3A_324, %swap3A_325] {strides = array<i32>} : memref<80x128xf32, #tpu.memory_space<vmem>>, vector<16xf32>,
        tpu.vector_store %arg9[%swap3A_324, %swap3A_325], %mul3A_323 {strides = array<i32>} : memref<80x128xf32, #tpu.memory_space<vmem>>, vector<16xf32>,
        %get3A_327 = arith.index_cast %add3A_229 : i32 to index
        %get3A_328 = arith.constant 112 : index
        %get3A_329 = tpu.vector_load %arg9[%get3A_327, %get3A_328] {strides = array<i32>} : memref<80x128xf32, #tpu.memory_space<vmem>>, vector<16xf32>,
        %mul3A_330 = arith.mulf %get3A_329, %gather3A_319 : vector<16xf32>
        %swap3A_331 = arith.index_cast %add3A_229 : i32 to index
        %swap3A_332 = arith.constant 112 : index
        %swap3A_333 = tpu.vector_load %arg9[%swap3A_331, %swap3A_332] {strides = array<i32>} : memref<80x128xf32, #tpu.memory_space<vmem>>, vector<16xf32>,
        tpu.vector_store %arg9[%swap3A_331, %swap3A_332], %mul3A_330 {strides = array<i32>} : memref<80x128xf32, #tpu.memory_space<vmem>>, vector<16xf32>,
        %mul3A_334 = arith.constant 4 : i32
        %mul3A_335 = arith.muli %add3A_120, %mul3A_334 : i32
        %add3A_336 = arith.constant 2 : i32
        %add3A_337 = arith.addi %mul3A_335, %add3A_336 : i32
        %broadcast_in_dim3A_338 = arith.constant 8 : i32
        %broadcast_in_dim3A_339 = vector.broadcast %broadcast_in_dim3A_338 : i32 to vector<16xi32>
        %lt3A_340 = arith.constant 0 : i32
        %lt3A_341 = vector.broadcast %lt3A_340 : i32 to vector<16xi32>
        %lt3A_342 = arith.cmpi slt, %broadcast_in_dim3A_339, %lt3A_341 : vector<16xi32>
        %add3A_343 = arith.constant 16 : i32
        %add3A_344 = vector.broadcast %add3A_343 : i32 to vector<16xi32>
        %add3A_345 = arith.addi %broadcast_in_dim3A_339, %add3A_344 : vector<16xi32>
        %select_n3A_346 = arith.select %lt3A_342, %add3A_345, %broadcast_in_dim3A_339 : vector<16xi1>, vector<16xi32>
        %reshape3A_347 = vector.shape_cast %select_n3A_346 : vector<16xi32> to vector<16x1xi32>
        %gather3A_348 = vector.shape_cast %reshape3A_347 : vector<16x1xi32> to vector<16xi32>
        %gather3A_349 = tpu.dynamic_gather %get3A_123[%gather3A_348] in [0] : vector<16xf32>, vector<16xi32> -> vector<16xf32>
        %get3A_350 = arith.index_cast %add3A_337 : i32 to index
        %get3A_351 = arith.constant 0 : index
        %get3A_352 = tpu.vector_load %arg9[%get3A_350, %get3A_351] {strides = array<i32>} : memref<80x128xf32, #tpu.memory_space<vmem>>, vector<16xf32>,
        %mul3A_353 = arith.mulf %get3A_352, %gather3A_349 : vector<16xf32>
        %swap3A_354 = arith.index_cast %add3A_337 : i32 to index
        %swap3A_355 = arith.constant 0 : index
        %swap3A_356 = tpu.vector_load %arg9[%swap3A_354, %swap3A_355] {strides = array<i32>} : memref<80x128xf32, #tpu.memory_space<vmem>>, vector<16xf32>,
        tpu.vector_store %arg9[%swap3A_354, %swap3A_355], %mul3A_353 {strides = array<i32>} : memref<80x128xf32, #tpu.memory_space<vmem>>, vector<16xf32>,
        %get3A_357 = arith.index_cast %add3A_337 : i32 to index
        %get3A_358 = arith.constant 16 : index
        %get3A_359 = tpu.vector_load %arg9[%get3A_357, %get3A_358] {strides = array<i32>} : memref<80x128xf32, #tpu.memory_space<vmem>>, vector<16xf32>,
        %mul3A_360 = arith.mulf %get3A_359, %gather3A_349 : vector<16xf32>
        %swap3A_361 = arith.index_cast %add3A_337 : i32 to index
        %swap3A_362 = arith.constant 16 : index
        %swap3A_363 = tpu.vector_load %arg9[%swap3A_361, %swap3A_362] {strides = array<i32>} : memref<80x128xf32, #tpu.memory_space<vmem>>, vector<16xf32>,
        tpu.vector_store %arg9[%swap3A_361, %swap3A_362], %mul3A_360 {strides = array<i32>} : memref<80x128xf32, #tpu.memory_space<vmem>>, vector<16xf32>,
        %broadcast_in_dim3A_364 = arith.constant 9 : i32
        %broadcast_in_dim3A_365 = vector.broadcast %broadcast_in_dim3A_364 : i32 to vector<16xi32>
        %lt3A_366 = arith.constant 0 : i32
        %lt3A_367 = vector.broadcast %lt3A_366 : i32 to vector<16xi32>
        %lt3A_368 = arith.cmpi slt, %broadcast_in_dim3A_365, %lt3A_367 : vector<16xi32>
        %add3A_369 = arith.constant 16 : i32
        %add3A_370 = vector.broadcast %add3A_369 : i32 to vector<16xi32>
        %add3A_371 = arith.addi %broadcast_in_dim3A_365, %add3A_370 : vector<16xi32>
        %select_n3A_372 = arith.select %lt3A_368, %add3A_371, %broadcast_in_dim3A_365 : vector<16xi1>, vector<16xi32>
        %reshape3A_373 = vector.shape_cast %select_n3A_372 : vector<16xi32> to vector<16x1xi32>
        %gather3A_374 = vector.shape_cast %reshape3A_373 : vector<16x1xi32> to vector<16xi32>
        %gather3A_375 = tpu.dynamic_gather %get3A_123[%gather3A_374] in [0] : vector<16xf32>, vector<16xi32> -> vector<16xf32>
        %get3A_376 = arith.index_cast %add3A_337 : i32 to index
        %get3A_377 = arith.constant 32 : index
        %get3A_378 = tpu.vector_load %arg9[%get3A_376, %get3A_377] {strides = array<i32>} : memref<80x128xf32, #tpu.memory_space<vmem>>, vector<16xf32>,
        %mul3A_379 = arith.mulf %get3A_378, %gather3A_375 : vector<16xf32>
        %swap3A_380 = arith.index_cast %add3A_337 : i32 to index
        %swap3A_381 = arith.constant 32 : index
        %swap3A_382 = tpu.vector_load %arg9[%swap3A_380, %swap3A_381] {strides = array<i32>} : memref<80x128xf32, #tpu.memory_space<vmem>>, vector<16xf32>,
        tpu.vector_store %arg9[%swap3A_380, %swap3A_381], %mul3A_379 {strides = array<i32>} : memref<80x128xf32, #tpu.memory_space<vmem>>, vector<16xf32>,
        %get3A_383 = arith.index_cast %add3A_337 : i32 to index
        %get3A_384 = arith.constant 48 : index
        %get3A_385 = tpu.vector_load %arg9[%get3A_383, %get3A_384] {strides = array<i32>} : memref<80x128xf32, #tpu.memory_space<vmem>>, vector<16xf32>,
        %mul3A_386 = arith.mulf %get3A_385, %gather3A_375 : vector<16xf32>
        %swap3A_387 = arith.index_cast %add3A_337 : i32 to index
        %swap3A_388 = arith.constant 48 : index
        %swap3A_389 = tpu.vector_load %arg9[%swap3A_387, %swap3A_388] {strides = array<i32>} : memref<80x128xf32, #tpu.memory_space<vmem>>, vector<16xf32>,
        tpu.vector_store %arg9[%swap3A_387, %swap3A_388], %mul3A_386 {strides = array<i32>} : memref<80x128xf32, #tpu.memory_space<vmem>>, vector<16xf32>,
        %broadcast_in_dim3A_390 = arith.constant 10 : i32
        %broadcast_in_dim3A_391 = vector.broadcast %broadcast_in_dim3A_390 : i32 to vector<16xi32>
        %lt3A_392 = arith.constant 0 : i32
        %lt3A_393 = vector.broadcast %lt3A_392 : i32 to vector<16xi32>
        %lt3A_394 = arith.cmpi slt, %broadcast_in_dim3A_391, %lt3A_393 : vector<16xi32>
        %add3A_395 = arith.constant 16 : i32
        %add3A_396 = vector.broadcast %add3A_395 : i32 to vector<16xi32>
        %add3A_397 = arith.addi %broadcast_in_dim3A_391, %add3A_396 : vector<16xi32>
        %select_n3A_398 = arith.select %lt3A_394, %add3A_397, %broadcast_in_dim3A_391 : vector<16xi1>, vector<16xi32>
        %reshape3A_399 = vector.shape_cast %select_n3A_398 : vector<16xi32> to vector<16x1xi32>
        %gather3A_400 = vector.shape_cast %reshape3A_399 : vector<16x1xi32> to vector<16xi32>
        %gather3A_401 = tpu.dynamic_gather %get3A_123[%gather3A_400] in [0] : vector<16xf32>, vector<16xi32> -> vector<16xf32>
        %get3A_402 = arith.index_cast %add3A_337 : i32 to index
        %get3A_403 = arith.constant 64 : index
        %get3A_404 = tpu.vector_load %arg9[%get3A_402, %get3A_403] {strides = array<i32>} : memref<80x128xf32, #tpu.memory_space<vmem>>, vector<16xf32>,
        %mul3A_405 = arith.mulf %get3A_404, %gather3A_401 : vector<16xf32>
        %swap3A_406 = arith.index_cast %add3A_337 : i32 to index
        %swap3A_407 = arith.constant 64 : index
        %swap3A_408 = tpu.vector_load %arg9[%swap3A_406, %swap3A_407] {strides = array<i32>} : memref<80x128xf32, #tpu.memory_space<vmem>>, vector<16xf32>,
        tpu.vector_store %arg9[%swap3A_406, %swap3A_407], %mul3A_405 {strides = array<i32>} : memref<80x128xf32, #tpu.memory_space<vmem>>, vector<16xf32>,
        %get3A_409 = arith.index_cast %add3A_337 : i32 to index
        %get3A_410 = arith.constant 80 : index
        %get3A_411 = tpu.vector_load %arg9[%get3A_409, %get3A_410] {strides = array<i32>} : memref<80x128xf32, #tpu.memory_space<vmem>>, vector<16xf32>,
        %mul3A_412 = arith.mulf %get3A_411, %gather3A_401 : vector<16xf32>
        %swap3A_413 = arith.index_cast %add3A_337 : i32 to index
        %swap3A_414 = arith.constant 80 : index
        %swap3A_415 = tpu.vector_load %arg9[%swap3A_413, %swap3A_414] {strides = array<i32>} : memref<80x128xf32, #tpu.memory_space<vmem>>, vector<16xf32>,
        tpu.vector_store %arg9[%swap3A_413, %swap3A_414], %mul3A_412 {strides = array<i32>} : memref<80x128xf32, #tpu.memory_space<vmem>>, vector<16xf32>,
        %broadcast_in_dim3A_416 = arith.constant 11 : i32
        %broadcast_in_dim3A_417 = vector.broadcast %broadcast_in_dim3A_416 : i32 to vector<16xi32>
        %lt3A_418 = arith.constant 0 : i32
        %lt3A_419 = vector.broadcast %lt3A_418 : i32 to vector<16xi32>
        %lt3A_420 = arith.cmpi slt, %broadcast_in_dim3A_417, %lt3A_419 : vector<16xi32>
        %add3A_421 = arith.constant 16 : i32
        %add3A_422 = vector.broadcast %add3A_421 : i32 to vector<16xi32>
        %add3A_423 = arith.addi %broadcast_in_dim3A_417, %add3A_422 : vector<16xi32>
        %select_n3A_424 = arith.select %lt3A_420, %add3A_423, %broadcast_in_dim3A_417 : vector<16xi1>, vector<16xi32>
        %reshape3A_425 = vector.shape_cast %select_n3A_424 : vector<16xi32> to vector<16x1xi32>
        %gather3A_426 = vector.shape_cast %reshape3A_425 : vector<16x1xi32> to vector<16xi32>
        %gather3A_427 = tpu.dynamic_gather %get3A_123[%gather3A_426] in [0] : vector<16xf32>, vector<16xi32> -> vector<16xf32>
        %get3A_428 = arith.index_cast %add3A_337 : i32 to index
        %get3A_429 = arith.constant 96 : index
        %get3A_430 = tpu.vector_load %arg9[%get3A_428, %get3A_429] {strides = array<i32>} : memref<80x128xf32, #tpu.memory_space<vmem>>, vector<16xf32>,
        %mul3A_431 = arith.mulf %get3A_430, %gather3A_427 : vector<16xf32>
        %swap3A_432 = arith.index_cast %add3A_337 : i32 to index
        %swap3A_433 = arith.constant 96 : index
        %swap3A_434 = tpu.vector_load %arg9[%swap3A_432, %swap3A_433] {strides = array<i32>} : memref<80x128xf32, #tpu.memory_space<vmem>>, vector<16xf32>,
        tpu.vector_store %arg9[%swap3A_432, %swap3A_433], %mul3A_431 {strides = array<i32>} : memref<80x128xf32, #tpu.memory_space<vmem>>, vector<16xf32>,
        %get3A_435 = arith.index_cast %add3A_337 : i32 to index
        %get3A_436 = arith.constant 112 : index
        %get3A_437 = tpu.vector_load %arg9[%get3A_435, %get3A_436] {strides = array<i32>} : memref<80x128xf32, #tpu.memory_space<vmem>>, vector<16xf32>,
        %mul3A_438 = arith.mulf %get3A_437, %gather3A_427 : vector<16xf32>
        %swap3A_439 = arith.index_cast %add3A_337 : i32 to index
        %swap3A_440 = arith.constant 112 : index
        %swap3A_441 = tpu.vector_load %arg9[%swap3A_439, %swap3A_440] {strides = array<i32>} : memref<80x128xf32, #tpu.memory_space<vmem>>, vector<16xf32>,
        tpu.vector_store %arg9[%swap3A_439, %swap3A_440], %mul3A_438 {strides = array<i32>} : memref<80x128xf32, #tpu.memory_space<vmem>>, vector<16xf32>,
        %mul3A_442 = arith.constant 4 : i32
        %mul3A_443 = arith.muli %add3A_120, %mul3A_442 : i32
        %add3A_444 = arith.constant 3 : i32
        %add3A_445 = arith.addi %mul3A_443, %add3A_444 : i32
        %broadcast_in_dim3A_446 = arith.constant 12 : i32
        %broadcast_in_dim3A_447 = vector.broadcast %broadcast_in_dim3A_446 : i32 to vector<16xi32>
        %lt3A_448 = arith.constant 0 : i32
        %lt3A_449 = vector.broadcast %lt3A_448 : i32 to vector<16xi32>
        %lt3A_450 = arith.cmpi slt, %broadcast_in_dim3A_447, %lt3A_449 : vector<16xi32>
        %add3A_451 = arith.constant 16 : i32
        %add3A_452 = vector.broadcast %add3A_451 : i32 to vector<16xi32>
        %add3A_453 = arith.addi %broadcast_in_dim3A_447, %add3A_452 : vector<16xi32>
        %select_n3A_454 = arith.select %lt3A_450, %add3A_453, %broadcast_in_dim3A_447 : vector<16xi1>, vector<16xi32>
        %reshape3A_455 = vector.shape_cast %select_n3A_454 : vector<16xi32> to vector<16x1xi32>
        %gather3A_456 = vector.shape_cast %reshape3A_455 : vector<16x1xi32> to vector<16xi32>
        %gather3A_457 = tpu.dynamic_gather %get3A_123[%gather3A_456] in [0] : vector<16xf32>, vector<16xi32> -> vector<16xf32>
        %get3A_458 = arith.index_cast %add3A_445 : i32 to index
        %get3A_459 = arith.constant 0 : index
        %get3A_460 = tpu.vector_load %arg9[%get3A_458, %get3A_459] {strides = array<i32>} : memref<80x128xf32, #tpu.memory_space<vmem>>, vector<16xf32>,
        %mul3A_461 = arith.mulf %get3A_460, %gather3A_457 : vector<16xf32>
        %swap3A_462 = arith.index_cast %add3A_445 : i32 to index
        %swap3A_463 = arith.constant 0 : index
        %swap3A_464 = tpu.vector_load %arg9[%swap3A_462, %swap3A_463] {strides = array<i32>} : memref<80x128xf32, #tpu.memory_space<vmem>>, vector<16xf32>,
        tpu.vector_store %arg9[%swap3A_462, %swap3A_463], %mul3A_461 {strides = array<i32>} : memref<80x128xf32, #tpu.memory_space<vmem>>, vector<16xf32>,
        %get3A_465 = arith.index_cast %add3A_445 : i32 to index
        %get3A_466 = arith.constant 16 : index
        %get3A_467 = tpu.vector_load %arg9[%get3A_465, %get3A_466] {strides = array<i32>} : memref<80x128xf32, #tpu.memory_space<vmem>>, vector<16xf32>,
        %mul3A_468 = arith.mulf %get3A_467, %gather3A_457 : vector<16xf32>
        %swap3A_469 = arith.index_cast %add3A_445 : i32 to index
        %swap3A_470 = arith.constant 16 : index
        %swap3A_471 = tpu.vector_load %arg9[%swap3A_469, %swap3A_470] {strides = array<i32>} : memref<80x128xf32, #tpu.memory_space<vmem>>, vector<16xf32>,
        tpu.vector_store %arg9[%swap3A_469, %swap3A_470], %mul3A_468 {strides = array<i32>} : memref<80x128xf32, #tpu.memory_space<vmem>>, vector<16xf32>,
        %broadcast_in_dim3A_472 = arith.constant 13 : i32
        %broadcast_in_dim3A_473 = vector.broadcast %broadcast_in_dim3A_472 : i32 to vector<16xi32>
        %lt3A_474 = arith.constant 0 : i32
        %lt3A_475 = vector.broadcast %lt3A_474 : i32 to vector<16xi32>
        %lt3A_476 = arith.cmpi slt, %broadcast_in_dim3A_473, %lt3A_475 : vector<16xi32>
        %add3A_477 = arith.constant 16 : i32
        %add3A_478 = vector.broadcast %add3A_477 : i32 to vector<16xi32>
        %add3A_479 = arith.addi %broadcast_in_dim3A_473, %add3A_478 : vector<16xi32>
        %select_n3A_480 = arith.select %lt3A_476, %add3A_479, %broadcast_in_dim3A_473 : vector<16xi1>, vector<16xi32>
        %reshape3A_481 = vector.shape_cast %select_n3A_480 : vector<16xi32> to vector<16x1xi32>
        %gather3A_482 = vector.shape_cast %reshape3A_481 : vector<16x1xi32> to vector<16xi32>
        %gather3A_483 = tpu.dynamic_gather %get3A_123[%gather3A_482] in [0] : vector<16xf32>, vector<16xi32> -> vector<16xf32>
        %get3A_484 = arith.index_cast %add3A_445 : i32 to index
        %get3A_485 = arith.constant 32 : index
        %get3A_486 = tpu.vector_load %arg9[%get3A_484, %get3A_485] {strides = array<i32>} : memref<80x128xf32, #tpu.memory_space<vmem>>, vector<16xf32>,
        %mul3A_487 = arith.mulf %get3A_486, %gather3A_483 : vector<16xf32>
        %swap3A_488 = arith.index_cast %add3A_445 : i32 to index
        %swap3A_489 = arith.constant 32 : index
        %swap3A_490 = tpu.vector_load %arg9[%swap3A_488, %swap3A_489] {strides = array<i32>} : memref<80x128xf32, #tpu.memory_space<vmem>>, vector<16xf32>,
        tpu.vector_store %arg9[%swap3A_488, %swap3A_489], %mul3A_487 {strides = array<i32>} : memref<80x128xf32, #tpu.memory_space<vmem>>, vector<16xf32>,
        %get3A_491 = arith.index_cast %add3A_445 : i32 to index
        %get3A_492 = arith.constant 48 : index
        %get3A_493 = tpu.vector_load %arg9[%get3A_491, %get3A_492] {strides = array<i32>} : memref<80x128xf32, #tpu.memory_space<vmem>>, vector<16xf32>,
        %mul3A_494 = arith.mulf %get3A_493, %gather3A_483 : vector<16xf32>
        %swap3A_495 = arith.index_cast %add3A_445 : i32 to index
        %swap3A_496 = arith.constant 48 : index
        %swap3A_497 = tpu.vector_load %arg9[%swap3A_495, %swap3A_496] {strides = array<i32>} : memref<80x128xf32, #tpu.memory_space<vmem>>, vector<16xf32>,
        tpu.vector_store %arg9[%swap3A_495, %swap3A_496], %mul3A_494 {strides = array<i32>} : memref<80x128xf32, #tpu.memory_space<vmem>>, vector<16xf32>,
        %broadcast_in_dim3A_498 = arith.constant 14 : i32
        %broadcast_in_dim3A_499 = vector.broadcast %broadcast_in_dim3A_498 : i32 to vector<16xi32>
        %lt3A_500 = arith.constant 0 : i32
        %lt3A_501 = vector.broadcast %lt3A_500 : i32 to vector<16xi32>
        %lt3A_502 = arith.cmpi slt, %broadcast_in_dim3A_499, %lt3A_501 : vector<16xi32>
        %add3A_503 = arith.constant 16 : i32
        %add3A_504 = vector.broadcast %add3A_503 : i32 to vector<16xi32>
        %add3A_505 = arith.addi %broadcast_in_dim3A_499, %add3A_504 : vector<16xi32>
        %select_n3A_506 = arith.select %lt3A_502, %add3A_505, %broadcast_in_dim3A_499 : vector<16xi1>, vector<16xi32>
        %reshape3A_507 = vector.shape_cast %select_n3A_506 : vector<16xi32> to vector<16x1xi32>
        %gather3A_508 = vector.shape_cast %reshape3A_507 : vector<16x1xi32> to vector<16xi32>
        %gather3A_509 = tpu.dynamic_gather %get3A_123[%gather3A_508] in [0] : vector<16xf32>, vector<16xi32> -> vector<16xf32>
        %get3A_510 = arith.index_cast %add3A_445 : i32 to index
        %get3A_511 = arith.constant 64 : index
        %get3A_512 = tpu.vector_load %arg9[%get3A_510, %get3A_511] {strides = array<i32>} : memref<80x128xf32, #tpu.memory_space<vmem>>, vector<16xf32>,
        %mul3A_513 = arith.mulf %get3A_512, %gather3A_509 : vector<16xf32>
        %swap3A_514 = arith.index_cast %add3A_445 : i32 to index
        %swap3A_515 = arith.constant 64 : index
        %swap3A_516 = tpu.vector_load %arg9[%swap3A_514, %swap3A_515] {strides = array<i32>} : memref<80x128xf32, #tpu.memory_space<vmem>>, vector<16xf32>,
        tpu.vector_store %arg9[%swap3A_514, %swap3A_515], %mul3A_513 {strides = array<i32>} : memref<80x128xf32, #tpu.memory_space<vmem>>, vector<16xf32>,
        %get3A_517 = arith.index_cast %add3A_445 : i32 to index
        %get3A_518 = arith.constant 80 : index
        %get3A_519 = tpu.vector_load %arg9[%get3A_517, %get3A_518] {strides = array<i32>} : memref<80x128xf32, #tpu.memory_space<vmem>>, vector<16xf32>,
        %mul3A_520 = arith.mulf %get3A_519, %gather3A_509 : vector<16xf32>
        %swap3A_521 = arith.index_cast %add3A_445 : i32 to index
        %swap3A_522 = arith.constant 80 : index
        %swap3A_523 = tpu.vector_load %arg9[%swap3A_521, %swap3A_522] {strides = array<i32>} : memref<80x128xf32, #tpu.memory_space<vmem>>, vector<16xf32>,
        tpu.vector_store %arg9[%swap3A_521, %swap3A_522], %mul3A_520 {strides = array<i32>} : memref<80x128xf32, #tpu.memory_space<vmem>>, vector<16xf32>,
        %broadcast_in_dim3A_524 = arith.constant 15 : i32
        %broadcast_in_dim3A_525 = vector.broadcast %broadcast_in_dim3A_524 : i32 to vector<16xi32>
        %lt3A_526 = arith.constant 0 : i32
        %lt3A_527 = vector.broadcast %lt3A_526 : i32 to vector<16xi32>
        %lt3A_528 = arith.cmpi slt, %broadcast_in_dim3A_525, %lt3A_527 : vector<16xi32>
        %add3A_529 = arith.constant 16 : i32
        %add3A_530 = vector.broadcast %add3A_529 : i32 to vector<16xi32>
        %add3A_531 = arith.addi %broadcast_in_dim3A_525, %add3A_530 : vector<16xi32>
        %select_n3A_532 = arith.select %lt3A_528, %add3A_531, %broadcast_in_dim3A_525 : vector<16xi1>, vector<16xi32>
        %reshape3A_533 = vector.shape_cast %select_n3A_532 : vector<16xi32> to vector<16x1xi32>
        %gather3A_534 = vector.shape_cast %reshape3A_533 : vector<16x1xi32> to vector<16xi32>
        %gather3A_535 = tpu.dynamic_gather %get3A_123[%gather3A_534] in [0] : vector<16xf32>, vector<16xi32> -> vector<16xf32>
        %get3A_536 = arith.index_cast %add3A_445 : i32 to index
        %get3A_537 = arith.constant 96 : index
        %get3A_538 = tpu.vector_load %arg9[%get3A_536, %get3A_537] {strides = array<i32>} : memref<80x128xf32, #tpu.memory_space<vmem>>, vector<16xf32>,
        %mul3A_539 = arith.mulf %get3A_538, %gather3A_535 : vector<16xf32>
        %swap3A_540 = arith.index_cast %add3A_445 : i32 to index
        %swap3A_541 = arith.constant 96 : index
        %swap3A_542 = tpu.vector_load %arg9[%swap3A_540, %swap3A_541] {strides = array<i32>} : memref<80x128xf32, #tpu.memory_space<vmem>>, vector<16xf32>,
        tpu.vector_store %arg9[%swap3A_540, %swap3A_541], %mul3A_539 {strides = array<i32>} : memref<80x128xf32, #tpu.memory_space<vmem>>, vector<16xf32>,
        %get3A_543 = arith.index_cast %add3A_445 : i32 to index
        %get3A_544 = arith.constant 112 : index
        %get3A_545 = tpu.vector_load %arg9[%get3A_543, %get3A_544] {strides = array<i32>} : memref<80x128xf32, #tpu.memory_space<vmem>>, vector<16xf32>,
        %mul3A_546 = arith.mulf %get3A_545, %gather3A_535 : vector<16xf32>
        %swap3A_547 = arith.index_cast %add3A_445 : i32 to index
        %swap3A_548 = arith.constant 112 : index
        %swap3A_549 = tpu.vector_load %arg9[%swap3A_547, %swap3A_548] {strides = array<i32>} : memref<80x128xf32, #tpu.memory_space<vmem>>, vector<16xf32>,
        tpu.vector_store %arg9[%swap3A_547, %swap3A_548], %mul3A_546 {strides = array<i32>} : memref<80x128xf32, #tpu.memory_space<vmem>>, vector<16xf32>,
      }
      %scan3A_115 = arith.constant 20 : i32
      "tpu.region"() ({
        %run_scoped3A = tpu.sem_alloc : memref<!tpu.dma_semaphore, #tpu.memory_space<semaphore_mem>>
        %dma_start3A_116 = arith.constant 0 : i32
        %dma_start3A_117 = arith.constant 0 : i32
        %dma_start3A_118 = tpu.memref_slice %arg7[%dma_start3A_116, %dma_start3A_117] : memref<10240x128xf32, #tpu.memory_space<vmem_shared>> -> memref<10240x128xf32, #tpu.memory_space<vmem_shared>>
        tpu.enqueue_indirect_dma source(%arg9 : memref<80x128xf32, #tpu.memory_space<vmem>>) target(%dma_start3A_118 : memref<10240x128xf32, #tpu.memory_space<vmem_shared>>) offsets(%arg13 : memref<80xi32, #tpu.memory_space<vmem>>) semaphore(%run_scoped3A : memref<!tpu.dma_semaphore, #tpu.memory_space<semaphore_mem>>) {add = true}
        %dma_wait3A_119 = arith.constant 0 : i32
        %dma_wait3A_120 = arith.constant 0 : i32
        %dma_wait3A_121 = tpu.memref_slice %arg7[%dma_wait3A_119, %dma_wait3A_120] : memref<10240x128xf32, #tpu.memory_space<vmem_shared>> -> memref<10240x128xf32, #tpu.memory_space<vmem_shared>>
        tpu.wait_indirect_dma semaphore(%run_scoped3A : memref<!tpu.dma_semaphore, #tpu.memory_space<semaphore_mem>>) src(%arg9 : memref<80x128xf32, #tpu.memory_space<vmem>>) dst(%dma_wait3A_121 : memref<10240x128xf32, #tpu.memory_space<vmem_shared>>)
        tpu.yield
      }) : () -> ()
    }
    %scan3A_19 = arith.constant 62 : i32
    %dma_wait3A = arith.constant 0 : i32
    %dma_wait3A_20 = arith.constant 0 : i32
    %dma_wait3A_21 = tpu.memref_slice %arg2[%dma_wait3A, %dma_wait3A_20] : memref<320000x128xf32, #tpu.memory_space<hbm>> -> memref<80x128xf32, #tpu.memory_space<hbm>>
    %dma_wait3A_22 = arith.constant 0 : i32
    %dma_wait3A_23 = arith.constant 0 : i32
    %dma_wait3A_24 = tpu.memref_slice %arg2[%dma_wait3A_22, %dma_wait3A_23] : memref<320000x128xf32, #tpu.memory_space<hbm>> -> memref<80x128xf32, #tpu.memory_space<hbm>>
    tpu.wait_dma2 semaphore(%arg14 : memref<!tpu.dma_semaphore, #tpu.memory_space<semaphore_mem>>) src(%dma_wait3A_24 : memref<80x128xf32, #tpu.memory_space<hbm>>) dst(%arg8 : memref<80x128xf32, #tpu.memory_space<vmem>>)
    %dma_wait3A_25 = arith.constant 0 : i32
    %dma_wait3A_26 = tpu.memref_slice %arg3[%dma_wait3A_25] : memref<1280000xf32, #tpu.memory_space<hbm>> -> memref<320xf32, #tpu.memory_space<hbm>>
    %dma_wait3A_27 = arith.constant 0 : i32
    %dma_wait3A_28 = tpu.memref_slice %arg3[%dma_wait3A_27] : memref<1280000xf32, #tpu.memory_space<hbm>> -> memref<320xf32, #tpu.memory_space<hbm>>
    tpu.wait_dma2 semaphore(%arg14 : memref<!tpu.dma_semaphore, #tpu.memory_space<semaphore_mem>>) src(%dma_wait3A_28 : memref<320xf32, #tpu.memory_space<hbm>>) dst(%arg10 : memref<320xf32, #tpu.memory_space<vmem>>)
    %dma_wait3A_29 = arith.constant 0 : i32
    %dma_wait3A_30 = tpu.memref_slice %arg4[%dma_wait3A_29] : memref<320000xi32, #tpu.memory_space<hbm>> -> memref<80xi32, #tpu.memory_space<hbm>>
    %dma_wait3A_31 = arith.constant 0 : i32
    %dma_wait3A_32 = tpu.memref_slice %arg4[%dma_wait3A_31] : memref<320000xi32, #tpu.memory_space<hbm>> -> memref<80xi32, #tpu.memory_space<hbm>>
    tpu.wait_dma2 semaphore(%arg14 : memref<!tpu.dma_semaphore, #tpu.memory_space<semaphore_mem>>) src(%dma_wait3A_32 : memref<80xi32, #tpu.memory_space<hbm>>) dst(%arg12 : memref<80xi32, #tpu.memory_space<vmem>>)
    %scan3A_33 = arith.constant 0 : i32
    %scan3A_34 = arith.constant 20 : i32
    %scan3A_35 = arith.addi %scan3A_33, %scan3A_34 : i32
    %scan3A_36 = arith.constant 1 : i32
    scf.for %scan3A_39 = %scan3A_33 to %scan3A_35 step %scan3A_36  : i32 {
      %mul3A_40 = arith.constant 1 : i32
      %mul3A_41 = arith.muli %scan3A_39, %mul3A_40 : i32
      %add3A_42 = arith.constant 0 : i32
      %add3A_43 = arith.addi %add3A_42, %mul3A_41 : i32
      %mul3A_44 = arith.constant 16 : i32
      %mul3A_45 = arith.muli %add3A_43, %mul3A_44 : i32
      %get3A = arith.index_cast %mul3A_45 : i32 to index
      %get3A_46 = tpu.vector_load %arg10[%get3A] {strides = array<i32>} : memref<320xf32, #tpu.memory_space<vmem>>, vector<16xf32>,
      %mul3A_47 = arith.constant 4 : i32
      %mul3A_48 = arith.muli %add3A_43, %mul3A_47 : i32
      %add3A_49 = arith.constant 0 : i32
      %add3A_50 = arith.addi %mul3A_48, %add3A_49 : i32
      %broadcast_in_dim3A = arith.constant 0 : i32
      %broadcast_in_dim3A_51 = vector.broadcast %broadcast_in_dim3A : i32 to vector<16xi32>
      %lt3A = arith.constant 0 : i32
      %lt3A_52 = vector.broadcast %lt3A : i32 to vector<16xi32>
      %lt3A_53 = arith.cmpi slt, %broadcast_in_dim3A_51, %lt3A_52 : vector<16xi32>
      %add3A_54 = arith.constant 16 : i32
      %add3A_55 = vector.broadcast %add3A_54 : i32 to vector<16xi32>
      %add3A_56 = arith.addi %broadcast_in_dim3A_51, %add3A_55 : vector<16xi32>
      %select_n3A = arith.select %lt3A_53, %add3A_56, %broadcast_in_dim3A_51 : vector<16xi1>, vector<16xi32>
      %reshape3A = vector.shape_cast %select_n3A : vector<16xi32> to vector<16x1xi32>
      %gather3A = vector.shape_cast %reshape3A : vector<16x1xi32> to vector<16xi32>
      %gather3A_57 = tpu.dynamic_gather %get3A_46[%gather3A] in [0] : vector<16xf32>, vector<16xi32> -> vector<16xf32>
      %get3A_58 = arith.index_cast %add3A_50 : i32 to index
      %get3A_59 = arith.constant 0 : index
      %get3A_60 = tpu.vector_load %arg8[%get3A_58, %get3A_59] {strides = array<i32>} : memref<80x128xf32, #tpu.memory_space<vmem>>, vector<16xf32>,
      %mul3A_61 = arith.mulf %get3A_60, %gather3A_57 : vector<16xf32>
      %swap3A = arith.index_cast %add3A_50 : i32 to index
      %swap3A_62 = arith.constant 0 : index
      %swap3A_63 = tpu.vector_load %arg8[%swap3A, %swap3A_62] {strides = array<i32>} : memref<80x128xf32, #tpu.memory_space<vmem>>, vector<16xf32>,
      tpu.vector_store %arg8[%swap3A, %swap3A_62], %mul3A_61 {strides = array<i32>} : memref<80x128xf32, #tpu.memory_space<vmem>>, vector<16xf32>,
      %get3A_64 = arith.index_cast %add3A_50 : i32 to index
      %get3A_65 = arith.constant 16 : index
      %get3A_66 = tpu.vector_load %arg8[%get3A_64, %get3A_65] {strides = array<i32>} : memref<80x128xf32, #tpu.memory_space<vmem>>, vector<16xf32>,
      %mul3A_67 = arith.mulf %get3A_66, %gather3A_57 : vector<16xf32>
      %swap3A_68 = arith.index_cast %add3A_50 : i32 to index
      %swap3A_69 = arith.constant 16 : index
      %swap3A_70 = tpu.vector_load %arg8[%swap3A_68, %swap3A_69] {strides = array<i32>} : memref<80x128xf32, #tpu.memory_space<vmem>>, vector<16xf32>,
      tpu.vector_store %arg8[%swap3A_68, %swap3A_69], %mul3A_67 {strides = array<i32>} : memref<80x128xf32, #tpu.memory_space<vmem>>, vector<16xf32>,
      %broadcast_in_dim3A_71 = arith.constant 1 : i32
      %broadcast_in_dim3A_72 = vector.broadcast %broadcast_in_dim3A_71 : i32 to vector<16xi32>
      %lt3A_73 = arith.constant 0 : i32
      %lt3A_74 = vector.broadcast %lt3A_73 : i32 to vector<16xi32>
      %lt3A_75 = arith.cmpi slt, %broadcast_in_dim3A_72, %lt3A_74 : vector<16xi32>
      %add3A_76 = arith.constant 16 : i32
      %add3A_77 = vector.broadcast %add3A_76 : i32 to vector<16xi32>
      %add3A_78 = arith.addi %broadcast_in_dim3A_72, %add3A_77 : vector<16xi32>
      %select_n3A_79 = arith.select %lt3A_75, %add3A_78, %broadcast_in_dim3A_72 : vector<16xi1>, vector<16xi32>
      %reshape3A_80 = vector.shape_cast %select_n3A_79 : vector<16xi32> to vector<16x1xi32>
      %gather3A_81 = vector.shape_cast %reshape3A_80 : vector<16x1xi32> to vector<16xi32>
      %gather3A_82 = tpu.dynamic_gather %get3A_46[%gather3A_81] in [0] : vector<16xf32>, vector<16xi32> -> vector<16xf32>
      %get3A_83 = arith.index_cast %add3A_50 : i32 to index
      %get3A_84 = arith.constant 32 : index
      %get3A_85 = tpu.vector_load %arg8[%get3A_83, %get3A_84] {strides = array<i32>} : memref<80x128xf32, #tpu.memory_space<vmem>>, vector<16xf32>,
      %mul3A_86 = arith.mulf %get3A_85, %gather3A_82 : vector<16xf32>
      %swap3A_87 = arith.index_cast %add3A_50 : i32 to index
      %swap3A_88 = arith.constant 32 : index
      %swap3A_89 = tpu.vector_load %arg8[%swap3A_87, %swap3A_88] {strides = array<i32>} : memref<80x128xf32, #tpu.memory_space<vmem>>, vector<16xf32>,
      tpu.vector_store %arg8[%swap3A_87, %swap3A_88], %mul3A_86 {strides = array<i32>} : memref<80x128xf32, #tpu.memory_space<vmem>>, vector<16xf32>,
      %get3A_90 = arith.index_cast %add3A_50 : i32 to index
      %get3A_91 = arith.constant 48 : index
      %get3A_92 = tpu.vector_load %arg8[%get3A_90, %get3A_91] {strides = array<i32>} : memref<80x128xf32, #tpu.memory_space<vmem>>, vector<16xf32>,
      %mul3A_93 = arith.mulf %get3A_92, %gather3A_82 : vector<16xf32>
      %swap3A_94 = arith.index_cast %add3A_50 : i32 to index
      %swap3A_95 = arith.constant 48 : index
      %swap3A_96 = tpu.vector_load %arg8[%swap3A_94, %swap3A_95] {strides = array<i32>} : memref<80x128xf32, #tpu.memory_space<vmem>>, vector<16xf32>,
      tpu.vector_store %arg8[%swap3A_94, %swap3A_95], %mul3A_93 {strides = array<i32>} : memref<80x128xf32, #tpu.memory_space<vmem>>, vector<16xf32>,
      %broadcast_in_dim3A_97 = arith.constant 2 : i32
      %broadcast_in_dim3A_98 = vector.broadcast %broadcast_in_dim3A_97 : i32 to vector<16xi32>
      %lt3A_99 = arith.constant 0 : i32
      %lt3A_100 = vector.broadcast %lt3A_99 : i32 to vector<16xi32>
      %lt3A_101 = arith.cmpi slt, %broadcast_in_dim3A_98, %lt3A_100 : vector<16xi32>
      %add3A_102 = arith.constant 16 : i32
      %add3A_103 = vector.broadcast %add3A_102 : i32 to vector<16xi32>
      %add3A_104 = arith.addi %broadcast_in_dim3A_98, %add3A_103 : vector<16xi32>
      %select_n3A_105 = arith.select %lt3A_101, %add3A_104, %broadcast_in_dim3A_98 : vector<16xi1>, vector<16xi32>
      %reshape3A_106 = vector.shape_cast %select_n3A_105 : vector<16xi32> to vector<16x1xi32>
      %gather3A_107 = vector.shape_cast %reshape3A_106 : vector<16x1xi32> to vector<16xi32>
      %gather3A_108 = tpu.dynamic_gather %get3A_46[%gather3A_107] in [0] : vector<16xf32>, vector<16xi32> -> vector<16xf32>
      %get3A_109 = arith.index_cast %add3A_50 : i32 to index
      %get3A_110 = arith.constant 64 : index
      %get3A_111 = tpu.vector_load %arg8[%get3A_109, %get3A_110] {strides = array<i32>} : memref<80x128xf32, #tpu.memory_space<vmem>>, vector<16xf32>,
      %mul3A_112 = arith.mulf %get3A_111, %gather3A_108 : vector<16xf32>
      %swap3A_113 = arith.index_cast %add3A_50 : i32 to index
      %swap3A_114 = arith.constant 64 : index
      %swap3A_115 = tpu.vector_load %arg8[%swap3A_113, %swap3A_114] {strides = array<i32>} : memref<80x128xf32, #tpu.memory_space<vmem>>, vector<16xf32>,
      tpu.vector_store %arg8[%swap3A_113, %swap3A_114], %mul3A_112 {strides = array<i32>} : memref<80x128xf32, #tpu.memory_space<vmem>>, vector<16xf32>,
      %get3A_116 = arith.index_cast %add3A_50 : i32 to index
      %get3A_117 = arith.constant 80 : index
      %get3A_118 = tpu.vector_load %arg8[%get3A_116, %get3A_117] {strides = array<i32>} : memref<80x128xf32, #tpu.memory_space<vmem>>, vector<16xf32>,
      %mul3A_119 = arith.mulf %get3A_118, %gather3A_108 : vector<16xf32>
      %swap3A_120 = arith.index_cast %add3A_50 : i32 to index
      %swap3A_121 = arith.constant 80 : index
      %swap3A_122 = tpu.vector_load %arg8[%swap3A_120, %swap3A_121] {strides = array<i32>} : memref<80x128xf32, #tpu.memory_space<vmem>>, vector<16xf32>,
      tpu.vector_store %arg8[%swap3A_120, %swap3A_121], %mul3A_119 {strides = array<i32>} : memref<80x128xf32, #tpu.memory_space<vmem>>, vector<16xf32>,
      %broadcast_in_dim3A_123 = arith.constant 3 : i32
      %broadcast_in_dim3A_124 = vector.broadcast %broadcast_in_dim3A_123 : i32 to vector<16xi32>
      %lt3A_125 = arith.constant 0 : i32
      %lt3A_126 = vector.broadcast %lt3A_125 : i32 to vector<16xi32>
      %lt3A_127 = arith.cmpi slt, %broadcast_in_dim3A_124, %lt3A_126 : vector<16xi32>
      %add3A_128 = arith.constant 16 : i32
      %add3A_129 = vector.broadcast %add3A_128 : i32 to vector<16xi32>
      %add3A_130 = arith.addi %broadcast_in_dim3A_124, %add3A_129 : vector<16xi32>
      %select_n3A_131 = arith.select %lt3A_127, %add3A_130, %broadcast_in_dim3A_124 : vector<16xi1>, vector<16xi32>
      %reshape3A_132 = vector.shape_cast %select_n3A_131 : vector<16xi32> to vector<16x1xi32>
      %gather3A_133 = vector.shape_cast %reshape3A_132 : vector<16x1xi32> to vector<16xi32>
      %gather3A_134 = tpu.dynamic_gather %get3A_46[%gather3A_133] in [0] : vector<16xf32>, vector<16xi32> -> vector<16xf32>
      %get3A_135 = arith.index_cast %add3A_50 : i32 to index
      %get3A_136 = arith.constant 96 : index
      %get3A_137 = tpu.vector_load %arg8[%get3A_135, %get3A_136] {strides = array<i32>} : memref<80x128xf32, #tpu.memory_space<vmem>>, vector<16xf32>,
      %mul3A_138 = arith.mulf %get3A_137, %gather3A_134 : vector<16xf32>
      %swap3A_139 = arith.index_cast %add3A_50 : i32 to index
      %swap3A_140 = arith.constant 96 : index
      %swap3A_141 = tpu.vector_load %arg8[%swap3A_139, %swap3A_140] {strides = array<i32>} : memref<80x128xf32, #tpu.memory_space<vmem>>, vector<16xf32>,
      tpu.vector_store %arg8[%swap3A_139, %swap3A_140], %mul3A_138 {strides = array<i32>} : memref<80x128xf32, #tpu.memory_space<vmem>>, vector<16xf32>,
      %get3A_142 = arith.index_cast %add3A_50 : i32 to index
      %get3A_143 = arith.constant 112 : index
      %get3A_144 = tpu.vector_load %arg8[%get3A_142, %get3A_143] {strides = array<i32>} : memref<80x128xf32, #tpu.memory_space<vmem>>, vector<16xf32>,
      %mul3A_145 = arith.mulf %get3A_144, %gather3A_134 : vector<16xf32>
      %swap3A_146 = arith.index_cast %add3A_50 : i32 to index
      %swap3A_147 = arith.constant 112 : index
      %swap3A_148 = tpu.vector_load %arg8[%swap3A_146, %swap3A_147] {strides = array<i32>} : memref<80x128xf32, #tpu.memory_space<vmem>>, vector<16xf32>,
      tpu.vector_store %arg8[%swap3A_146, %swap3A_147], %mul3A_145 {strides = array<i32>} : memref<80x128xf32, #tpu.memory_space<vmem>>, vector<16xf32>,
      %mul3A_149 = arith.constant 4 : i32
      %mul3A_150 = arith.muli %add3A_43, %mul3A_149 : i32
      %add3A_151 = arith.constant 1 : i32
      %add3A_152 = arith.addi %mul3A_150, %add3A_151 : i32
      %broadcast_in_dim3A_153 = arith.constant 4 : i32
      %broadcast_in_dim3A_154 = vector.broadcast %broadcast_in_dim3A_153 : i32 to vector<16xi32>
      %lt3A_155 = arith.constant 0 : i32
      %lt3A_156 = vector.broadcast %lt3A_155 : i32 to vector<16xi32>
      %lt3A_157 = arith.cmpi slt, %broadcast_in_dim3A_154, %lt3A_156 : vector<16xi32>
      %add3A_158 = arith.constant 16 : i32
      %add3A_159 = vector.broadcast %add3A_158 : i32 to vector<16xi32>
      %add3A_160 = arith.addi %broadcast_in_dim3A_154, %add3A_159 : vector<16xi32>
      %select_n3A_161 = arith.select %lt3A_157, %add3A_160, %broadcast_in_dim3A_154 : vector<16xi1>, vector<16xi32>
      %reshape3A_162 = vector.shape_cast %select_n3A_161 : vector<16xi32> to vector<16x1xi32>
      %gather3A_163 = vector.shape_cast %reshape3A_162 : vector<16x1xi32> to vector<16xi32>
      %gather3A_164 = tpu.dynamic_gather %get3A_46[%gather3A_163] in [0] : vector<16xf32>, vector<16xi32> -> vector<16xf32>
      %get3A_165 = arith.index_cast %add3A_152 : i32 to index
      %get3A_166 = arith.constant 0 : index
      %get3A_167 = tpu.vector_load %arg8[%get3A_165, %get3A_166] {strides = array<i32>} : memref<80x128xf32, #tpu.memory_space<vmem>>, vector<16xf32>,
      %mul3A_168 = arith.mulf %get3A_167, %gather3A_164 : vector<16xf32>
      %swap3A_169 = arith.index_cast %add3A_152 : i32 to index
      %swap3A_170 = arith.constant 0 : index
      %swap3A_171 = tpu.vector_load %arg8[%swap3A_169, %swap3A_170] {strides = array<i32>} : memref<80x128xf32, #tpu.memory_space<vmem>>, vector<16xf32>,
      tpu.vector_store %arg8[%swap3A_169, %swap3A_170], %mul3A_168 {strides = array<i32>} : memref<80x128xf32, #tpu.memory_space<vmem>>, vector<16xf32>,
      %get3A_172 = arith.index_cast %add3A_152 : i32 to index
      %get3A_173 = arith.constant 16 : index
      %get3A_174 = tpu.vector_load %arg8[%get3A_172, %get3A_173] {strides = array<i32>} : memref<80x128xf32, #tpu.memory_space<vmem>>, vector<16xf32>,
      %mul3A_175 = arith.mulf %get3A_174, %gather3A_164 : vector<16xf32>
      %swap3A_176 = arith.index_cast %add3A_152 : i32 to index
      %swap3A_177 = arith.constant 16 : index
      %swap3A_178 = tpu.vector_load %arg8[%swap3A_176, %swap3A_177] {strides = array<i32>} : memref<80x128xf32, #tpu.memory_space<vmem>>, vector<16xf32>,
      tpu.vector_store %arg8[%swap3A_176, %swap3A_177], %mul3A_175 {strides = array<i32>} : memref<80x128xf32, #tpu.memory_space<vmem>>, vector<16xf32>,
      %broadcast_in_dim3A_179 = arith.constant 5 : i32
      %broadcast_in_dim3A_180 = vector.broadcast %broadcast_in_dim3A_179 : i32 to vector<16xi32>
      %lt3A_181 = arith.constant 0 : i32
      %lt3A_182 = vector.broadcast %lt3A_181 : i32 to vector<16xi32>
      %lt3A_183 = arith.cmpi slt, %broadcast_in_dim3A_180, %lt3A_182 : vector<16xi32>
      %add3A_184 = arith.constant 16 : i32
      %add3A_185 = vector.broadcast %add3A_184 : i32 to vector<16xi32>
      %add3A_186 = arith.addi %broadcast_in_dim3A_180, %add3A_185 : vector<16xi32>
      %select_n3A_187 = arith.select %lt3A_183, %add3A_186, %broadcast_in_dim3A_180 : vector<16xi1>, vector<16xi32>
      %reshape3A_188 = vector.shape_cast %select_n3A_187 : vector<16xi32> to vector<16x1xi32>
      %gather3A_189 = vector.shape_cast %reshape3A_188 : vector<16x1xi32> to vector<16xi32>
      %gather3A_190 = tpu.dynamic_gather %get3A_46[%gather3A_189] in [0] : vector<16xf32>, vector<16xi32> -> vector<16xf32>
      %get3A_191 = arith.index_cast %add3A_152 : i32 to index
      %get3A_192 = arith.constant 32 : index
      %get3A_193 = tpu.vector_load %arg8[%get3A_191, %get3A_192] {strides = array<i32>} : memref<80x128xf32, #tpu.memory_space<vmem>>, vector<16xf32>,
      %mul3A_194 = arith.mulf %get3A_193, %gather3A_190 : vector<16xf32>
      %swap3A_195 = arith.index_cast %add3A_152 : i32 to index
      %swap3A_196 = arith.constant 32 : index
      %swap3A_197 = tpu.vector_load %arg8[%swap3A_195, %swap3A_196] {strides = array<i32>} : memref<80x128xf32, #tpu.memory_space<vmem>>, vector<16xf32>,
      tpu.vector_store %arg8[%swap3A_195, %swap3A_196], %mul3A_194 {strides = array<i32>} : memref<80x128xf32, #tpu.memory_space<vmem>>, vector<16xf32>,
      %get3A_198 = arith.index_cast %add3A_152 : i32 to index
      %get3A_199 = arith.constant 48 : index
      %get3A_200 = tpu.vector_load %arg8[%get3A_198, %get3A_199] {strides = array<i32>} : memref<80x128xf32, #tpu.memory_space<vmem>>, vector<16xf32>,
      %mul3A_201 = arith.mulf %get3A_200, %gather3A_190 : vector<16xf32>
      %swap3A_202 = arith.index_cast %add3A_152 : i32 to index
      %swap3A_203 = arith.constant 48 : index
      %swap3A_204 = tpu.vector_load %arg8[%swap3A_202, %swap3A_203] {strides = array<i32>} : memref<80x128xf32, #tpu.memory_space<vmem>>, vector<16xf32>,
      tpu.vector_store %arg8[%swap3A_202, %swap3A_203], %mul3A_201 {strides = array<i32>} : memref<80x128xf32, #tpu.memory_space<vmem>>, vector<16xf32>,
      %broadcast_in_dim3A_205 = arith.constant 6 : i32
      %broadcast_in_dim3A_206 = vector.broadcast %broadcast_in_dim3A_205 : i32 to vector<16xi32>
      %lt3A_207 = arith.constant 0 : i32
      %lt3A_208 = vector.broadcast %lt3A_207 : i32 to vector<16xi32>
      %lt3A_209 = arith.cmpi slt, %broadcast_in_dim3A_206, %lt3A_208 : vector<16xi32>
      %add3A_210 = arith.constant 16 : i32
      %add3A_211 = vector.broadcast %add3A_210 : i32 to vector<16xi32>
      %add3A_212 = arith.addi %broadcast_in_dim3A_206, %add3A_211 : vector<16xi32>
      %select_n3A_213 = arith.select %lt3A_209, %add3A_212, %broadcast_in_dim3A_206 : vector<16xi1>, vector<16xi32>
      %reshape3A_214 = vector.shape_cast %select_n3A_213 : vector<16xi32> to vector<16x1xi32>
      %gather3A_215 = vector.shape_cast %reshape3A_214 : vector<16x1xi32> to vector<16xi32>
      %gather3A_216 = tpu.dynamic_gather %get3A_46[%gather3A_215] in [0] : vector<16xf32>, vector<16xi32> -> vector<16xf32>
      %get3A_217 = arith.index_cast %add3A_152 : i32 to index
      %get3A_218 = arith.constant 64 : index
      %get3A_219 = tpu.vector_load %arg8[%get3A_217, %get3A_218] {strides = array<i32>} : memref<80x128xf32, #tpu.memory_space<vmem>>, vector<16xf32>,
      %mul3A_220 = arith.mulf %get3A_219, %gather3A_216 : vector<16xf32>
      %swap3A_221 = arith.index_cast %add3A_152 : i32 to index
      %swap3A_222 = arith.constant 64 : index
      %swap3A_223 = tpu.vector_load %arg8[%swap3A_221, %swap3A_222] {strides = array<i32>} : memref<80x128xf32, #tpu.memory_space<vmem>>, vector<16xf32>,
      tpu.vector_store %arg8[%swap3A_221, %swap3A_222], %mul3A_220 {strides = array<i32>} : memref<80x128xf32, #tpu.memory_space<vmem>>, vector<16xf32>,
      %get3A_224 = arith.index_cast %add3A_152 : i32 to index
      %get3A_225 = arith.constant 80 : index
      %get3A_226 = tpu.vector_load %arg8[%get3A_224, %get3A_225] {strides = array<i32>} : memref<80x128xf32, #tpu.memory_space<vmem>>, vector<16xf32>,
      %mul3A_227 = arith.mulf %get3A_226, %gather3A_216 : vector<16xf32>
      %swap3A_228 = arith.index_cast %add3A_152 : i32 to index
      %swap3A_229 = arith.constant 80 : index
      %swap3A_230 = tpu.vector_load %arg8[%swap3A_228, %swap3A_229] {strides = array<i32>} : memref<80x128xf32, #tpu.memory_space<vmem>>, vector<16xf32>,
      tpu.vector_store %arg8[%swap3A_228, %swap3A_229], %mul3A_227 {strides = array<i32>} : memref<80x128xf32, #tpu.memory_space<vmem>>, vector<16xf32>,
      %broadcast_in_dim3A_231 = arith.constant 7 : i32
      %broadcast_in_dim3A_232 = vector.broadcast %broadcast_in_dim3A_231 : i32 to vector<16xi32>
      %lt3A_233 = arith.constant 0 : i32
      %lt3A_234 = vector.broadcast %lt3A_233 : i32 to vector<16xi32>
      %lt3A_235 = arith.cmpi slt, %broadcast_in_dim3A_232, %lt3A_234 : vector<16xi32>
      %add3A_236 = arith.constant 16 : i32
      %add3A_237 = vector.broadcast %add3A_236 : i32 to vector<16xi32>
      %add3A_238 = arith.addi %broadcast_in_dim3A_232, %add3A_237 : vector<16xi32>
      %select_n3A_239 = arith.select %lt3A_235, %add3A_238, %broadcast_in_dim3A_232 : vector<16xi1>, vector<16xi32>
      %reshape3A_240 = vector.shape_cast %select_n3A_239 : vector<16xi32> to vector<16x1xi32>
      %gather3A_241 = vector.shape_cast %reshape3A_240 : vector<16x1xi32> to vector<16xi32>
      %gather3A_242 = tpu.dynamic_gather %get3A_46[%gather3A_241] in [0] : vector<16xf32>, vector<16xi32> -> vector<16xf32>
      %get3A_243 = arith.index_cast %add3A_152 : i32 to index
      %get3A_244 = arith.constant 96 : index
      %get3A_245 = tpu.vector_load %arg8[%get3A_243, %get3A_244] {strides = array<i32>} : memref<80x128xf32, #tpu.memory_space<vmem>>, vector<16xf32>,
      %mul3A_246 = arith.mulf %get3A_245, %gather3A_242 : vector<16xf32>
      %swap3A_247 = arith.index_cast %add3A_152 : i32 to index
      %swap3A_248 = arith.constant 96 : index
      %swap3A_249 = tpu.vector_load %arg8[%swap3A_247, %swap3A_248] {strides = array<i32>} : memref<80x128xf32, #tpu.memory_space<vmem>>, vector<16xf32>,
      tpu.vector_store %arg8[%swap3A_247, %swap3A_248], %mul3A_246 {strides = array<i32>} : memref<80x128xf32, #tpu.memory_space<vmem>>, vector<16xf32>,
      %get3A_250 = arith.index_cast %add3A_152 : i32 to index
      %get3A_251 = arith.constant 112 : index
      %get3A_252 = tpu.vector_load %arg8[%get3A_250, %get3A_251] {strides = array<i32>} : memref<80x128xf32, #tpu.memory_space<vmem>>, vector<16xf32>,
      %mul3A_253 = arith.mulf %get3A_252, %gather3A_242 : vector<16xf32>
      %swap3A_254 = arith.index_cast %add3A_152 : i32 to index
      %swap3A_255 = arith.constant 112 : index
      %swap3A_256 = tpu.vector_load %arg8[%swap3A_254, %swap3A_255] {strides = array<i32>} : memref<80x128xf32, #tpu.memory_space<vmem>>, vector<16xf32>,
      tpu.vector_store %arg8[%swap3A_254, %swap3A_255], %mul3A_253 {strides = array<i32>} : memref<80x128xf32, #tpu.memory_space<vmem>>, vector<16xf32>,
      %mul3A_257 = arith.constant 4 : i32
      %mul3A_258 = arith.muli %add3A_43, %mul3A_257 : i32
      %add3A_259 = arith.constant 2 : i32
      %add3A_260 = arith.addi %mul3A_258, %add3A_259 : i32
      %broadcast_in_dim3A_261 = arith.constant 8 : i32
      %broadcast_in_dim3A_262 = vector.broadcast %broadcast_in_dim3A_261 : i32 to vector<16xi32>
      %lt3A_263 = arith.constant 0 : i32
      %lt3A_264 = vector.broadcast %lt3A_263 : i32 to vector<16xi32>
      %lt3A_265 = arith.cmpi slt, %broadcast_in_dim3A_262, %lt3A_264 : vector<16xi32>
      %add3A_266 = arith.constant 16 : i32
      %add3A_267 = vector.broadcast %add3A_266 : i32 to vector<16xi32>
      %add3A_268 = arith.addi %broadcast_in_dim3A_262, %add3A_267 : vector<16xi32>
      %select_n3A_269 = arith.select %lt3A_265, %add3A_268, %broadcast_in_dim3A_262 : vector<16xi1>, vector<16xi32>
      %reshape3A_270 = vector.shape_cast %select_n3A_269 : vector<16xi32> to vector<16x1xi32>
      %gather3A_271 = vector.shape_cast %reshape3A_270 : vector<16x1xi32> to vector<16xi32>
      %gather3A_272 = tpu.dynamic_gather %get3A_46[%gather3A_271] in [0] : vector<16xf32>, vector<16xi32> -> vector<16xf32>
      %get3A_273 = arith.index_cast %add3A_260 : i32 to index
      %get3A_274 = arith.constant 0 : index
      %get3A_275 = tpu.vector_load %arg8[%get3A_273, %get3A_274] {strides = array<i32>} : memref<80x128xf32, #tpu.memory_space<vmem>>, vector<16xf32>,
      %mul3A_276 = arith.mulf %get3A_275, %gather3A_272 : vector<16xf32>
      %swap3A_277 = arith.index_cast %add3A_260 : i32 to index
      %swap3A_278 = arith.constant 0 : index
      %swap3A_279 = tpu.vector_load %arg8[%swap3A_277, %swap3A_278] {strides = array<i32>} : memref<80x128xf32, #tpu.memory_space<vmem>>, vector<16xf32>,
      tpu.vector_store %arg8[%swap3A_277, %swap3A_278], %mul3A_276 {strides = array<i32>} : memref<80x128xf32, #tpu.memory_space<vmem>>, vector<16xf32>,
      %get3A_280 = arith.index_cast %add3A_260 : i32 to index
      %get3A_281 = arith.constant 16 : index
      %get3A_282 = tpu.vector_load %arg8[%get3A_280, %get3A_281] {strides = array<i32>} : memref<80x128xf32, #tpu.memory_space<vmem>>, vector<16xf32>,
      %mul3A_283 = arith.mulf %get3A_282, %gather3A_272 : vector<16xf32>
      %swap3A_284 = arith.index_cast %add3A_260 : i32 to index
      %swap3A_285 = arith.constant 16 : index
      %swap3A_286 = tpu.vector_load %arg8[%swap3A_284, %swap3A_285] {strides = array<i32>} : memref<80x128xf32, #tpu.memory_space<vmem>>, vector<16xf32>,
      tpu.vector_store %arg8[%swap3A_284, %swap3A_285], %mul3A_283 {strides = array<i32>} : memref<80x128xf32, #tpu.memory_space<vmem>>, vector<16xf32>,
      %broadcast_in_dim3A_287 = arith.constant 9 : i32
      %broadcast_in_dim3A_288 = vector.broadcast %broadcast_in_dim3A_287 : i32 to vector<16xi32>
      %lt3A_289 = arith.constant 0 : i32
      %lt3A_290 = vector.broadcast %lt3A_289 : i32 to vector<16xi32>
      %lt3A_291 = arith.cmpi slt, %broadcast_in_dim3A_288, %lt3A_290 : vector<16xi32>
      %add3A_292 = arith.constant 16 : i32
      %add3A_293 = vector.broadcast %add3A_292 : i32 to vector<16xi32>
      %add3A_294 = arith.addi %broadcast_in_dim3A_288, %add3A_293 : vector<16xi32>
      %select_n3A_295 = arith.select %lt3A_291, %add3A_294, %broadcast_in_dim3A_288 : vector<16xi1>, vector<16xi32>
      %reshape3A_296 = vector.shape_cast %select_n3A_295 : vector<16xi32> to vector<16x1xi32>
      %gather3A_297 = vector.shape_cast %reshape3A_296 : vector<16x1xi32> to vector<16xi32>
      %gather3A_298 = tpu.dynamic_gather %get3A_46[%gather3A_297] in [0] : vector<16xf32>, vector<16xi32> -> vector<16xf32>
      %get3A_299 = arith.index_cast %add3A_260 : i32 to index
      %get3A_300 = arith.constant 32 : index
      %get3A_301 = tpu.vector_load %arg8[%get3A_299, %get3A_300] {strides = array<i32>} : memref<80x128xf32, #tpu.memory_space<vmem>>, vector<16xf32>,
      %mul3A_302 = arith.mulf %get3A_301, %gather3A_298 : vector<16xf32>
      %swap3A_303 = arith.index_cast %add3A_260 : i32 to index
      %swap3A_304 = arith.constant 32 : index
      %swap3A_305 = tpu.vector_load %arg8[%swap3A_303, %swap3A_304] {strides = array<i32>} : memref<80x128xf32, #tpu.memory_space<vmem>>, vector<16xf32>,
      tpu.vector_store %arg8[%swap3A_303, %swap3A_304], %mul3A_302 {strides = array<i32>} : memref<80x128xf32, #tpu.memory_space<vmem>>, vector<16xf32>,
      %get3A_306 = arith.index_cast %add3A_260 : i32 to index
      %get3A_307 = arith.constant 48 : index
      %get3A_308 = tpu.vector_load %arg8[%get3A_306, %get3A_307] {strides = array<i32>} : memref<80x128xf32, #tpu.memory_space<vmem>>, vector<16xf32>,
      %mul3A_309 = arith.mulf %get3A_308, %gather3A_298 : vector<16xf32>
      %swap3A_310 = arith.index_cast %add3A_260 : i32 to index
      %swap3A_311 = arith.constant 48 : index
      %swap3A_312 = tpu.vector_load %arg8[%swap3A_310, %swap3A_311] {strides = array<i32>} : memref<80x128xf32, #tpu.memory_space<vmem>>, vector<16xf32>,
      tpu.vector_store %arg8[%swap3A_310, %swap3A_311], %mul3A_309 {strides = array<i32>} : memref<80x128xf32, #tpu.memory_space<vmem>>, vector<16xf32>,
      %broadcast_in_dim3A_313 = arith.constant 10 : i32
      %broadcast_in_dim3A_314 = vector.broadcast %broadcast_in_dim3A_313 : i32 to vector<16xi32>
      %lt3A_315 = arith.constant 0 : i32
      %lt3A_316 = vector.broadcast %lt3A_315 : i32 to vector<16xi32>
      %lt3A_317 = arith.cmpi slt, %broadcast_in_dim3A_314, %lt3A_316 : vector<16xi32>
      %add3A_318 = arith.constant 16 : i32
      %add3A_319 = vector.broadcast %add3A_318 : i32 to vector<16xi32>
      %add3A_320 = arith.addi %broadcast_in_dim3A_314, %add3A_319 : vector<16xi32>
      %select_n3A_321 = arith.select %lt3A_317, %add3A_320, %broadcast_in_dim3A_314 : vector<16xi1>, vector<16xi32>
      %reshape3A_322 = vector.shape_cast %select_n3A_321 : vector<16xi32> to vector<16x1xi32>
      %gather3A_323 = vector.shape_cast %reshape3A_322 : vector<16x1xi32> to vector<16xi32>
      %gather3A_324 = tpu.dynamic_gather %get3A_46[%gather3A_323] in [0] : vector<16xf32>, vector<16xi32> -> vector<16xf32>
      %get3A_325 = arith.index_cast %add3A_260 : i32 to index
      %get3A_326 = arith.constant 64 : index
      %get3A_327 = tpu.vector_load %arg8[%get3A_325, %get3A_326] {strides = array<i32>} : memref<80x128xf32, #tpu.memory_space<vmem>>, vector<16xf32>,
      %mul3A_328 = arith.mulf %get3A_327, %gather3A_324 : vector<16xf32>
      %swap3A_329 = arith.index_cast %add3A_260 : i32 to index
      %swap3A_330 = arith.constant 64 : index
      %swap3A_331 = tpu.vector_load %arg8[%swap3A_329, %swap3A_330] {strides = array<i32>} : memref<80x128xf32, #tpu.memory_space<vmem>>, vector<16xf32>,
      tpu.vector_store %arg8[%swap3A_329, %swap3A_330], %mul3A_328 {strides = array<i32>} : memref<80x128xf32, #tpu.memory_space<vmem>>, vector<16xf32>,
      %get3A_332 = arith.index_cast %add3A_260 : i32 to index
      %get3A_333 = arith.constant 80 : index
      %get3A_334 = tpu.vector_load %arg8[%get3A_332, %get3A_333] {strides = array<i32>} : memref<80x128xf32, #tpu.memory_space<vmem>>, vector<16xf32>,
      %mul3A_335 = arith.mulf %get3A_334, %gather3A_324 : vector<16xf32>
      %swap3A_336 = arith.index_cast %add3A_260 : i32 to index
      %swap3A_337 = arith.constant 80 : index
      %swap3A_338 = tpu.vector_load %arg8[%swap3A_336, %swap3A_337] {strides = array<i32>} : memref<80x128xf32, #tpu.memory_space<vmem>>, vector<16xf32>,
      tpu.vector_store %arg8[%swap3A_336, %swap3A_337], %mul3A_335 {strides = array<i32>} : memref<80x128xf32, #tpu.memory_space<vmem>>, vector<16xf32>,
      %broadcast_in_dim3A_339 = arith.constant 11 : i32
      %broadcast_in_dim3A_340 = vector.broadcast %broadcast_in_dim3A_339 : i32 to vector<16xi32>
      %lt3A_341 = arith.constant 0 : i32
      %lt3A_342 = vector.broadcast %lt3A_341 : i32 to vector<16xi32>
      %lt3A_343 = arith.cmpi slt, %broadcast_in_dim3A_340, %lt3A_342 : vector<16xi32>
      %add3A_344 = arith.constant 16 : i32
      %add3A_345 = vector.broadcast %add3A_344 : i32 to vector<16xi32>
      %add3A_346 = arith.addi %broadcast_in_dim3A_340, %add3A_345 : vector<16xi32>
      %select_n3A_347 = arith.select %lt3A_343, %add3A_346, %broadcast_in_dim3A_340 : vector<16xi1>, vector<16xi32>
      %reshape3A_348 = vector.shape_cast %select_n3A_347 : vector<16xi32> to vector<16x1xi32>
      %gather3A_349 = vector.shape_cast %reshape3A_348 : vector<16x1xi32> to vector<16xi32>
      %gather3A_350 = tpu.dynamic_gather %get3A_46[%gather3A_349] in [0] : vector<16xf32>, vector<16xi32> -> vector<16xf32>
      %get3A_351 = arith.index_cast %add3A_260 : i32 to index
      %get3A_352 = arith.constant 96 : index
      %get3A_353 = tpu.vector_load %arg8[%get3A_351, %get3A_352] {strides = array<i32>} : memref<80x128xf32, #tpu.memory_space<vmem>>, vector<16xf32>,
      %mul3A_354 = arith.mulf %get3A_353, %gather3A_350 : vector<16xf32>
      %swap3A_355 = arith.index_cast %add3A_260 : i32 to index
      %swap3A_356 = arith.constant 96 : index
      %swap3A_357 = tpu.vector_load %arg8[%swap3A_355, %swap3A_356] {strides = array<i32>} : memref<80x128xf32, #tpu.memory_space<vmem>>, vector<16xf32>,
      tpu.vector_store %arg8[%swap3A_355, %swap3A_356], %mul3A_354 {strides = array<i32>} : memref<80x128xf32, #tpu.memory_space<vmem>>, vector<16xf32>,
      %get3A_358 = arith.index_cast %add3A_260 : i32 to index
      %get3A_359 = arith.constant 112 : index
      %get3A_360 = tpu.vector_load %arg8[%get3A_358, %get3A_359] {strides = array<i32>} : memref<80x128xf32, #tpu.memory_space<vmem>>, vector<16xf32>,
      %mul3A_361 = arith.mulf %get3A_360, %gather3A_350 : vector<16xf32>
      %swap3A_362 = arith.index_cast %add3A_260 : i32 to index
      %swap3A_363 = arith.constant 112 : index
      %swap3A_364 = tpu.vector_load %arg8[%swap3A_362, %swap3A_363] {strides = array<i32>} : memref<80x128xf32, #tpu.memory_space<vmem>>, vector<16xf32>,
      tpu.vector_store %arg8[%swap3A_362, %swap3A_363], %mul3A_361 {strides = array<i32>} : memref<80x128xf32, #tpu.memory_space<vmem>>, vector<16xf32>,
      %mul3A_365 = arith.constant 4 : i32
      %mul3A_366 = arith.muli %add3A_43, %mul3A_365 : i32
      %add3A_367 = arith.constant 3 : i32
      %add3A_368 = arith.addi %mul3A_366, %add3A_367 : i32
      %broadcast_in_dim3A_369 = arith.constant 12 : i32
      %broadcast_in_dim3A_370 = vector.broadcast %broadcast_in_dim3A_369 : i32 to vector<16xi32>
      %lt3A_371 = arith.constant 0 : i32
      %lt3A_372 = vector.broadcast %lt3A_371 : i32 to vector<16xi32>
      %lt3A_373 = arith.cmpi slt, %broadcast_in_dim3A_370, %lt3A_372 : vector<16xi32>
      %add3A_374 = arith.constant 16 : i32
      %add3A_375 = vector.broadcast %add3A_374 : i32 to vector<16xi32>
      %add3A_376 = arith.addi %broadcast_in_dim3A_370, %add3A_375 : vector<16xi32>
      %select_n3A_377 = arith.select %lt3A_373, %add3A_376, %broadcast_in_dim3A_370 : vector<16xi1>, vector<16xi32>
      %reshape3A_378 = vector.shape_cast %select_n3A_377 : vector<16xi32> to vector<16x1xi32>
      %gather3A_379 = vector.shape_cast %reshape3A_378 : vector<16x1xi32> to vector<16xi32>
      %gather3A_380 = tpu.dynamic_gather %get3A_46[%gather3A_379] in [0] : vector<16xf32>, vector<16xi32> -> vector<16xf32>
      %get3A_381 = arith.index_cast %add3A_368 : i32 to index
      %get3A_382 = arith.constant 0 : index
      %get3A_383 = tpu.vector_load %arg8[%get3A_381, %get3A_382] {strides = array<i32>} : memref<80x128xf32, #tpu.memory_space<vmem>>, vector<16xf32>,
      %mul3A_384 = arith.mulf %get3A_383, %gather3A_380 : vector<16xf32>
      %swap3A_385 = arith.index_cast %add3A_368 : i32 to index
      %swap3A_386 = arith.constant 0 : index
      %swap3A_387 = tpu.vector_load %arg8[%swap3A_385, %swap3A_386] {strides = array<i32>} : memref<80x128xf32, #tpu.memory_space<vmem>>, vector<16xf32>,
      tpu.vector_store %arg8[%swap3A_385, %swap3A_386], %mul3A_384 {strides = array<i32>} : memref<80x128xf32, #tpu.memory_space<vmem>>, vector<16xf32>,
      %get3A_388 = arith.index_cast %add3A_368 : i32 to index
      %get3A_389 = arith.constant 16 : index
      %get3A_390 = tpu.vector_load %arg8[%get3A_388, %get3A_389] {strides = array<i32>} : memref<80x128xf32, #tpu.memory_space<vmem>>, vector<16xf32>,
      %mul3A_391 = arith.mulf %get3A_390, %gather3A_380 : vector<16xf32>
      %swap3A_392 = arith.index_cast %add3A_368 : i32 to index
      %swap3A_393 = arith.constant 16 : index
      %swap3A_394 = tpu.vector_load %arg8[%swap3A_392, %swap3A_393] {strides = array<i32>} : memref<80x128xf32, #tpu.memory_space<vmem>>, vector<16xf32>,
      tpu.vector_store %arg8[%swap3A_392, %swap3A_393], %mul3A_391 {strides = array<i32>} : memref<80x128xf32, #tpu.memory_space<vmem>>, vector<16xf32>,
      %broadcast_in_dim3A_395 = arith.constant 13 : i32
      %broadcast_in_dim3A_396 = vector.broadcast %broadcast_in_dim3A_395 : i32 to vector<16xi32>
      %lt3A_397 = arith.constant 0 : i32
      %lt3A_398 = vector.broadcast %lt3A_397 : i32 to vector<16xi32>
      %lt3A_399 = arith.cmpi slt, %broadcast_in_dim3A_396, %lt3A_398 : vector<16xi32>
      %add3A_400 = arith.constant 16 : i32
      %add3A_401 = vector.broadcast %add3A_400 : i32 to vector<16xi32>
      %add3A_402 = arith.addi %broadcast_in_dim3A_396, %add3A_401 : vector<16xi32>
      %select_n3A_403 = arith.select %lt3A_399, %add3A_402, %broadcast_in_dim3A_396 : vector<16xi1>, vector<16xi32>
      %reshape3A_404 = vector.shape_cast %select_n3A_403 : vector<16xi32> to vector<16x1xi32>
      %gather3A_405 = vector.shape_cast %reshape3A_404 : vector<16x1xi32> to vector<16xi32>
      %gather3A_406 = tpu.dynamic_gather %get3A_46[%gather3A_405] in [0] : vector<16xf32>, vector<16xi32> -> vector<16xf32>
      %get3A_407 = arith.index_cast %add3A_368 : i32 to index
      %get3A_408 = arith.constant 32 : index
      %get3A_409 = tpu.vector_load %arg8[%get3A_407, %get3A_408] {strides = array<i32>} : memref<80x128xf32, #tpu.memory_space<vmem>>, vector<16xf32>,
      %mul3A_410 = arith.mulf %get3A_409, %gather3A_406 : vector<16xf32>
      %swap3A_411 = arith.index_cast %add3A_368 : i32 to index
      %swap3A_412 = arith.constant 32 : index
      %swap3A_413 = tpu.vector_load %arg8[%swap3A_411, %swap3A_412] {strides = array<i32>} : memref<80x128xf32, #tpu.memory_space<vmem>>, vector<16xf32>,
      tpu.vector_store %arg8[%swap3A_411, %swap3A_412], %mul3A_410 {strides = array<i32>} : memref<80x128xf32, #tpu.memory_space<vmem>>, vector<16xf32>,
      %get3A_414 = arith.index_cast %add3A_368 : i32 to index
      %get3A_415 = arith.constant 48 : index
      %get3A_416 = tpu.vector_load %arg8[%get3A_414, %get3A_415] {strides = array<i32>} : memref<80x128xf32, #tpu.memory_space<vmem>>, vector<16xf32>,
      %mul3A_417 = arith.mulf %get3A_416, %gather3A_406 : vector<16xf32>
      %swap3A_418 = arith.index_cast %add3A_368 : i32 to index
      %swap3A_419 = arith.constant 48 : index
      %swap3A_420 = tpu.vector_load %arg8[%swap3A_418, %swap3A_419] {strides = array<i32>} : memref<80x128xf32, #tpu.memory_space<vmem>>, vector<16xf32>,
      tpu.vector_store %arg8[%swap3A_418, %swap3A_419], %mul3A_417 {strides = array<i32>} : memref<80x128xf32, #tpu.memory_space<vmem>>, vector<16xf32>,
      %broadcast_in_dim3A_421 = arith.constant 14 : i32
      %broadcast_in_dim3A_422 = vector.broadcast %broadcast_in_dim3A_421 : i32 to vector<16xi32>
      %lt3A_423 = arith.constant 0 : i32
      %lt3A_424 = vector.broadcast %lt3A_423 : i32 to vector<16xi32>
      %lt3A_425 = arith.cmpi slt, %broadcast_in_dim3A_422, %lt3A_424 : vector<16xi32>
      %add3A_426 = arith.constant 16 : i32
      %add3A_427 = vector.broadcast %add3A_426 : i32 to vector<16xi32>
      %add3A_428 = arith.addi %broadcast_in_dim3A_422, %add3A_427 : vector<16xi32>
      %select_n3A_429 = arith.select %lt3A_425, %add3A_428, %broadcast_in_dim3A_422 : vector<16xi1>, vector<16xi32>
      %reshape3A_430 = vector.shape_cast %select_n3A_429 : vector<16xi32> to vector<16x1xi32>
      %gather3A_431 = vector.shape_cast %reshape3A_430 : vector<16x1xi32> to vector<16xi32>
      %gather3A_432 = tpu.dynamic_gather %get3A_46[%gather3A_431] in [0] : vector<16xf32>, vector<16xi32> -> vector<16xf32>
      %get3A_433 = arith.index_cast %add3A_368 : i32 to index
      %get3A_434 = arith.constant 64 : index
      %get3A_435 = tpu.vector_load %arg8[%get3A_433, %get3A_434] {strides = array<i32>} : memref<80x128xf32, #tpu.memory_space<vmem>>, vector<16xf32>,
      %mul3A_436 = arith.mulf %get3A_435, %gather3A_432 : vector<16xf32>
      %swap3A_437 = arith.index_cast %add3A_368 : i32 to index
      %swap3A_438 = arith.constant 64 : index
      %swap3A_439 = tpu.vector_load %arg8[%swap3A_437, %swap3A_438] {strides = array<i32>} : memref<80x128xf32, #tpu.memory_space<vmem>>, vector<16xf32>,
      tpu.vector_store %arg8[%swap3A_437, %swap3A_438], %mul3A_436 {strides = array<i32>} : memref<80x128xf32, #tpu.memory_space<vmem>>, vector<16xf32>,
      %get3A_440 = arith.index_cast %add3A_368 : i32 to index
      %get3A_441 = arith.constant 80 : index
      %get3A_442 = tpu.vector_load %arg8[%get3A_440, %get3A_441] {strides = array<i32>} : memref<80x128xf32, #tpu.memory_space<vmem>>, vector<16xf32>,
      %mul3A_443 = arith.mulf %get3A_442, %gather3A_432 : vector<16xf32>
      %swap3A_444 = arith.index_cast %add3A_368 : i32 to index
      %swap3A_445 = arith.constant 80 : index
      %swap3A_446 = tpu.vector_load %arg8[%swap3A_444, %swap3A_445] {strides = array<i32>} : memref<80x128xf32, #tpu.memory_space<vmem>>, vector<16xf32>,
      tpu.vector_store %arg8[%swap3A_444, %swap3A_445], %mul3A_443 {strides = array<i32>} : memref<80x128xf32, #tpu.memory_space<vmem>>, vector<16xf32>,
      %broadcast_in_dim3A_447 = arith.constant 15 : i32
      %broadcast_in_dim3A_448 = vector.broadcast %broadcast_in_dim3A_447 : i32 to vector<16xi32>
      %lt3A_449 = arith.constant 0 : i32
      %lt3A_450 = vector.broadcast %lt3A_449 : i32 to vector<16xi32>
      %lt3A_451 = arith.cmpi slt, %broadcast_in_dim3A_448, %lt3A_450 : vector<16xi32>
      %add3A_452 = arith.constant 16 : i32
      %add3A_453 = vector.broadcast %add3A_452 : i32 to vector<16xi32>
      %add3A_454 = arith.addi %broadcast_in_dim3A_448, %add3A_453 : vector<16xi32>
      %select_n3A_455 = arith.select %lt3A_451, %add3A_454, %broadcast_in_dim3A_448 : vector<16xi1>, vector<16xi32>
      %reshape3A_456 = vector.shape_cast %select_n3A_455 : vector<16xi32> to vector<16x1xi32>
      %gather3A_457 = vector.shape_cast %reshape3A_456 : vector<16x1xi32> to vector<16xi32>
      %gather3A_458 = tpu.dynamic_gather %get3A_46[%gather3A_457] in [0] : vector<16xf32>, vector<16xi32> -> vector<16xf32>
      %get3A_459 = arith.index_cast %add3A_368 : i32 to index
      %get3A_460 = arith.constant 96 : index
      %get3A_461 = tpu.vector_load %arg8[%get3A_459, %get3A_460] {strides = array<i32>} : memref<80x128xf32, #tpu.memory_space<vmem>>, vector<16xf32>,
      %mul3A_462 = arith.mulf %get3A_461, %gather3A_458 : vector<16xf32>
      %swap3A_463 = arith.index_cast %add3A_368 : i32 to index
      %swap3A_464 = arith.constant 96 : index
      %swap3A_465 = tpu.vector_load %arg8[%swap3A_463, %swap3A_464] {strides = array<i32>} : memref<80x128xf32, #tpu.memory_space<vmem>>, vector<16xf32>,
      tpu.vector_store %arg8[%swap3A_463, %swap3A_464], %mul3A_462 {strides = array<i32>} : memref<80x128xf32, #tpu.memory_space<vmem>>, vector<16xf32>,
      %get3A_466 = arith.index_cast %add3A_368 : i32 to index
      %get3A_467 = arith.constant 112 : index
      %get3A_468 = tpu.vector_load %arg8[%get3A_466, %get3A_467] {strides = array<i32>} : memref<80x128xf32, #tpu.memory_space<vmem>>, vector<16xf32>,
      %mul3A_469 = arith.mulf %get3A_468, %gather3A_458 : vector<16xf32>
      %swap3A_470 = arith.index_cast %add3A_368 : i32 to index
      %swap3A_471 = arith.constant 112 : index
      %swap3A_472 = tpu.vector_load %arg8[%swap3A_470, %swap3A_471] {strides = array<i32>} : memref<80x128xf32, #tpu.memory_space<vmem>>, vector<16xf32>,
      tpu.vector_store %arg8[%swap3A_470, %swap3A_471], %mul3A_469 {strides = array<i32>} : memref<80x128xf32, #tpu.memory_space<vmem>>, vector<16xf32>,
    }
    %scan3A_37 = arith.constant 20 : i32
    "tpu.region"() ({
      %run_scoped3A = tpu.sem_alloc : memref<!tpu.dma_semaphore, #tpu.memory_space<semaphore_mem>>
      %dma_start3A_39 = arith.constant 0 : i32
      %dma_start3A_40 = arith.constant 0 : i32
      %dma_start3A_41 = tpu.memref_slice %arg7[%dma_start3A_39, %dma_start3A_40] : memref<10240x128xf32, #tpu.memory_space<vmem_shared>> -> memref<10240x128xf32, #tpu.memory_space<vmem_shared>>
      tpu.enqueue_indirect_dma source(%arg8 : memref<80x128xf32, #tpu.memory_space<vmem>>) target(%dma_start3A_41 : memref<10240x128xf32, #tpu.memory_space<vmem_shared>>) offsets(%arg12 : memref<80xi32, #tpu.memory_space<vmem>>) semaphore(%run_scoped3A : memref<!tpu.dma_semaphore, #tpu.memory_space<semaphore_mem>>) {add = true}
      %dma_wait3A_42 = arith.constant 0 : i32
      %dma_wait3A_43 = arith.constant 0 : i32
      %dma_wait3A_44 = tpu.memref_slice %arg7[%dma_wait3A_42, %dma_wait3A_43] : memref<10240x128xf32, #tpu.memory_space<vmem_shared>> -> memref<10240x128xf32, #tpu.memory_space<vmem_shared>>
      tpu.wait_indirect_dma semaphore(%run_scoped3A : memref<!tpu.dma_semaphore, #tpu.memory_space<semaphore_mem>>) src(%arg8 : memref<80x128xf32, #tpu.memory_space<vmem>>) dst(%dma_wait3A_44 : memref<10240x128xf32, #tpu.memory_space<vmem_shared>>)
      tpu.yield
    }) : () -> ()
    %barrier3A_38 = arith.constant 0 : index
    tpu.barrier barrier_id(%barrier3A_38)
    "tpu.region"() ({
      %run_scoped3A = tpu.sem_alloc : memref<!tpu.dma_semaphore, #tpu.memory_space<semaphore_mem>>
      %dma_start3A_39 = arith.constant 0 : i32
      %dma_start3A_40 = tpu.memref_slice %arg6[%arg0, %mul3A_0, %dma_start3A_39] : memref<2x10240x128xf32, #tpu.memory_space<hbm>> -> memref<1x640x128xf32, #tpu.memory_space<hbm>>
      %dma_start3A_41 = tpu.memref_squeeze %dma_start3A_40 : memref<1x640x128xf32, #tpu.memory_space<hbm>> -> memref<640x128xf32, #tpu.memory_space<hbm>>
      %dma_start3A_42 = arith.constant 0 : i32
      %dma_start3A_43 = tpu.memref_slice %arg7[%mul3A_0, %dma_start3A_42] : memref<10240x128xf32, #tpu.memory_space<vmem_shared>> -> memref<640x128xf32, #tpu.memory_space<vmem_shared>>
      tpu.enqueue_dma source(%dma_start3A_43 : memref<640x128xf32, #tpu.memory_space<vmem_shared>>) target(%dma_start3A_41 : memref<640x128xf32, #tpu.memory_space<hbm>>) target_semaphore(%run_scoped3A : memref<!tpu.dma_semaphore, #tpu.memory_space<semaphore_mem>>)
      %dma_wait3A_44 = arith.constant 0 : i32
      %dma_wait3A_45 = tpu.memref_slice %arg6[%arg0, %mul3A_0, %dma_wait3A_44] : memref<2x10240x128xf32, #tpu.memory_space<hbm>> -> memref<1x640x128xf32, #tpu.memory_space<hbm>>
      %dma_wait3A_46 = tpu.memref_squeeze %dma_wait3A_45 : memref<1x640x128xf32, #tpu.memory_space<hbm>> -> memref<640x128xf32, #tpu.memory_space<hbm>>
      %dma_wait3A_47 = arith.constant 0 : i32
      %dma_wait3A_48 = tpu.memref_slice %arg7[%mul3A_0, %dma_wait3A_47] : memref<10240x128xf32, #tpu.memory_space<vmem_shared>> -> memref<640x128xf32, #tpu.memory_space<vmem_shared>>
      tpu.wait_dma2 semaphore(%run_scoped3A : memref<!tpu.dma_semaphore, #tpu.memory_space<semaphore_mem>>) src(%dma_wait3A_48 : memref<640x128xf32, #tpu.memory_space<vmem_shared>>) dst(%dma_wait3A_46 : memref<640x128xf32, #tpu.memory_space<hbm>>)
      tpu.yield
    }) : () -> ()
    return
  }
}

#map = affine_map<(d0, d1) -> (0)>
#map1 = affine_map<(d0, d1) -> (0, 0, 0)>
#map2 = affine_map<(d0, d1) -> (0, 0)>
module attributes {stable_mosaic.version = 14 : i64} {
  func.func @_denom_body(%arg0: i32, %arg1: i32, %arg2: memref<1280000xf32, #tpu.memory_space<hbm>>, %arg3: memref<320000xi32, #tpu.memory_space<hbm>>, %arg4: memref<2x16x40960xf32, #tpu.memory_space<hbm>>, %arg5: memref<2x40960xf32, #tpu.memory_space<hbm>>, %arg6: memref<1280000xf32, #tpu.memory_space<hbm>>, %arg7: memref<40960xf32, #tpu.memory_space<vmem>>, %arg8: memref<4000xf32, #tpu.memory_space<vmem>>, %arg9: memref<4000xf32, #tpu.memory_space<vmem>>, %arg10: memref<1000xi32, #tpu.memory_space<vmem>>, %arg11: memref<1000xi32, #tpu.memory_space<vmem>>, %arg12: memref<2560xf32, #tpu.memory_space<vmem>>, %arg13: memref<2560xf32, #tpu.memory_space<vmem>>, %arg14: memref<!tpu.dma_semaphore, #tpu.memory_space<semaphore_mem>>, %arg15: memref<!tpu.dma_semaphore, #tpu.memory_space<semaphore_mem>>) attributes {dimension_semantics = [#tpu.dimension_semantics<core_parallel>, #tpu.dimension_semantics<subcore_parallel>], iteration_bounds = array<i64: 2, 16>, scalar_prefetch = 0 : i64, scratch_operands = 9 : i64, tpu.core_type = #tpu.core_type<sc_vector_subcore>, window_params = [{transform_indices = #map}, {transform_indices = #map}, {transform_indices = #map1}, {transform_indices = #map2}, {transform_indices = #map}]} {
    %iota3A = tpu.iota {dimensions = array<i32: 0>} : vector<16xi32>
    %shift_right_arithmetic3A = arith.constant 2 : i32
    %shift_right_arithmetic3A_0 = vector.broadcast %shift_right_arithmetic3A : i32 to vector<16xi32>
    %shift_right_arithmetic3A_1 = arith.shrsi %iota3A, %shift_right_arithmetic3A_0 : vector<16xi32>
    %and3A = arith.constant 3 : i32
    %and3A_2 = vector.broadcast %and3A : i32 to vector<16xi32>
    %and3A_3 = arith.andi %iota3A, %and3A_2 : vector<16xi32>
    %scan3A = arith.constant 0 : i32
    %scan3A_4 = arith.constant 2560 : i32
    %scan3A_5 = arith.addi %scan3A, %scan3A_4 : i32
    %scan3A_6 = arith.constant 1 : i32
    scf.for %scan3A_31 = %scan3A to %scan3A_5 step %scan3A_6  : i32 {
      %mul3A_32 = arith.constant 1 : i32
      %mul3A_33 = arith.muli %scan3A_31, %mul3A_32 : i32
      %add3A_34 = arith.constant 0 : i32
      %add3A_35 = arith.addi %add3A_34, %mul3A_33 : i32
      %broadcast_in_dim3A = arith.constant 0.000000e+00 : f32
      %broadcast_in_dim3A_36 = vector.broadcast %broadcast_in_dim3A : f32 to vector<16xf32>
      %mul3A_37 = arith.constant 16 : i32
      %mul3A_38 = arith.muli %add3A_35, %mul3A_37 : i32
      %swap3A = arith.index_cast %mul3A_38 : i32 to index
      %swap3A_39 = tpu.vector_load %arg7[%swap3A] {strides = array<i32>} : memref<40960xf32, #tpu.memory_space<vmem>>, vector<16xf32>,
      tpu.vector_store %arg7[%swap3A], %broadcast_in_dim3A_36 {strides = array<i32>} : memref<40960xf32, #tpu.memory_space<vmem>>, vector<16xf32>,
    }
    %scan3A_7 = arith.constant 2560 : i32
    %mul3A = arith.constant 20000 : i32
    %mul3A_8 = arith.muli %arg1, %mul3A : i32
    %scan3A_9 = arith.constant 0 : i32
    %scan3A_10 = arith.constant 20 : i32
    %scan3A_11 = arith.addi %scan3A_9, %scan3A_10 : i32
    %scan3A_12 = arith.constant 1 : i32
    scf.for %scan3A_31 = %scan3A_9 to %scan3A_11 step %scan3A_12  : i32 {
      %mul3A_32 = arith.constant 1 : i32
      %mul3A_33 = arith.muli %scan3A_31, %mul3A_32 : i32
      %add3A_34 = arith.constant 0 : i32
      %add3A_35 = arith.addi %add3A_34, %mul3A_33 : i32
      %mul3A_36 = arith.constant 1000 : i32
      %mul3A_37 = arith.muli %add3A_35, %mul3A_36 : i32
      %add3A_38 = arith.addi %mul3A_8, %mul3A_37 : i32
      %mul3A_39 = arith.constant 4 : i32
      %mul3A_40 = arith.muli %add3A_38, %mul3A_39 : i32
      "tpu.region"() ({
        %run_scoped3A_106 = tpu.sem_alloc : memref<!tpu.dma_semaphore, #tpu.memory_space<semaphore_mem>>
        %dma_start3A = tpu.memref_slice %arg2[%mul3A_40] : memref<1280000xf32, #tpu.memory_space<hbm>> -> memref<4000xf32, #tpu.memory_space<hbm>>
        %dma_start3A_107 = tpu.memref_slice %arg2[%mul3A_40] : memref<1280000xf32, #tpu.memory_space<hbm>> -> memref<4000xf32, #tpu.memory_space<hbm>>
        tpu.enqueue_dma source(%dma_start3A_107 : memref<4000xf32, #tpu.memory_space<hbm>>) target(%arg8 : memref<4000xf32, #tpu.memory_space<vmem>>) target_semaphore(%run_scoped3A_106 : memref<!tpu.dma_semaphore, #tpu.memory_space<semaphore_mem>>)
        %dma_wait3A = tpu.memref_slice %arg2[%mul3A_40] : memref<1280000xf32, #tpu.memory_space<hbm>> -> memref<4000xf32, #tpu.memory_space<hbm>>
        %dma_wait3A_108 = tpu.memref_slice %arg2[%mul3A_40] : memref<1280000xf32, #tpu.memory_space<hbm>> -> memref<4000xf32, #tpu.memory_space<hbm>>
        tpu.wait_dma2 semaphore(%run_scoped3A_106 : memref<!tpu.dma_semaphore, #tpu.memory_space<semaphore_mem>>) src(%dma_wait3A_108 : memref<4000xf32, #tpu.memory_space<hbm>>) dst(%arg8 : memref<4000xf32, #tpu.memory_space<vmem>>)
        tpu.yield
      }) : () -> ()
      "tpu.region"() ({
        %run_scoped3A_106 = tpu.sem_alloc : memref<!tpu.dma_semaphore, #tpu.memory_space<semaphore_mem>>
        %dma_start3A = tpu.memref_slice %arg3[%add3A_38] : memref<320000xi32, #tpu.memory_space<hbm>> -> memref<1000xi32, #tpu.memory_space<hbm>>
        %dma_start3A_107 = tpu.memref_slice %arg3[%add3A_38] : memref<320000xi32, #tpu.memory_space<hbm>> -> memref<1000xi32, #tpu.memory_space<hbm>>
        tpu.enqueue_dma source(%dma_start3A_107 : memref<1000xi32, #tpu.memory_space<hbm>>) target(%arg10 : memref<1000xi32, #tpu.memory_space<vmem>>) target_semaphore(%run_scoped3A_106 : memref<!tpu.dma_semaphore, #tpu.memory_space<semaphore_mem>>)
        %dma_wait3A = tpu.memref_slice %arg3[%add3A_38] : memref<320000xi32, #tpu.memory_space<hbm>> -> memref<1000xi32, #tpu.memory_space<hbm>>
        %dma_wait3A_108 = tpu.memref_slice %arg3[%add3A_38] : memref<320000xi32, #tpu.memory_space<hbm>> -> memref<1000xi32, #tpu.memory_space<hbm>>
        tpu.wait_dma2 semaphore(%run_scoped3A_106 : memref<!tpu.dma_semaphore, #tpu.memory_space<semaphore_mem>>) src(%dma_wait3A_108 : memref<1000xi32, #tpu.memory_space<hbm>>) dst(%arg10 : memref<1000xi32, #tpu.memory_space<vmem>>)
        tpu.yield
      }) : () -> ()
      %scan3A_41 = arith.constant 0 : i32
      %scan3A_42 = arith.constant 248 : i32
      %scan3A_43 = arith.addi %scan3A_41, %scan3A_42 : i32
      %scan3A_44 = arith.constant 4 : i32
      scf.for %scan3A_106 = %scan3A_41 to %scan3A_43 step %scan3A_44  : i32 {
        %mul3A_107 = arith.constant 1 : i32
        %mul3A_108 = arith.muli %scan3A_106, %mul3A_107 : i32
        %add3A_109 = arith.constant 0 : i32
        %add3A_110 = arith.addi %add3A_109, %mul3A_108 : i32
        %mul3A_111 = arith.constant 16 : i32
        %mul3A_112 = arith.muli %add3A_110, %mul3A_111 : i32
        %get3A_113 = arith.index_cast %mul3A_112 : i32 to index
        %get3A_114 = tpu.vector_load %arg8[%get3A_113] {strides = array<i32>} : memref<4000xf32, #tpu.memory_space<vmem>>, vector<16xf32>,
        %exp3A_115 = math.exp %get3A_114 : vector<16xf32>
        %mul3A_116 = arith.constant 4 : i32
        %mul3A_117 = arith.muli %add3A_110, %mul3A_116 : i32
        %add3A_118 = vector.broadcast %mul3A_117 : i32 to vector<16xi32>
        %add3A_119 = arith.addi %shift_right_arithmetic3A_1, %add3A_118 : vector<16xi32>
        %gather3A_120 = tpu.vector_load_idx %arg10[%add3A_119] : memref<1000xi32, #tpu.memory_space<vmem>>[vector<16xi32>], vector<16xi32>,
        %mul3A_121 = arith.constant 4 : i32
        %mul3A_122 = vector.broadcast %mul3A_121 : i32 to vector<16xi32>
        %mul3A_123 = arith.muli %gather3A_120, %mul3A_122 : vector<16xi32>
        %add3A_124 = arith.addi %mul3A_123, %and3A_3 : vector<16xi32>
        %eq3A_125 = arith.constant 0 : i32
        %eq3A_126 = vector.broadcast %eq3A_125 : i32 to vector<16xi32>
        %eq3A_127 = arith.cmpi eq, %shift_right_arithmetic3A_1, %eq3A_126 : vector<16xi32>
        tpu.vector_store_idx %arg7[%add3A_124], %exp3A_115 masked %eq3A_127 {add = true} : memref<40960xf32, #tpu.memory_space<vmem>>[vector<16xi32>], vector<16xf32>, vector<16xi1>
        %eq3A_128 = arith.constant 1 : i32
        %eq3A_129 = vector.broadcast %eq3A_128 : i32 to vector<16xi32>
        %eq3A_130 = arith.cmpi eq, %shift_right_arithmetic3A_1, %eq3A_129 : vector<16xi32>
        tpu.vector_store_idx %arg7[%add3A_124], %exp3A_115 masked %eq3A_130 {add = true} : memref<40960xf32, #tpu.memory_space<vmem>>[vector<16xi32>], vector<16xf32>, vector<16xi1>
        %eq3A_131 = arith.constant 2 : i32
        %eq3A_132 = vector.broadcast %eq3A_131 : i32 to vector<16xi32>
        %eq3A_133 = arith.cmpi eq, %shift_right_arithmetic3A_1, %eq3A_132 : vector<16xi32>
        tpu.vector_store_idx %arg7[%add3A_124], %exp3A_115 masked %eq3A_133 {add = true} : memref<40960xf32, #tpu.memory_space<vmem>>[vector<16xi32>], vector<16xf32>, vector<16xi1>
        %eq3A_134 = arith.constant 3 : i32
        %eq3A_135 = vector.broadcast %eq3A_134 : i32 to vector<16xi32>
        %eq3A_136 = arith.cmpi eq, %shift_right_arithmetic3A_1, %eq3A_135 : vector<16xi32>
        tpu.vector_store_idx %arg7[%add3A_124], %exp3A_115 masked %eq3A_136 {add = true} : memref<40960xf32, #tpu.memory_space<vmem>>[vector<16xi32>], vector<16xf32>, vector<16xi1>
        %scan3A_137 = arith.constant 1 : i32
        %scan3A_138 = arith.addi %scan3A_106, %scan3A_137 : i32
        %mul3A_139 = arith.constant 1 : i32
        %mul3A_140 = arith.muli %scan3A_138, %mul3A_139 : i32
        %add3A_141 = arith.constant 0 : i32
        %add3A_142 = arith.addi %add3A_141, %mul3A_140 : i32
        %mul3A_143 = arith.constant 16 : i32
        %mul3A_144 = arith.muli %add3A_142, %mul3A_143 : i32
        %get3A_145 = arith.index_cast %mul3A_144 : i32 to index
        %get3A_146 = tpu.vector_load %arg8[%get3A_145] {strides = array<i32>} : memref<4000xf32, #tpu.memory_space<vmem>>, vector<16xf32>,
        %exp3A_147 = math.exp %get3A_146 : vector<16xf32>
        %mul3A_148 = arith.constant 4 : i32
        %mul3A_149 = arith.muli %add3A_142, %mul3A_148 : i32
        %add3A_150 = vector.broadcast %mul3A_149 : i32 to vector<16xi32>
        %add3A_151 = arith.addi %shift_right_arithmetic3A_1, %add3A_150 : vector<16xi32>
        %gather3A_152 = tpu.vector_load_idx %arg10[%add3A_151] : memref<1000xi32, #tpu.memory_space<vmem>>[vector<16xi32>], vector<16xi32>,
        %mul3A_153 = arith.constant 4 : i32
        %mul3A_154 = vector.broadcast %mul3A_153 : i32 to vector<16xi32>
        %mul3A_155 = arith.muli %gather3A_152, %mul3A_154 : vector<16xi32>
        %add3A_156 = arith.addi %mul3A_155, %and3A_3 : vector<16xi32>
        %eq3A_157 = arith.constant 0 : i32
        %eq3A_158 = vector.broadcast %eq3A_157 : i32 to vector<16xi32>
        %eq3A_159 = arith.cmpi eq, %shift_right_arithmetic3A_1, %eq3A_158 : vector<16xi32>
        tpu.vector_store_idx %arg7[%add3A_156], %exp3A_147 masked %eq3A_159 {add = true} : memref<40960xf32, #tpu.memory_space<vmem>>[vector<16xi32>], vector<16xf32>, vector<16xi1>
        %eq3A_160 = arith.constant 1 : i32
        %eq3A_161 = vector.broadcast %eq3A_160 : i32 to vector<16xi32>
        %eq3A_162 = arith.cmpi eq, %shift_right_arithmetic3A_1, %eq3A_161 : vector<16xi32>
        tpu.vector_store_idx %arg7[%add3A_156], %exp3A_147 masked %eq3A_162 {add = true} : memref<40960xf32, #tpu.memory_space<vmem>>[vector<16xi32>], vector<16xf32>, vector<16xi1>
        %eq3A_163 = arith.constant 2 : i32
        %eq3A_164 = vector.broadcast %eq3A_163 : i32 to vector<16xi32>
        %eq3A_165 = arith.cmpi eq, %shift_right_arithmetic3A_1, %eq3A_164 : vector<16xi32>
        tpu.vector_store_idx %arg7[%add3A_156], %exp3A_147 masked %eq3A_165 {add = true} : memref<40960xf32, #tpu.memory_space<vmem>>[vector<16xi32>], vector<16xf32>, vector<16xi1>
        %eq3A_166 = arith.constant 3 : i32
        %eq3A_167 = vector.broadcast %eq3A_166 : i32 to vector<16xi32>
        %eq3A_168 = arith.cmpi eq, %shift_right_arithmetic3A_1, %eq3A_167 : vector<16xi32>
        tpu.vector_store_idx %arg7[%add3A_156], %exp3A_147 masked %eq3A_168 {add = true} : memref<40960xf32, #tpu.memory_space<vmem>>[vector<16xi32>], vector<16xf32>, vector<16xi1>
        %scan3A_169 = arith.constant 2 : i32
        %scan3A_170 = arith.addi %scan3A_106, %scan3A_169 : i32
        %mul3A_171 = arith.constant 1 : i32
        %mul3A_172 = arith.muli %scan3A_170, %mul3A_171 : i32
        %add3A_173 = arith.constant 0 : i32
        %add3A_174 = arith.addi %add3A_173, %mul3A_172 : i32
        %mul3A_175 = arith.constant 16 : i32
        %mul3A_176 = arith.muli %add3A_174, %mul3A_175 : i32
        %get3A_177 = arith.index_cast %mul3A_176 : i32 to index
        %get3A_178 = tpu.vector_load %arg8[%get3A_177] {strides = array<i32>} : memref<4000xf32, #tpu.memory_space<vmem>>, vector<16xf32>,
        %exp3A_179 = math.exp %get3A_178 : vector<16xf32>
        %mul3A_180 = arith.constant 4 : i32
        %mul3A_181 = arith.muli %add3A_174, %mul3A_180 : i32
        %add3A_182 = vector.broadcast %mul3A_181 : i32 to vector<16xi32>
        %add3A_183 = arith.addi %shift_right_arithmetic3A_1, %add3A_182 : vector<16xi32>
        %gather3A_184 = tpu.vector_load_idx %arg10[%add3A_183] : memref<1000xi32, #tpu.memory_space<vmem>>[vector<16xi32>], vector<16xi32>,
        %mul3A_185 = arith.constant 4 : i32
        %mul3A_186 = vector.broadcast %mul3A_185 : i32 to vector<16xi32>
        %mul3A_187 = arith.muli %gather3A_184, %mul3A_186 : vector<16xi32>
        %add3A_188 = arith.addi %mul3A_187, %and3A_3 : vector<16xi32>
        %eq3A_189 = arith.constant 0 : i32
        %eq3A_190 = vector.broadcast %eq3A_189 : i32 to vector<16xi32>
        %eq3A_191 = arith.cmpi eq, %shift_right_arithmetic3A_1, %eq3A_190 : vector<16xi32>
        tpu.vector_store_idx %arg7[%add3A_188], %exp3A_179 masked %eq3A_191 {add = true} : memref<40960xf32, #tpu.memory_space<vmem>>[vector<16xi32>], vector<16xf32>, vector<16xi1>
        %eq3A_192 = arith.constant 1 : i32
        %eq3A_193 = vector.broadcast %eq3A_192 : i32 to vector<16xi32>
        %eq3A_194 = arith.cmpi eq, %shift_right_arithmetic3A_1, %eq3A_193 : vector<16xi32>
        tpu.vector_store_idx %arg7[%add3A_188], %exp3A_179 masked %eq3A_194 {add = true} : memref<40960xf32, #tpu.memory_space<vmem>>[vector<16xi32>], vector<16xf32>, vector<16xi1>
        %eq3A_195 = arith.constant 2 : i32
        %eq3A_196 = vector.broadcast %eq3A_195 : i32 to vector<16xi32>
        %eq3A_197 = arith.cmpi eq, %shift_right_arithmetic3A_1, %eq3A_196 : vector<16xi32>
        tpu.vector_store_idx %arg7[%add3A_188], %exp3A_179 masked %eq3A_197 {add = true} : memref<40960xf32, #tpu.memory_space<vmem>>[vector<16xi32>], vector<16xf32>, vector<16xi1>
        %eq3A_198 = arith.constant 3 : i32
        %eq3A_199 = vector.broadcast %eq3A_198 : i32 to vector<16xi32>
        %eq3A_200 = arith.cmpi eq, %shift_right_arithmetic3A_1, %eq3A_199 : vector<16xi32>
        tpu.vector_store_idx %arg7[%add3A_188], %exp3A_179 masked %eq3A_200 {add = true} : memref<40960xf32, #tpu.memory_space<vmem>>[vector<16xi32>], vector<16xf32>, vector<16xi1>
        %scan3A_201 = arith.constant 3 : i32
        %scan3A_202 = arith.addi %scan3A_106, %scan3A_201 : i32
        %mul3A_203 = arith.constant 1 : i32
        %mul3A_204 = arith.muli %scan3A_202, %mul3A_203 : i32
        %add3A_205 = arith.constant 0 : i32
        %add3A_206 = arith.addi %add3A_205, %mul3A_204 : i32
        %mul3A_207 = arith.constant 16 : i32
        %mul3A_208 = arith.muli %add3A_206, %mul3A_207 : i32
        %get3A_209 = arith.index_cast %mul3A_208 : i32 to index
        %get3A_210 = tpu.vector_load %arg8[%get3A_209] {strides = array<i32>} : memref<4000xf32, #tpu.memory_space<vmem>>, vector<16xf32>,
        %exp3A_211 = math.exp %get3A_210 : vector<16xf32>
        %mul3A_212 = arith.constant 4 : i32
        %mul3A_213 = arith.muli %add3A_206, %mul3A_212 : i32
        %add3A_214 = vector.broadcast %mul3A_213 : i32 to vector<16xi32>
        %add3A_215 = arith.addi %shift_right_arithmetic3A_1, %add3A_214 : vector<16xi32>
        %gather3A_216 = tpu.vector_load_idx %arg10[%add3A_215] : memref<1000xi32, #tpu.memory_space<vmem>>[vector<16xi32>], vector<16xi32>,
        %mul3A_217 = arith.constant 4 : i32
        %mul3A_218 = vector.broadcast %mul3A_217 : i32 to vector<16xi32>
        %mul3A_219 = arith.muli %gather3A_216, %mul3A_218 : vector<16xi32>
        %add3A_220 = arith.addi %mul3A_219, %and3A_3 : vector<16xi32>
        %eq3A_221 = arith.constant 0 : i32
        %eq3A_222 = vector.broadcast %eq3A_221 : i32 to vector<16xi32>
        %eq3A_223 = arith.cmpi eq, %shift_right_arithmetic3A_1, %eq3A_222 : vector<16xi32>
        tpu.vector_store_idx %arg7[%add3A_220], %exp3A_211 masked %eq3A_223 {add = true} : memref<40960xf32, #tpu.memory_space<vmem>>[vector<16xi32>], vector<16xf32>, vector<16xi1>
        %eq3A_224 = arith.constant 1 : i32
        %eq3A_225 = vector.broadcast %eq3A_224 : i32 to vector<16xi32>
        %eq3A_226 = arith.cmpi eq, %shift_right_arithmetic3A_1, %eq3A_225 : vector<16xi32>
        tpu.vector_store_idx %arg7[%add3A_220], %exp3A_211 masked %eq3A_226 {add = true} : memref<40960xf32, #tpu.memory_space<vmem>>[vector<16xi32>], vector<16xf32>, vector<16xi1>
        %eq3A_227 = arith.constant 2 : i32
        %eq3A_228 = vector.broadcast %eq3A_227 : i32 to vector<16xi32>
        %eq3A_229 = arith.cmpi eq, %shift_right_arithmetic3A_1, %eq3A_228 : vector<16xi32>
        tpu.vector_store_idx %arg7[%add3A_220], %exp3A_211 masked %eq3A_229 {add = true} : memref<40960xf32, #tpu.memory_space<vmem>>[vector<16xi32>], vector<16xf32>, vector<16xi1>
        %eq3A_230 = arith.constant 3 : i32
        %eq3A_231 = vector.broadcast %eq3A_230 : i32 to vector<16xi32>
        %eq3A_232 = arith.cmpi eq, %shift_right_arithmetic3A_1, %eq3A_231 : vector<16xi32>
        tpu.vector_store_idx %arg7[%add3A_220], %exp3A_211 masked %eq3A_232 {add = true} : memref<40960xf32, #tpu.memory_space<vmem>>[vector<16xi32>], vector<16xf32>, vector<16xi1>
      }
      %scan3A_45 = arith.constant 248 : i32
      %scan3A_46 = arith.addi %scan3A_41, %scan3A_45 : i32
      %mul3A_47 = arith.constant 1 : i32
      %mul3A_48 = arith.muli %scan3A_46, %mul3A_47 : i32
      %add3A_49 = arith.constant 0 : i32
      %add3A_50 = arith.addi %add3A_49, %mul3A_48 : i32
      %mul3A_51 = arith.constant 16 : i32
      %mul3A_52 = arith.muli %add3A_50, %mul3A_51 : i32
      %get3A = arith.index_cast %mul3A_52 : i32 to index
      %get3A_53 = tpu.vector_load %arg8[%get3A] {strides = array<i32>} : memref<4000xf32, #tpu.memory_space<vmem>>, vector<16xf32>,
      %exp3A = math.exp %get3A_53 : vector<16xf32>
      %mul3A_54 = arith.constant 4 : i32
      %mul3A_55 = arith.muli %add3A_50, %mul3A_54 : i32
      %add3A_56 = vector.broadcast %mul3A_55 : i32 to vector<16xi32>
      %add3A_57 = arith.addi %shift_right_arithmetic3A_1, %add3A_56 : vector<16xi32>
      %gather3A = tpu.vector_load_idx %arg10[%add3A_57] : memref<1000xi32, #tpu.memory_space<vmem>>[vector<16xi32>], vector<16xi32>,
      %mul3A_58 = arith.constant 4 : i32
      %mul3A_59 = vector.broadcast %mul3A_58 : i32 to vector<16xi32>
      %mul3A_60 = arith.muli %gather3A, %mul3A_59 : vector<16xi32>
      %add3A_61 = arith.addi %mul3A_60, %and3A_3 : vector<16xi32>
      %eq3A = arith.constant 0 : i32
      %eq3A_62 = vector.broadcast %eq3A : i32 to vector<16xi32>
      %eq3A_63 = arith.cmpi eq, %shift_right_arithmetic3A_1, %eq3A_62 : vector<16xi32>
      tpu.vector_store_idx %arg7[%add3A_61], %exp3A masked %eq3A_63 {add = true} : memref<40960xf32, #tpu.memory_space<vmem>>[vector<16xi32>], vector<16xf32>, vector<16xi1>
      %eq3A_64 = arith.constant 1 : i32
      %eq3A_65 = vector.broadcast %eq3A_64 : i32 to vector<16xi32>
      %eq3A_66 = arith.cmpi eq, %shift_right_arithmetic3A_1, %eq3A_65 : vector<16xi32>
      tpu.vector_store_idx %arg7[%add3A_61], %exp3A masked %eq3A_66 {add = true} : memref<40960xf32, #tpu.memory_space<vmem>>[vector<16xi32>], vector<16xf32>, vector<16xi1>
      %eq3A_67 = arith.constant 2 : i32
      %eq3A_68 = vector.broadcast %eq3A_67 : i32 to vector<16xi32>
      %eq3A_69 = arith.cmpi eq, %shift_right_arithmetic3A_1, %eq3A_68 : vector<16xi32>
      tpu.vector_store_idx %arg7[%add3A_61], %exp3A masked %eq3A_69 {add = true} : memref<40960xf32, #tpu.memory_space<vmem>>[vector<16xi32>], vector<16xf32>, vector<16xi1>
      %eq3A_70 = arith.constant 3 : i32
      %eq3A_71 = vector.broadcast %eq3A_70 : i32 to vector<16xi32>
      %eq3A_72 = arith.cmpi eq, %shift_right_arithmetic3A_1, %eq3A_71 : vector<16xi32>
      tpu.vector_store_idx %arg7[%add3A_61], %exp3A masked %eq3A_72 {add = true} : memref<40960xf32, #tpu.memory_space<vmem>>[vector<16xi32>], vector<16xf32>, vector<16xi1>
      %scan3A_73 = arith.constant 249 : i32
      %scan3A_74 = arith.addi %scan3A_41, %scan3A_73 : i32
      %mul3A_75 = arith.constant 1 : i32
      %mul3A_76 = arith.muli %scan3A_74, %mul3A_75 : i32
      %add3A_77 = arith.constant 0 : i32
      %add3A_78 = arith.addi %add3A_77, %mul3A_76 : i32
      %mul3A_79 = arith.constant 16 : i32
      %mul3A_80 = arith.muli %add3A_78, %mul3A_79 : i32
      %get3A_81 = arith.index_cast %mul3A_80 : i32 to index
      %get3A_82 = tpu.vector_load %arg8[%get3A_81] {strides = array<i32>} : memref<4000xf32, #tpu.memory_space<vmem>>, vector<16xf32>,
      %exp3A_83 = math.exp %get3A_82 : vector<16xf32>
      %mul3A_84 = arith.constant 4 : i32
      %mul3A_85 = arith.muli %add3A_78, %mul3A_84 : i32
      %add3A_86 = vector.broadcast %mul3A_85 : i32 to vector<16xi32>
      %add3A_87 = arith.addi %shift_right_arithmetic3A_1, %add3A_86 : vector<16xi32>
      %gather3A_88 = tpu.vector_load_idx %arg10[%add3A_87] : memref<1000xi32, #tpu.memory_space<vmem>>[vector<16xi32>], vector<16xi32>,
      %mul3A_89 = arith.constant 4 : i32
      %mul3A_90 = vector.broadcast %mul3A_89 : i32 to vector<16xi32>
      %mul3A_91 = arith.muli %gather3A_88, %mul3A_90 : vector<16xi32>
      %add3A_92 = arith.addi %mul3A_91, %and3A_3 : vector<16xi32>
      %eq3A_93 = arith.constant 0 : i32
      %eq3A_94 = vector.broadcast %eq3A_93 : i32 to vector<16xi32>
      %eq3A_95 = arith.cmpi eq, %shift_right_arithmetic3A_1, %eq3A_94 : vector<16xi32>
      tpu.vector_store_idx %arg7[%add3A_92], %exp3A_83 masked %eq3A_95 {add = true} : memref<40960xf32, #tpu.memory_space<vmem>>[vector<16xi32>], vector<16xf32>, vector<16xi1>
      %eq3A_96 = arith.constant 1 : i32
      %eq3A_97 = vector.broadcast %eq3A_96 : i32 to vector<16xi32>
      %eq3A_98 = arith.cmpi eq, %shift_right_arithmetic3A_1, %eq3A_97 : vector<16xi32>
      tpu.vector_store_idx %arg7[%add3A_92], %exp3A_83 masked %eq3A_98 {add = true} : memref<40960xf32, #tpu.memory_space<vmem>>[vector<16xi32>], vector<16xf32>, vector<16xi1>
      %eq3A_99 = arith.constant 2 : i32
      %eq3A_100 = vector.broadcast %eq3A_99 : i32 to vector<16xi32>
      %eq3A_101 = arith.cmpi eq, %shift_right_arithmetic3A_1, %eq3A_100 : vector<16xi32>
      tpu.vector_store_idx %arg7[%add3A_92], %exp3A_83 masked %eq3A_101 {add = true} : memref<40960xf32, #tpu.memory_space<vmem>>[vector<16xi32>], vector<16xf32>, vector<16xi1>
      %eq3A_102 = arith.constant 3 : i32
      %eq3A_103 = vector.broadcast %eq3A_102 : i32 to vector<16xi32>
      %eq3A_104 = arith.cmpi eq, %shift_right_arithmetic3A_1, %eq3A_103 : vector<16xi32>
      tpu.vector_store_idx %arg7[%add3A_92], %exp3A_83 masked %eq3A_104 {add = true} : memref<40960xf32, #tpu.memory_space<vmem>>[vector<16xi32>], vector<16xf32>, vector<16xi1>
      %scan3A_105 = arith.constant 250 : i32
    }
    %scan3A_13 = arith.constant 20 : i32
    "tpu.region"() ({
      %run_scoped3A_31 = tpu.sem_alloc : memref<!tpu.dma_semaphore, #tpu.memory_space<semaphore_mem>>
      %dma_start3A = arith.constant 0 : i32
      %dma_start3A_32 = tpu.memref_slice %arg4[%arg0, %arg1, %dma_start3A] : memref<2x16x40960xf32, #tpu.memory_space<hbm>> -> memref<1x1x40960xf32, #tpu.memory_space<hbm>>
      %dma_start3A_33 = tpu.memref_squeeze %dma_start3A_32 : memref<1x1x40960xf32, #tpu.memory_space<hbm>> -> memref<40960xf32, #tpu.memory_space<hbm>>
      %dma_start3A_34 = arith.constant 0 : i32
      %dma_start3A_35 = tpu.memref_slice %arg4[%arg0, %arg1, %dma_start3A_34] : memref<2x16x40960xf32, #tpu.memory_space<hbm>> -> memref<1x1x40960xf32, #tpu.memory_space<hbm>>
      %dma_start3A_36 = tpu.memref_squeeze %dma_start3A_35 : memref<1x1x40960xf32, #tpu.memory_space<hbm>> -> memref<40960xf32, #tpu.memory_space<hbm>>
      tpu.enqueue_dma source(%arg7 : memref<40960xf32, #tpu.memory_space<vmem>>) target(%dma_start3A_36 : memref<40960xf32, #tpu.memory_space<hbm>>) target_semaphore(%run_scoped3A_31 : memref<!tpu.dma_semaphore, #tpu.memory_space<semaphore_mem>>)
      %dma_wait3A = arith.constant 0 : i32
      %dma_wait3A_37 = tpu.memref_slice %arg4[%arg0, %arg1, %dma_wait3A] : memref<2x16x40960xf32, #tpu.memory_space<hbm>> -> memref<1x1x40960xf32, #tpu.memory_space<hbm>>
      %dma_wait3A_38 = tpu.memref_squeeze %dma_wait3A_37 : memref<1x1x40960xf32, #tpu.memory_space<hbm>> -> memref<40960xf32, #tpu.memory_space<hbm>>
      %dma_wait3A_39 = arith.constant 0 : i32
      %dma_wait3A_40 = tpu.memref_slice %arg4[%arg0, %arg1, %dma_wait3A_39] : memref<2x16x40960xf32, #tpu.memory_space<hbm>> -> memref<1x1x40960xf32, #tpu.memory_space<hbm>>
      %dma_wait3A_41 = tpu.memref_squeeze %dma_wait3A_40 : memref<1x1x40960xf32, #tpu.memory_space<hbm>> -> memref<40960xf32, #tpu.memory_space<hbm>>
      tpu.wait_dma2 semaphore(%run_scoped3A_31 : memref<!tpu.dma_semaphore, #tpu.memory_space<semaphore_mem>>) src(%arg7 : memref<40960xf32, #tpu.memory_space<vmem>>) dst(%dma_wait3A_41 : memref<40960xf32, #tpu.memory_space<hbm>>)
      tpu.yield
    }) : () -> ()
    %barrier3A = arith.constant 0 : index
    tpu.barrier barrier_id(%barrier3A)
    %mul3A_14 = arith.constant 2560 : i32
    %mul3A_15 = arith.muli %arg1, %mul3A_14 : i32
    %run_scoped3A = arith.constant 0 : i32
    "tpu.region"() ({
      %run_scoped3A_31 = tpu.sem_alloc : memref<!tpu.dma_semaphore, #tpu.memory_space<semaphore_mem>>
      %dma_start3A = tpu.memref_slice %arg4[%arg0, %run_scoped3A, %mul3A_15] : memref<2x16x40960xf32, #tpu.memory_space<hbm>> -> memref<1x1x2560xf32, #tpu.memory_space<hbm>>
      %dma_start3A_32 = tpu.memref_squeeze %dma_start3A : memref<1x1x2560xf32, #tpu.memory_space<hbm>> -> memref<2560xf32, #tpu.memory_space<hbm>>
      %dma_start3A_33 = tpu.memref_slice %arg4[%arg0, %run_scoped3A, %mul3A_15] : memref<2x16x40960xf32, #tpu.memory_space<hbm>> -> memref<1x1x2560xf32, #tpu.memory_space<hbm>>
      %dma_start3A_34 = tpu.memref_squeeze %dma_start3A_33 : memref<1x1x2560xf32, #tpu.memory_space<hbm>> -> memref<2560xf32, #tpu.memory_space<hbm>>
      tpu.enqueue_dma source(%dma_start3A_34 : memref<2560xf32, #tpu.memory_space<hbm>>) target(%arg12 : memref<2560xf32, #tpu.memory_space<vmem>>) target_semaphore(%run_scoped3A_31 : memref<!tpu.dma_semaphore, #tpu.memory_space<semaphore_mem>>)
      %dma_wait3A = tpu.memref_slice %arg4[%arg0, %run_scoped3A, %mul3A_15] : memref<2x16x40960xf32, #tpu.memory_space<hbm>> -> memref<1x1x2560xf32, #tpu.memory_space<hbm>>
      %dma_wait3A_35 = tpu.memref_squeeze %dma_wait3A : memref<1x1x2560xf32, #tpu.memory_space<hbm>> -> memref<2560xf32, #tpu.memory_space<hbm>>
      %dma_wait3A_36 = tpu.memref_slice %arg4[%arg0, %run_scoped3A, %mul3A_15] : memref<2x16x40960xf32, #tpu.memory_space<hbm>> -> memref<1x1x2560xf32, #tpu.memory_space<hbm>>
      %dma_wait3A_37 = tpu.memref_squeeze %dma_wait3A_36 : memref<1x1x2560xf32, #tpu.memory_space<hbm>> -> memref<2560xf32, #tpu.memory_space<hbm>>
      tpu.wait_dma2 semaphore(%run_scoped3A_31 : memref<!tpu.dma_semaphore, #tpu.memory_space<semaphore_mem>>) src(%dma_wait3A_37 : memref<2560xf32, #tpu.memory_space<hbm>>) dst(%arg12 : memref<2560xf32, #tpu.memory_space<vmem>>)
      tpu.yield
    }) : () -> ()
    %scan3A_16 = arith.constant 0 : i32
    %scan3A_17 = arith.constant 15 : i32
    %scan3A_18 = arith.addi %scan3A_16, %scan3A_17 : i32
    %scan3A_19 = arith.constant 1 : i32
    scf.for %scan3A_31 = %scan3A_16 to %scan3A_18 step %scan3A_19  : i32 {
      %mul3A_32 = arith.constant 1 : i32
      %mul3A_33 = arith.muli %scan3A_31, %mul3A_32 : i32
      %add3A_34 = arith.constant 1 : i32
      %add3A_35 = arith.addi %add3A_34, %mul3A_33 : i32
      "tpu.region"() ({
        %run_scoped3A_41 = tpu.sem_alloc : memref<!tpu.dma_semaphore, #tpu.memory_space<semaphore_mem>>
        %dma_start3A = tpu.memref_slice %arg4[%arg0, %add3A_35, %mul3A_15] : memref<2x16x40960xf32, #tpu.memory_space<hbm>> -> memref<1x1x2560xf32, #tpu.memory_space<hbm>>
        %dma_start3A_42 = tpu.memref_squeeze %dma_start3A : memref<1x1x2560xf32, #tpu.memory_space<hbm>> -> memref<2560xf32, #tpu.memory_space<hbm>>
        %dma_start3A_43 = tpu.memref_slice %arg4[%arg0, %add3A_35, %mul3A_15] : memref<2x16x40960xf32, #tpu.memory_space<hbm>> -> memref<1x1x2560xf32, #tpu.memory_space<hbm>>
        %dma_start3A_44 = tpu.memref_squeeze %dma_start3A_43 : memref<1x1x2560xf32, #tpu.memory_space<hbm>> -> memref<2560xf32, #tpu.memory_space<hbm>>
        tpu.enqueue_dma source(%dma_start3A_44 : memref<2560xf32, #tpu.memory_space<hbm>>) target(%arg13 : memref<2560xf32, #tpu.memory_space<vmem>>) target_semaphore(%run_scoped3A_41 : memref<!tpu.dma_semaphore, #tpu.memory_space<semaphore_mem>>)
        %dma_wait3A = tpu.memref_slice %arg4[%arg0, %add3A_35, %mul3A_15] : memref<2x16x40960xf32, #tpu.memory_space<hbm>> -> memref<1x1x2560xf32, #tpu.memory_space<hbm>>
        %dma_wait3A_45 = tpu.memref_squeeze %dma_wait3A : memref<1x1x2560xf32, #tpu.memory_space<hbm>> -> memref<2560xf32, #tpu.memory_space<hbm>>
        %dma_wait3A_46 = tpu.memref_slice %arg4[%arg0, %add3A_35, %mul3A_15] : memref<2x16x40960xf32, #tpu.memory_space<hbm>> -> memref<1x1x2560xf32, #tpu.memory_space<hbm>>
        %dma_wait3A_47 = tpu.memref_squeeze %dma_wait3A_46 : memref<1x1x2560xf32, #tpu.memory_space<hbm>> -> memref<2560xf32, #tpu.memory_space<hbm>>
        tpu.wait_dma2 semaphore(%run_scoped3A_41 : memref<!tpu.dma_semaphore, #tpu.memory_space<semaphore_mem>>) src(%dma_wait3A_47 : memref<2560xf32, #tpu.memory_space<hbm>>) dst(%arg13 : memref<2560xf32, #tpu.memory_space<vmem>>)
        tpu.yield
      }) : () -> ()
      %scan3A_36 = arith.constant 0 : i32
      %scan3A_37 = arith.constant 160 : i32
      %scan3A_38 = arith.addi %scan3A_36, %scan3A_37 : i32
      %scan3A_39 = arith.constant 1 : i32
      scf.for %scan3A_41 = %scan3A_36 to %scan3A_38 step %scan3A_39  : i32 {
        %mul3A_42 = arith.constant 1 : i32
        %mul3A_43 = arith.muli %scan3A_41, %mul3A_42 : i32
        %add3A_44 = arith.constant 0 : i32
        %add3A_45 = arith.addi %add3A_44, %mul3A_43 : i32
        %mul3A_46 = arith.constant 16 : i32
        %mul3A_47 = arith.muli %add3A_45, %mul3A_46 : i32
        %get3A = arith.index_cast %mul3A_47 : i32 to index
        %get3A_48 = tpu.vector_load %arg12[%get3A] {strides = array<i32>} : memref<2560xf32, #tpu.memory_space<vmem>>, vector<16xf32>,
        %mul3A_49 = arith.constant 16 : i32
        %mul3A_50 = arith.muli %add3A_45, %mul3A_49 : i32
        %get3A_51 = arith.index_cast %mul3A_50 : i32 to index
        %get3A_52 = tpu.vector_load %arg13[%get3A_51] {strides = array<i32>} : memref<2560xf32, #tpu.memory_space<vmem>>, vector<16xf32>,
        %add3A_53 = arith.addf %get3A_48, %get3A_52 : vector<16xf32>
        %mul3A_54 = arith.constant 16 : i32
        %mul3A_55 = arith.muli %add3A_45, %mul3A_54 : i32
        %swap3A = arith.index_cast %mul3A_55 : i32 to index
        %swap3A_56 = tpu.vector_load %arg12[%swap3A] {strides = array<i32>} : memref<2560xf32, #tpu.memory_space<vmem>>, vector<16xf32>,
        tpu.vector_store %arg12[%swap3A], %add3A_53 {strides = array<i32>} : memref<2560xf32, #tpu.memory_space<vmem>>, vector<16xf32>,
      }
      %scan3A_40 = arith.constant 160 : i32
    }
    %scan3A_20 = arith.constant 15 : i32
    "tpu.region"() ({
      %run_scoped3A_31 = tpu.sem_alloc : memref<!tpu.dma_semaphore, #tpu.memory_space<semaphore_mem>>
      %dma_start3A = tpu.memref_slice %arg5[%arg0, %mul3A_15] : memref<2x40960xf32, #tpu.memory_space<hbm>> -> memref<1x2560xf32, #tpu.memory_space<hbm>>
      %dma_start3A_32 = tpu.memref_squeeze %dma_start3A : memref<1x2560xf32, #tpu.memory_space<hbm>> -> memref<2560xf32, #tpu.memory_space<hbm>>
      %dma_start3A_33 = tpu.memref_slice %arg5[%arg0, %mul3A_15] : memref<2x40960xf32, #tpu.memory_space<hbm>> -> memref<1x2560xf32, #tpu.memory_space<hbm>>
      %dma_start3A_34 = tpu.memref_squeeze %dma_start3A_33 : memref<1x2560xf32, #tpu.memory_space<hbm>> -> memref<2560xf32, #tpu.memory_space<hbm>>
      tpu.enqueue_dma source(%arg12 : memref<2560xf32, #tpu.memory_space<vmem>>) target(%dma_start3A_34 : memref<2560xf32, #tpu.memory_space<hbm>>) target_semaphore(%run_scoped3A_31 : memref<!tpu.dma_semaphore, #tpu.memory_space<semaphore_mem>>)
      %dma_wait3A = tpu.memref_slice %arg5[%arg0, %mul3A_15] : memref<2x40960xf32, #tpu.memory_space<hbm>> -> memref<1x2560xf32, #tpu.memory_space<hbm>>
      %dma_wait3A_35 = tpu.memref_squeeze %dma_wait3A : memref<1x2560xf32, #tpu.memory_space<hbm>> -> memref<2560xf32, #tpu.memory_space<hbm>>
      %dma_wait3A_36 = tpu.memref_slice %arg5[%arg0, %mul3A_15] : memref<2x40960xf32, #tpu.memory_space<hbm>> -> memref<1x2560xf32, #tpu.memory_space<hbm>>
      %dma_wait3A_37 = tpu.memref_squeeze %dma_wait3A_36 : memref<1x2560xf32, #tpu.memory_space<hbm>> -> memref<2560xf32, #tpu.memory_space<hbm>>
      tpu.wait_dma2 semaphore(%run_scoped3A_31 : memref<!tpu.dma_semaphore, #tpu.memory_space<semaphore_mem>>) src(%arg12 : memref<2560xf32, #tpu.memory_space<vmem>>) dst(%dma_wait3A_37 : memref<2560xf32, #tpu.memory_space<hbm>>)
      tpu.yield
    }) : () -> ()
    %barrier3A_21 = arith.constant 0 : index
    tpu.barrier barrier_id(%barrier3A_21)
    "tpu.region"() ({
      %run_scoped3A_31 = tpu.sem_alloc : memref<!tpu.dma_semaphore, #tpu.memory_space<semaphore_mem>>
      %dma_start3A = arith.constant 0 : i32
      %dma_start3A_32 = tpu.memref_slice %arg5[%arg0, %dma_start3A] : memref<2x40960xf32, #tpu.memory_space<hbm>> -> memref<1x40960xf32, #tpu.memory_space<hbm>>
      %dma_start3A_33 = tpu.memref_squeeze %dma_start3A_32 : memref<1x40960xf32, #tpu.memory_space<hbm>> -> memref<40960xf32, #tpu.memory_space<hbm>>
      %dma_start3A_34 = arith.constant 0 : i32
      %dma_start3A_35 = tpu.memref_slice %arg5[%arg0, %dma_start3A_34] : memref<2x40960xf32, #tpu.memory_space<hbm>> -> memref<1x40960xf32, #tpu.memory_space<hbm>>
      %dma_start3A_36 = tpu.memref_squeeze %dma_start3A_35 : memref<1x40960xf32, #tpu.memory_space<hbm>> -> memref<40960xf32, #tpu.memory_space<hbm>>
      tpu.enqueue_dma source(%dma_start3A_36 : memref<40960xf32, #tpu.memory_space<hbm>>) target(%arg7 : memref<40960xf32, #tpu.memory_space<vmem>>) target_semaphore(%run_scoped3A_31 : memref<!tpu.dma_semaphore, #tpu.memory_space<semaphore_mem>>)
      %dma_wait3A = arith.constant 0 : i32
      %dma_wait3A_37 = tpu.memref_slice %arg5[%arg0, %dma_wait3A] : memref<2x40960xf32, #tpu.memory_space<hbm>> -> memref<1x40960xf32, #tpu.memory_space<hbm>>
      %dma_wait3A_38 = tpu.memref_squeeze %dma_wait3A_37 : memref<1x40960xf32, #tpu.memory_space<hbm>> -> memref<40960xf32, #tpu.memory_space<hbm>>
      %dma_wait3A_39 = arith.constant 0 : i32
      %dma_wait3A_40 = tpu.memref_slice %arg5[%arg0, %dma_wait3A_39] : memref<2x40960xf32, #tpu.memory_space<hbm>> -> memref<1x40960xf32, #tpu.memory_space<hbm>>
      %dma_wait3A_41 = tpu.memref_squeeze %dma_wait3A_40 : memref<1x40960xf32, #tpu.memory_space<hbm>> -> memref<40960xf32, #tpu.memory_space<hbm>>
      tpu.wait_dma2 semaphore(%run_scoped3A_31 : memref<!tpu.dma_semaphore, #tpu.memory_space<semaphore_mem>>) src(%dma_wait3A_41 : memref<40960xf32, #tpu.memory_space<hbm>>) dst(%arg7 : memref<40960xf32, #tpu.memory_space<vmem>>)
      tpu.yield
    }) : () -> ()
    %mul3A_22 = arith.constant 16 : i32
    %mul3A_23 = arith.muli %arg0, %mul3A_22 : i32
    %add3A = arith.addi %mul3A_23, %arg1 : i32
    %mul3A_24 = arith.constant 10000 : i32
    %mul3A_25 = arith.muli %add3A, %mul3A_24 : i32
    %scan3A_26 = arith.constant 0 : i32
    %scan3A_27 = arith.constant 10 : i32
    %scan3A_28 = arith.addi %scan3A_26, %scan3A_27 : i32
    %scan3A_29 = arith.constant 1 : i32
    scf.for %scan3A_31 = %scan3A_26 to %scan3A_28 step %scan3A_29  : i32 {
      %mul3A_32 = arith.constant 1 : i32
      %mul3A_33 = arith.muli %scan3A_31, %mul3A_32 : i32
      %add3A_34 = arith.constant 0 : i32
      %add3A_35 = arith.addi %add3A_34, %mul3A_33 : i32
      %mul3A_36 = arith.constant 1000 : i32
      %mul3A_37 = arith.muli %add3A_35, %mul3A_36 : i32
      %add3A_38 = arith.addi %mul3A_25, %mul3A_37 : i32
      %mul3A_39 = arith.constant 4 : i32
      %mul3A_40 = arith.muli %add3A_38, %mul3A_39 : i32
      "tpu.region"() ({
        %run_scoped3A_104 = tpu.sem_alloc : memref<!tpu.dma_semaphore, #tpu.memory_space<semaphore_mem>>
        %dma_start3A = tpu.memref_slice %arg2[%mul3A_40] : memref<1280000xf32, #tpu.memory_space<hbm>> -> memref<4000xf32, #tpu.memory_space<hbm>>
        %dma_start3A_105 = tpu.memref_slice %arg2[%mul3A_40] : memref<1280000xf32, #tpu.memory_space<hbm>> -> memref<4000xf32, #tpu.memory_space<hbm>>
        tpu.enqueue_dma source(%dma_start3A_105 : memref<4000xf32, #tpu.memory_space<hbm>>) target(%arg8 : memref<4000xf32, #tpu.memory_space<vmem>>) target_semaphore(%run_scoped3A_104 : memref<!tpu.dma_semaphore, #tpu.memory_space<semaphore_mem>>)
        %dma_wait3A = tpu.memref_slice %arg2[%mul3A_40] : memref<1280000xf32, #tpu.memory_space<hbm>> -> memref<4000xf32, #tpu.memory_space<hbm>>
        %dma_wait3A_106 = tpu.memref_slice %arg2[%mul3A_40] : memref<1280000xf32, #tpu.memory_space<hbm>> -> memref<4000xf32, #tpu.memory_space<hbm>>
        tpu.wait_dma2 semaphore(%run_scoped3A_104 : memref<!tpu.dma_semaphore, #tpu.memory_space<semaphore_mem>>) src(%dma_wait3A_106 : memref<4000xf32, #tpu.memory_space<hbm>>) dst(%arg8 : memref<4000xf32, #tpu.memory_space<vmem>>)
        tpu.yield
      }) : () -> ()
      "tpu.region"() ({
        %run_scoped3A_104 = tpu.sem_alloc : memref<!tpu.dma_semaphore, #tpu.memory_space<semaphore_mem>>
        %dma_start3A = tpu.memref_slice %arg3[%add3A_38] : memref<320000xi32, #tpu.memory_space<hbm>> -> memref<1000xi32, #tpu.memory_space<hbm>>
        %dma_start3A_105 = tpu.memref_slice %arg3[%add3A_38] : memref<320000xi32, #tpu.memory_space<hbm>> -> memref<1000xi32, #tpu.memory_space<hbm>>
        tpu.enqueue_dma source(%dma_start3A_105 : memref<1000xi32, #tpu.memory_space<hbm>>) target(%arg10 : memref<1000xi32, #tpu.memory_space<vmem>>) target_semaphore(%run_scoped3A_104 : memref<!tpu.dma_semaphore, #tpu.memory_space<semaphore_mem>>)
        %dma_wait3A = tpu.memref_slice %arg3[%add3A_38] : memref<320000xi32, #tpu.memory_space<hbm>> -> memref<1000xi32, #tpu.memory_space<hbm>>
        %dma_wait3A_106 = tpu.memref_slice %arg3[%add3A_38] : memref<320000xi32, #tpu.memory_space<hbm>> -> memref<1000xi32, #tpu.memory_space<hbm>>
        tpu.wait_dma2 semaphore(%run_scoped3A_104 : memref<!tpu.dma_semaphore, #tpu.memory_space<semaphore_mem>>) src(%dma_wait3A_106 : memref<1000xi32, #tpu.memory_space<hbm>>) dst(%arg10 : memref<1000xi32, #tpu.memory_space<vmem>>)
        tpu.yield
      }) : () -> ()
      %scan3A_41 = arith.constant 0 : i32
      %scan3A_42 = arith.constant 248 : i32
      %scan3A_43 = arith.addi %scan3A_41, %scan3A_42 : i32
      %scan3A_44 = arith.constant 4 : i32
      scf.for %scan3A_104 = %scan3A_41 to %scan3A_43 step %scan3A_44  : i32 {
        %mul3A_105 = arith.constant 1 : i32
        %mul3A_106 = arith.muli %scan3A_104, %mul3A_105 : i32
        %add3A_107 = arith.constant 0 : i32
        %add3A_108 = arith.addi %add3A_107, %mul3A_106 : i32
        %mul3A_109 = arith.constant 4 : i32
        %mul3A_110 = arith.muli %add3A_108, %mul3A_109 : i32
        %add3A_111 = vector.broadcast %mul3A_110 : i32 to vector<16xi32>
        %add3A_112 = arith.addi %shift_right_arithmetic3A_1, %add3A_111 : vector<16xi32>
        %gather3A_113 = tpu.vector_load_idx %arg10[%add3A_112] : memref<1000xi32, #tpu.memory_space<vmem>>[vector<16xi32>], vector<16xi32>,
        %mul3A_114 = arith.constant 4 : i32
        %mul3A_115 = vector.broadcast %mul3A_114 : i32 to vector<16xi32>
        %mul3A_116 = arith.muli %gather3A_113, %mul3A_115 : vector<16xi32>
        %add3A_117 = arith.addi %mul3A_116, %and3A_3 : vector<16xi32>
        %gather3A_118 = tpu.vector_load_idx %arg7[%add3A_117] : memref<40960xf32, #tpu.memory_space<vmem>>[vector<16xi32>], vector<16xf32>,
        %mul3A_119 = arith.constant 16 : i32
        %mul3A_120 = arith.muli %add3A_108, %mul3A_119 : i32
        %get3A_121 = arith.index_cast %mul3A_120 : i32 to index
        %get3A_122 = tpu.vector_load %arg8[%get3A_121] {strides = array<i32>} : memref<4000xf32, #tpu.memory_space<vmem>>, vector<16xf32>,
        %exp3A_123 = math.exp %get3A_122 : vector<16xf32>
        %add3A_124 = arith.constant 1.000000e-16 : f32
        %add3A_125 = vector.broadcast %add3A_124 : f32 to vector<16xf32>
        %add3A_126 = arith.addf %gather3A_118, %add3A_125 : vector<16xf32>
        %div3A_127 = arith.divf %exp3A_123, %add3A_126 : vector<16xf32>
        %mul3A_128 = arith.constant 16 : i32
        %mul3A_129 = arith.muli %add3A_108, %mul3A_128 : i32
        %swap3A_130 = arith.index_cast %mul3A_129 : i32 to index
        %swap3A_131 = tpu.vector_load %arg8[%swap3A_130] {strides = array<i32>} : memref<4000xf32, #tpu.memory_space<vmem>>, vector<16xf32>,
        tpu.vector_store %arg8[%swap3A_130], %div3A_127 {strides = array<i32>} : memref<4000xf32, #tpu.memory_space<vmem>>, vector<16xf32>,
        %scan3A_132 = arith.constant 1 : i32
        %scan3A_133 = arith.addi %scan3A_104, %scan3A_132 : i32
        %mul3A_134 = arith.constant 1 : i32
        %mul3A_135 = arith.muli %scan3A_133, %mul3A_134 : i32
        %add3A_136 = arith.constant 0 : i32
        %add3A_137 = arith.addi %add3A_136, %mul3A_135 : i32
        %mul3A_138 = arith.constant 4 : i32
        %mul3A_139 = arith.muli %add3A_137, %mul3A_138 : i32
        %add3A_140 = vector.broadcast %mul3A_139 : i32 to vector<16xi32>
        %add3A_141 = arith.addi %shift_right_arithmetic3A_1, %add3A_140 : vector<16xi32>
        %gather3A_142 = tpu.vector_load_idx %arg10[%add3A_141] : memref<1000xi32, #tpu.memory_space<vmem>>[vector<16xi32>], vector<16xi32>,
        %mul3A_143 = arith.constant 4 : i32
        %mul3A_144 = vector.broadcast %mul3A_143 : i32 to vector<16xi32>
        %mul3A_145 = arith.muli %gather3A_142, %mul3A_144 : vector<16xi32>
        %add3A_146 = arith.addi %mul3A_145, %and3A_3 : vector<16xi32>
        %gather3A_147 = tpu.vector_load_idx %arg7[%add3A_146] : memref<40960xf32, #tpu.memory_space<vmem>>[vector<16xi32>], vector<16xf32>,
        %mul3A_148 = arith.constant 16 : i32
        %mul3A_149 = arith.muli %add3A_137, %mul3A_148 : i32
        %get3A_150 = arith.index_cast %mul3A_149 : i32 to index
        %get3A_151 = tpu.vector_load %arg8[%get3A_150] {strides = array<i32>} : memref<4000xf32, #tpu.memory_space<vmem>>, vector<16xf32>,
        %exp3A_152 = math.exp %get3A_151 : vector<16xf32>
        %add3A_153 = arith.constant 1.000000e-16 : f32
        %add3A_154 = vector.broadcast %add3A_153 : f32 to vector<16xf32>
        %add3A_155 = arith.addf %gather3A_147, %add3A_154 : vector<16xf32>
        %div3A_156 = arith.divf %exp3A_152, %add3A_155 : vector<16xf32>
        %mul3A_157 = arith.constant 16 : i32
        %mul3A_158 = arith.muli %add3A_137, %mul3A_157 : i32
        %swap3A_159 = arith.index_cast %mul3A_158 : i32 to index
        %swap3A_160 = tpu.vector_load %arg8[%swap3A_159] {strides = array<i32>} : memref<4000xf32, #tpu.memory_space<vmem>>, vector<16xf32>,
        tpu.vector_store %arg8[%swap3A_159], %div3A_156 {strides = array<i32>} : memref<4000xf32, #tpu.memory_space<vmem>>, vector<16xf32>,
        %scan3A_161 = arith.constant 2 : i32
        %scan3A_162 = arith.addi %scan3A_104, %scan3A_161 : i32
        %mul3A_163 = arith.constant 1 : i32
        %mul3A_164 = arith.muli %scan3A_162, %mul3A_163 : i32
        %add3A_165 = arith.constant 0 : i32
        %add3A_166 = arith.addi %add3A_165, %mul3A_164 : i32
        %mul3A_167 = arith.constant 4 : i32
        %mul3A_168 = arith.muli %add3A_166, %mul3A_167 : i32
        %add3A_169 = vector.broadcast %mul3A_168 : i32 to vector<16xi32>
        %add3A_170 = arith.addi %shift_right_arithmetic3A_1, %add3A_169 : vector<16xi32>
        %gather3A_171 = tpu.vector_load_idx %arg10[%add3A_170] : memref<1000xi32, #tpu.memory_space<vmem>>[vector<16xi32>], vector<16xi32>,
        %mul3A_172 = arith.constant 4 : i32
        %mul3A_173 = vector.broadcast %mul3A_172 : i32 to vector<16xi32>
        %mul3A_174 = arith.muli %gather3A_171, %mul3A_173 : vector<16xi32>
        %add3A_175 = arith.addi %mul3A_174, %and3A_3 : vector<16xi32>
        %gather3A_176 = tpu.vector_load_idx %arg7[%add3A_175] : memref<40960xf32, #tpu.memory_space<vmem>>[vector<16xi32>], vector<16xf32>,
        %mul3A_177 = arith.constant 16 : i32
        %mul3A_178 = arith.muli %add3A_166, %mul3A_177 : i32
        %get3A_179 = arith.index_cast %mul3A_178 : i32 to index
        %get3A_180 = tpu.vector_load %arg8[%get3A_179] {strides = array<i32>} : memref<4000xf32, #tpu.memory_space<vmem>>, vector<16xf32>,
        %exp3A_181 = math.exp %get3A_180 : vector<16xf32>
        %add3A_182 = arith.constant 1.000000e-16 : f32
        %add3A_183 = vector.broadcast %add3A_182 : f32 to vector<16xf32>
        %add3A_184 = arith.addf %gather3A_176, %add3A_183 : vector<16xf32>
        %div3A_185 = arith.divf %exp3A_181, %add3A_184 : vector<16xf32>
        %mul3A_186 = arith.constant 16 : i32
        %mul3A_187 = arith.muli %add3A_166, %mul3A_186 : i32
        %swap3A_188 = arith.index_cast %mul3A_187 : i32 to index
        %swap3A_189 = tpu.vector_load %arg8[%swap3A_188] {strides = array<i32>} : memref<4000xf32, #tpu.memory_space<vmem>>, vector<16xf32>,
        tpu.vector_store %arg8[%swap3A_188], %div3A_185 {strides = array<i32>} : memref<4000xf32, #tpu.memory_space<vmem>>, vector<16xf32>,
        %scan3A_190 = arith.constant 3 : i32
        %scan3A_191 = arith.addi %scan3A_104, %scan3A_190 : i32
        %mul3A_192 = arith.constant 1 : i32
        %mul3A_193 = arith.muli %scan3A_191, %mul3A_192 : i32
        %add3A_194 = arith.constant 0 : i32
        %add3A_195 = arith.addi %add3A_194, %mul3A_193 : i32
        %mul3A_196 = arith.constant 4 : i32
        %mul3A_197 = arith.muli %add3A_195, %mul3A_196 : i32
        %add3A_198 = vector.broadcast %mul3A_197 : i32 to vector<16xi32>
        %add3A_199 = arith.addi %shift_right_arithmetic3A_1, %add3A_198 : vector<16xi32>
        %gather3A_200 = tpu.vector_load_idx %arg10[%add3A_199] : memref<1000xi32, #tpu.memory_space<vmem>>[vector<16xi32>], vector<16xi32>,
        %mul3A_201 = arith.constant 4 : i32
        %mul3A_202 = vector.broadcast %mul3A_201 : i32 to vector<16xi32>
        %mul3A_203 = arith.muli %gather3A_200, %mul3A_202 : vector<16xi32>
        %add3A_204 = arith.addi %mul3A_203, %and3A_3 : vector<16xi32>
        %gather3A_205 = tpu.vector_load_idx %arg7[%add3A_204] : memref<40960xf32, #tpu.memory_space<vmem>>[vector<16xi32>], vector<16xf32>,
        %mul3A_206 = arith.constant 16 : i32
        %mul3A_207 = arith.muli %add3A_195, %mul3A_206 : i32
        %get3A_208 = arith.index_cast %mul3A_207 : i32 to index
        %get3A_209 = tpu.vector_load %arg8[%get3A_208] {strides = array<i32>} : memref<4000xf32, #tpu.memory_space<vmem>>, vector<16xf32>,
        %exp3A_210 = math.exp %get3A_209 : vector<16xf32>
        %add3A_211 = arith.constant 1.000000e-16 : f32
        %add3A_212 = vector.broadcast %add3A_211 : f32 to vector<16xf32>
        %add3A_213 = arith.addf %gather3A_205, %add3A_212 : vector<16xf32>
        %div3A_214 = arith.divf %exp3A_210, %add3A_213 : vector<16xf32>
        %mul3A_215 = arith.constant 16 : i32
        %mul3A_216 = arith.muli %add3A_195, %mul3A_215 : i32
        %swap3A_217 = arith.index_cast %mul3A_216 : i32 to index
        %swap3A_218 = tpu.vector_load %arg8[%swap3A_217] {strides = array<i32>} : memref<4000xf32, #tpu.memory_space<vmem>>, vector<16xf32>,
        tpu.vector_store %arg8[%swap3A_217], %div3A_214 {strides = array<i32>} : memref<4000xf32, #tpu.memory_space<vmem>>, vector<16xf32>,
      }
      %scan3A_45 = arith.constant 248 : i32
      %scan3A_46 = arith.addi %scan3A_41, %scan3A_45 : i32
      %mul3A_47 = arith.constant 1 : i32
      %mul3A_48 = arith.muli %scan3A_46, %mul3A_47 : i32
      %add3A_49 = arith.constant 0 : i32
      %add3A_50 = arith.addi %add3A_49, %mul3A_48 : i32
      %mul3A_51 = arith.constant 4 : i32
      %mul3A_52 = arith.muli %add3A_50, %mul3A_51 : i32
      %add3A_53 = vector.broadcast %mul3A_52 : i32 to vector<16xi32>
      %add3A_54 = arith.addi %shift_right_arithmetic3A_1, %add3A_53 : vector<16xi32>
      %gather3A = tpu.vector_load_idx %arg10[%add3A_54] : memref<1000xi32, #tpu.memory_space<vmem>>[vector<16xi32>], vector<16xi32>,
      %mul3A_55 = arith.constant 4 : i32
      %mul3A_56 = vector.broadcast %mul3A_55 : i32 to vector<16xi32>
      %mul3A_57 = arith.muli %gather3A, %mul3A_56 : vector<16xi32>
      %add3A_58 = arith.addi %mul3A_57, %and3A_3 : vector<16xi32>
      %gather3A_59 = tpu.vector_load_idx %arg7[%add3A_58] : memref<40960xf32, #tpu.memory_space<vmem>>[vector<16xi32>], vector<16xf32>,
      %mul3A_60 = arith.constant 16 : i32
      %mul3A_61 = arith.muli %add3A_50, %mul3A_60 : i32
      %get3A = arith.index_cast %mul3A_61 : i32 to index
      %get3A_62 = tpu.vector_load %arg8[%get3A] {strides = array<i32>} : memref<4000xf32, #tpu.memory_space<vmem>>, vector<16xf32>,
      %exp3A = math.exp %get3A_62 : vector<16xf32>
      %add3A_63 = arith.constant 1.000000e-16 : f32
      %add3A_64 = vector.broadcast %add3A_63 : f32 to vector<16xf32>
      %add3A_65 = arith.addf %gather3A_59, %add3A_64 : vector<16xf32>
      %div3A = arith.divf %exp3A, %add3A_65 : vector<16xf32>
      %mul3A_66 = arith.constant 16 : i32
      %mul3A_67 = arith.muli %add3A_50, %mul3A_66 : i32
      %swap3A = arith.index_cast %mul3A_67 : i32 to index
      %swap3A_68 = tpu.vector_load %arg8[%swap3A] {strides = array<i32>} : memref<4000xf32, #tpu.memory_space<vmem>>, vector<16xf32>,
      tpu.vector_store %arg8[%swap3A], %div3A {strides = array<i32>} : memref<4000xf32, #tpu.memory_space<vmem>>, vector<16xf32>,
      %scan3A_69 = arith.constant 249 : i32
      %scan3A_70 = arith.addi %scan3A_41, %scan3A_69 : i32
      %mul3A_71 = arith.constant 1 : i32
      %mul3A_72 = arith.muli %scan3A_70, %mul3A_71 : i32
      %add3A_73 = arith.constant 0 : i32
      %add3A_74 = arith.addi %add3A_73, %mul3A_72 : i32
      %mul3A_75 = arith.constant 4 : i32
      %mul3A_76 = arith.muli %add3A_74, %mul3A_75 : i32
      %add3A_77 = vector.broadcast %mul3A_76 : i32 to vector<16xi32>
      %add3A_78 = arith.addi %shift_right_arithmetic3A_1, %add3A_77 : vector<16xi32>
      %gather3A_79 = tpu.vector_load_idx %arg10[%add3A_78] : memref<1000xi32, #tpu.memory_space<vmem>>[vector<16xi32>], vector<16xi32>,
      %mul3A_80 = arith.constant 4 : i32
      %mul3A_81 = vector.broadcast %mul3A_80 : i32 to vector<16xi32>
      %mul3A_82 = arith.muli %gather3A_79, %mul3A_81 : vector<16xi32>
      %add3A_83 = arith.addi %mul3A_82, %and3A_3 : vector<16xi32>
      %gather3A_84 = tpu.vector_load_idx %arg7[%add3A_83] : memref<40960xf32, #tpu.memory_space<vmem>>[vector<16xi32>], vector<16xf32>,
      %mul3A_85 = arith.constant 16 : i32
      %mul3A_86 = arith.muli %add3A_74, %mul3A_85 : i32
      %get3A_87 = arith.index_cast %mul3A_86 : i32 to index
      %get3A_88 = tpu.vector_load %arg8[%get3A_87] {strides = array<i32>} : memref<4000xf32, #tpu.memory_space<vmem>>, vector<16xf32>,
      %exp3A_89 = math.exp %get3A_88 : vector<16xf32>
      %add3A_90 = arith.constant 1.000000e-16 : f32
      %add3A_91 = vector.broadcast %add3A_90 : f32 to vector<16xf32>
      %add3A_92 = arith.addf %gather3A_84, %add3A_91 : vector<16xf32>
      %div3A_93 = arith.divf %exp3A_89, %add3A_92 : vector<16xf32>
      %mul3A_94 = arith.constant 16 : i32
      %mul3A_95 = arith.muli %add3A_74, %mul3A_94 : i32
      %swap3A_96 = arith.index_cast %mul3A_95 : i32 to index
      %swap3A_97 = tpu.vector_load %arg8[%swap3A_96] {strides = array<i32>} : memref<4000xf32, #tpu.memory_space<vmem>>, vector<16xf32>,
      tpu.vector_store %arg8[%swap3A_96], %div3A_93 {strides = array<i32>} : memref<4000xf32, #tpu.memory_space<vmem>>, vector<16xf32>,
      %scan3A_98 = arith.constant 250 : i32
      %mul3A_99 = arith.constant 1000 : i32
      %mul3A_100 = arith.muli %add3A_35, %mul3A_99 : i32
      %add3A_101 = arith.addi %mul3A_25, %mul3A_100 : i32
      %mul3A_102 = arith.constant 4 : i32
      %mul3A_103 = arith.muli %add3A_101, %mul3A_102 : i32
      "tpu.region"() ({
        %run_scoped3A_104 = tpu.sem_alloc : memref<!tpu.dma_semaphore, #tpu.memory_space<semaphore_mem>>
        %dma_start3A = tpu.memref_slice %arg6[%mul3A_103] : memref<1280000xf32, #tpu.memory_space<hbm>> -> memref<4000xf32, #tpu.memory_space<hbm>>
        %dma_start3A_105 = tpu.memref_slice %arg6[%mul3A_103] : memref<1280000xf32, #tpu.memory_space<hbm>> -> memref<4000xf32, #tpu.memory_space<hbm>>
        tpu.enqueue_dma source(%arg8 : memref<4000xf32, #tpu.memory_space<vmem>>) target(%dma_start3A_105 : memref<4000xf32, #tpu.memory_space<hbm>>) target_semaphore(%run_scoped3A_104 : memref<!tpu.dma_semaphore, #tpu.memory_space<semaphore_mem>>)
        %dma_wait3A = tpu.memref_slice %arg6[%mul3A_103] : memref<1280000xf32, #tpu.memory_space<hbm>> -> memref<4000xf32, #tpu.memory_space<hbm>>
        %dma_wait3A_106 = tpu.memref_slice %arg6[%mul3A_103] : memref<1280000xf32, #tpu.memory_space<hbm>> -> memref<4000xf32, #tpu.memory_space<hbm>>
        tpu.wait_dma2 semaphore(%run_scoped3A_104 : memref<!tpu.dma_semaphore, #tpu.memory_space<semaphore_mem>>) src(%arg8 : memref<4000xf32, #tpu.memory_space<vmem>>) dst(%dma_wait3A_106 : memref<4000xf32, #tpu.memory_space<hbm>>)
        tpu.yield
      }) : () -> ()
    }
    %scan3A_30 = arith.constant 10 : i32
    return
  }
}

module attributes {stable_mosaic.version = 14 : i64} {
  func.func @_merge_body(%arg0: i32, %arg1: memref<2x1024x128xf32, #tpu.memory_space<vmem>>, %arg2: memref<1024x128xf32, #tpu.memory_space<vmem>>) attributes {dimension_semantics = [#tpu.dimension_semantics<arbitrary>], iteration_bounds = array<i64: 10>, scalar_prefetch = 0 : i64, scratch_operands = 0 : i64, tpu.core_type = #tpu.core_type<tc>, window_params = [{transform_indices = @transform_0, window_bounds = array<i64: 2, 1024, 128>}, {transform_indices = @transform_1, window_bounds = array<i64: 1024, 128>}]} {
    %get3A = arith.constant 0 : index
    %get3A_0 = arith.constant 0 : index
    %get3A_1 = arith.constant 0 : index
    %get3A_2 = vector.load %arg1[%get3A, %get3A_0, %get3A_1] : memref<2x1024x128xf32, #tpu.memory_space<vmem>>, vector<1x1024x128xf32>
    %get3A_3 = vector.shape_cast %get3A_2 : vector<1x1024x128xf32> to vector<1024x128xf32>
    %get3A_4 = arith.constant 1 : index
    %get3A_5 = arith.constant 0 : index
    %get3A_6 = arith.constant 0 : index
    %get3A_7 = vector.load %arg1[%get3A_4, %get3A_5, %get3A_6] : memref<2x1024x128xf32, #tpu.memory_space<vmem>>, vector<1x1024x128xf32>
    %get3A_8 = vector.shape_cast %get3A_7 : vector<1x1024x128xf32> to vector<1024x128xf32>
    %add3A = arith.addf %get3A_3, %get3A_8 : vector<1024x128xf32>
    %swap3A = arith.constant 0 : index
    %swap3A_9 = arith.constant 0 : index
    %swap3A_10 = vector.load %arg2[%swap3A, %swap3A_9] : memref<1024x128xf32, #tpu.memory_space<vmem>>, vector<1024x128xf32>
    tpu.vector_store %arg2[%swap3A, %swap3A_9], %add3A {strides = array<i32>} : memref<1024x128xf32, #tpu.memory_space<vmem>>, vector<1024x128xf32>,
    return
  }
  func.func @transform_0(%arg0: i32) -> (i32, i32, i32) {
    %c0_i32 = arith.constant 0 : i32
    %c0_i32_0 = arith.constant 0 : i32
    %c0_i32_1 = arith.constant 0 : i32
    return %c0_i32, %arg0, %c0_i32_0 : i32, i32, i32
  }
  func.func @transform_1(%arg0: i32) -> (i32, i32) {
    %c0_i32 = arith.constant 0 : i32
    %c0_i32_0 = arith.constant 0 : i32
    return %arg0, %c0_i32 : i32, i32
  }
}

</mosaic_0001>

<sc_bundles>
// kernel: kernel.5.cloned.1.call-start
scs
__scs_entry_jumppad:
0x0: {  	(pc) =	sbr.rel $0x88, $3  }
0x1: {  	(tag) =	ssettag $0x0;
	lr =	simm.s32 $0x1  }
0x2: {  	[smem:$0x3F9E] =	sst lr;
	_ =	strace $0xD0000000  }
0x3: {  	_ = 	snop  }
0x4: {  	_ = 	snop  }
0x5: {  	_ = 	snop  }
0x6: {  	_ = 	snop  }
0x7: {  	_ = 	snop  }
__scs_overlays_trampoline_lowered:
0x8: {  	[smem:$0x3FAD] =	sst s0  }
0x9: {  	[smem:$0x3FAE] =	sst s1  }
0xa: {  	[smem:$0x3FAF] =	sst s2  }
0xb: {  	[smem:$0x3FB0] =	sst s3  }
0xc: {  	[smem:$0x3FB1] =	sst s4  }
0xd: {  	[smem:$0x3FB2] =	sst s5  }
0xe: {  	[smem:$0x3FB3] =	sst s6  }
0xf: {  	[smem:$0x3FB4] =	sst s7  }
0x10: {  	[smem:$0x3FB5] =	sst s8  }
0x11: {  	[smem:$0x3FB6] =	sst s9;
	s0 =	simm.s32 @!p0 $0x0  }
0x12: {  	s1 =	sld [smem:$0x3F9C];
	s0 =	simm.s32 @p0 $0x1  }
0x13: {  	[smem:$0x3FB7] =	sst s0;
	s0 =	simm.s32 @!p1 $0x0  }
0x14: {  	s2 =	sld [smem:$0x3F9B];
	s0 =	simm.s32 @p1 $0x1  }
0x15: {  	[smem:$0x3FB8] =	sst s0;
	s0 =	simm.s32 @!p2 $0x0  }
0x16: {  	s3 =	sld [smem:$0x3FDB];
	s0 =	simm.s32 @p2 $0x1  }
0x17: {  	s4 =	simm.s32 $0x1BF5;
	[smem:$0x3FBA] =	sst s0  }
0x18: {  	s0 =	sld [smem:$0x3F9D];
	_ =	swait.ge [sflag:s4], $0x0  }
0x19: {  	s7 =	sld [smem:$0x3F9E]  }
0x1a: {  	s8 =	sadd.s32 $0xFFFFE003, lr  }
0x1b: {  	s9 =	sadd.s32 $0xFFFFFEF7, lr;
	s5 =	simm.s32 $0xFFFFFFFF;
	p2 =	slt.u32 s8, $0xFFFFF086  }
0x1c: {  	p1 =	slt.u32 s9, $0xF7A;
	s5 =	simm.s32 @!p2 $0x0  }
0x1d: {  	s5 =	simm.s32 @p1 $0x1;
	p0 =	seq.s32 s7, s2  }
0x1e: {  	s7 =	smul.u32 @!p0 $0xF7A, s2;
	p2 =	seq.s32 @!p0 s5, $0x0  }
0x1f: {  	s9 =	smul.u32 $0xF7A, s1;
	s8 =	simm.s32 @!p0 $0x1BF5;
	p2 =	por !p2, p0  }
0x20: {  	[sflag:s8] =	ssyncset.s32 @!p0 $0xFFFFF086;
	s6 =	sadd.s32 @!p0 s3, s7;
	s7 =	simm.s32 @!p0 $0x108  }
0x21: {  	s3 =	sadd.s32 s3, s9;
	s6 =	sadd.s32 @!p0 $0x88, s6;
	s7 =	simm.s32 @p2 $0x1082  }
0x22: {  	[simem:s7], [sflag:s8] =	dma.local @!p0 [hbm:s6], $0xF7A  }
0x23: {  	s9 =	sor.u32 $0xD0000000, s2;
	s6 =	simm.s32 $0x108;
	_ =	swait.ge @!p0 [sflag:s8], $0x0  }
0x24: {  	s3 =	sadd.s32 $0x88, s3;
	s6 =	simm.s32 @!p1 $0x1082;
	[sflag:s4] =	ssyncset.s32 $0xFFFFF086  }
0x25: {  	[simem:s6], [sflag:s4] =	dma.local [hbm:s3], $0xF7A  }
0x26: {  	[smem:$0x3F9E] =	sst s1;
	(tag) =	ssettag s2;
	_ =	strace s9  }
0x27: {  	s1 =	sld [smem:$0x3FAE]  }
0x28: {  	s2 =	sld [smem:$0x3FAF]  }
0x29: {  	s4 =	sld [smem:$0x3FB1]  }
0x2a: {  	p0 =	seq.s32 s5, $0x0;
	s5 =	sld [smem:$0x3FB2]  }
0x2b: {  	s6 =	sld [smem:$0x3FB3]  }
0x2c: {  	s7 =	sld [smem:$0x3FB4]  }
0x2d: {  	s3 =	simm.s32 $0x108;
	s8 =	sld [smem:$0x3FB5]  }
0x2e: {  	s3 =	simm.s32 @!p0 $0x1082;
	s9 =	sld [smem:$0x3FB6]  }
0x2f: {  	lr =	sadd.s32 s0, s3;
	s0 =	sld [smem:$0x3FAD]  }
0x30: {  	s3 =	sld [smem:$0x3FB0]  }
0x31: {  	[smem:$0x3FB9] =	sst s10  }
0x32: {  	s10 =	sld [smem:$0x3FB7];
	_ =	sdelay $0x3  }
0x33: {  	p0 =	seq.s32 s10, $0x1;
	s10 =	sld [smem:$0x3FB9];
	_ =	sdelay $0x3  }
0x34: {  	[smem:$0x3FB9] =	sst s10  }
0x35: {  	s10 =	sld [smem:$0x3FB8];
	_ =	sdelay $0x3  }
0x36: {  	p1 =	seq.s32 s10, $0x1;
	s10 =	sld [smem:$0x3FB9];
	_ =	sdelay $0x3  }
0x37: {  	[smem:$0x3FB9] =	sst s10  }
0x38: {  	s10 =	sld [smem:$0x3FBA]  }
0x39: {  	_ = 	snop;
	(pc) =	sbr.ind lr, $3  }
0x3a: {  	_ = 	snop  }
0x3b: {  	_ = 	snop  }
0x3c: {  	p2 =	seq.s32 s10, $0x1;
	s10 =	sld [smem:$0x3FB9]  }
0x3d: {  	_ =	shalt  }
0x3e: {  	_ =	shalt  }
0x3f: {  	_ =	shalt  }
0x40: {  	_ =	shalt  }
0x41: {  	_ =	shalt  }
0x42: {  	_ =	shalt  }
0x43: {  	_ =	shalt  }
0x44: {  	_ =	shalt  }
0x45: {  	_ =	shalt  }
0x46: {  	_ =	shalt  }
0x47: {  	_ =	shalt  }
0x48: {  	_ =	shalt  }
0x49: {  	_ =	shalt  }
0x4a: {  	_ =	shalt  }
0x4b: {  	_ =	shalt  }
0x4c: {  	_ =	shalt  }
0x4d: {  	_ =	shalt  }
0x4e: {  	_ =	shalt  }
0x4f: {  	_ =	shalt  }
0x50: {  	_ =	shalt  }
0x51: {  	_ =	shalt  }
0x52: {  	_ =	shalt  }
0x53: {  	_ =	shalt  }
0x54: {  	_ =	shalt  }
0x55: {  	_ =	shalt  }
0x56: {  	_ =	shalt  }
0x57: {  	_ =	shalt  }
0x58: {  	_ =	shalt  }
0x59: {  	_ =	shalt  }
0x5a: {  	_ =	shalt  }
0x5b: {  	_ =	shalt  }
0x5c: {  	_ =	shalt  }
0x5d: {  	_ =	shalt  }
0x5e: {  	_ =	shalt  }
0x5f: {  	_ =	shalt  }
0x60: {  	_ =	shalt  }
0x61: {  	_ =	shalt  }
0x62: {  	_ =	shalt  }
0x63: {  	_ =	shalt  }
0x64: {  	_ =	shalt  }
0x65: {  	_ =	shalt  }
0x66: {  	_ =	shalt  }
0x67: {  	_ =	shalt  }
0x68: {  	_ =	shalt  }
0x69: {  	_ =	shalt  }
0x6a: {  	_ =	shalt  }
0x6b: {  	_ =	shalt  }
0x6c: {  	_ =	shalt  }
0x6d: {  	_ =	shalt  }
0x6e: {  	_ =	shalt  }
0x6f: {  	_ =	shalt  }
0x70: {  	_ =	shalt  }
0x71: {  	_ =	shalt  }
0x72: {  	_ =	shalt  }
0x73: {  	_ =	shalt  }
0x74: {  	_ =	shalt  }
0x75: {  	_ =	shalt  }
0x76: {  	_ =	shalt  }
0x77: {  	_ =	shalt  }
0x78: {  	_ =	shalt  }
0x79: {  	_ =	shalt  }
0x7a: {  	_ =	shalt  }
0x7b: {  	_ =	shalt  }
0x7c: {  	_ =	shalt  }
0x7d: {  	_ =	shalt  }
0x7e: {  	_ =	shalt  }
0x7f: {  	_ =	shalt  }
0x80: {  	_ =	shalt  }
0x81: {  	_ =	shalt  }
0x82: {  	_ =	shalt  }
0x83: {  	_ =	shalt  }
0x84: {  	_ =	shalt  }
0x85: {  	_ =	shalt  }
0x86: {  	_ =	shalt  }
0x87: {  	_ =	shalt  }
.Lfunc_end0:
.L_simem_size_0:
called_computation_lowered:
.L_overlay_start_0:
0x88: {  	s2 =	sld [smem:$0x3FD9]  }
0x89: {  	s3 =	sld [smem:$0x3FFE];
	_ =	sdelay $0x1  }
0x8a: {  	s1 =	srdreg.scid  }
0x8b: {  	s0 =	sand.u32 $0x1, s1  }
0x8c: {  	s17 =	sshll.u32 s0, $0xA;
	s2 =	sadd.s32 s3, s2  }
0x8d: {  	s2 =	sadd.s32 s2, s17  }
0x8e: {  	[smem:$0x3FC5] =	sst s2  }
0x8f: {  	_ = 	snop  }
0x90: {  	s2 =	sld [smem:$0x3FD0];
	(tm) =	ssettm $0x1  }
0x91: {  	s18 =	sld [smem:$0x3FFB];
	_ =	sdelay $0x3  }
0x92: {  	_ =	strace s18  }
0x93: {  	s3 =	sld [smem:$0x3FFC];
	_ =	sdelay $0x3  }
0x94: {  	_ =	strace s3  }
0x95: {  	s3 =	sld [smem:$0x3FFD];
	_ =	sdelay $0x3  }
0x96: {  	_ =	strace s3  }
0x97: {  	_ =	strace $0x8FFFFFFF  }
0x98: {  	s19 =	sld [smem:$0x3FDB];
	_ =	sdelay $0x1  }
0x99: {  	s4 =	simm.s32 $_scs_section_size  }
0x9a: {  	s5 =	simm.s32 $_size__tile_overlayer_lowered;
	s6 =	simm.s32 $_tile_overlayer_lowered  }
0x9b: {  	s22 =	simm.s32 $0x1BFF;
	s21 =	sshll.u32 s6, $0x1;
	s3 =	sadd.s32 s4, s19  }
0x9c: {  	s7 =	simm.s32 $0x0;
	s20 =	sshll.u32 s5, $0x1;
	s5 =	sadd.s32 s21, s3  }
0x9d: {  	[timem:s7], [sflag:s22] =	dma.local [hbm:s5], s20  }
0x9e: {  	_ =	swait.ge [sflag:s22], s20  }
0x9f: {  	s4 =	ssub.s32 $0x0, s20;
	[sflag:s22] =	ssyncset.done $0x0  }
0xa0: {  	[sflag:s22] =	ssyncadd.s32 s4;
	_ =	sdelay $0x1  }
0xa1: {  	s23 =	simm.s32 $0x1B8B  }
0xa2: {  	_ =	swait.ge [sflag:s23], $0x1  }
0xa3: {  	[sflag:s23] =	ssyncset.done $0x0  }
0xa4: {  	s25 =	simm.s32 $0x1B8E;
	s24 =	sld [smem:$0x3FFE];
	[sflag:s23] =	ssyncadd.s32 $0xFFFFFFFF  }
0xa5: {  	s26 =	simm.s32 $execute0_lowered;
	[smem:$0x3FD2] =	sst s25  }
0xa6: {  	s5 =	sshll.u32 s26, $0x1;
	_ =	strace $0x80000046;
	[dreg:$0x1] =	wrdreg $0xFFFFFFFF  }
0xa7: {  	s28 =	simm.s32 $_size_execute0_lowered;
	s3 =	sadd.s32 s3, s5;
	[dreg:$0x0] =	wrdreg $0x0  }
0xa8: {  	s5 =	sshll.u32 s28, $0x1;
	[dreg:$0x2] =	wrdreg s3  }
0xa9: {  	[dreg:$0x3] =	wrdreg s5  }
0xaa: {  	[dreg:$0x4] =	wrdreg $0xC0  }
0xab: {  	_ =	task [dreg:s7], $0x5FFFF  }
0xac: {  	[dreg:$0x1] =	wrdreg $0xFFFFFFFF  }
0xad: {  	[dreg:$0x0] =	wrdreg $0x60  }
0xae: {  	[dreg:$0x2] =	wrdreg s2  }
0xaf: {  	[dreg:$0x3] =	wrdreg s24  }
0xb0: {  	[dreg:$0x4] =	wrdreg $0x9  }
0xb1: {  	_ =	task.clear_ibuf [dreg:s7], $0x5FFFF;
	_ =	strace $0x90000046  }
0xb2: {  	s29 =	simm.s32 $0x9;
	_ =	strace $0x80000048  }
0xb3: {  	_ =	swait.ge [sflag:s29], $0x1  }
0xb4: {  	[sflag:s29] =	ssyncadd.s32 $0xFFFFFFFF  }
0xb5: {  	_ =	strace $0x90000048  }
0xb6: {  	_ =	sfence  }
0xb7: {  	s30 =	sld [smem:$0x0];
	_ =	sdelay $0x2  }
0xb8: {  	s31 =	sshll.u32 s1, $0xD;
	s1 =	sshrl.u32 s1, $0x2  }
0xb9: {  	s3 =	sand.u32 $0x4000, s31;
	s1 =	sadd.s32 s1, s30  }
0xba: {  	s0 =	sor.u32 s3, s0;
	s1 =	sshll.u32 s1, $0x11  }
0xbb: {  	s0 =	sor.u32 s1, s0  }
0xbc: {  	s0 =	sadd.s32 $0x8F2B, s0  }
0xbd: {  	[sflag:s0] =	ssyncadd.remote.s32 $0x1  }
0xbe: {  	_ =	sfence.sel $0xFFFF  }
0xbf: {  	[dreg:$0x0] =	wrdreg $0xFFFFFFFF;
	(pc) =	sbr.abs _section_cstart, $3  }
0xc0: {  	[dreg:$0x1] =	wrdreg $0xFFFFFFFF  }
0xc1: {  	_ =	task.clear_ibuf [dreg:s7], $0x2FFFF;
	_ =	strace $0x9FFFFFFF  }
0xc2: {  	(tm) =	ssettm $0x7FFFFFFF  }
0xc3: {  	_ =	shalt  }
tec
execute0_lowered:
.L_overlay_start_1:
0x0: {  	(tag) =	ssettag $0x1  }
0x1: {  	s1 =	rddreg [dreg:$0x0]  }
0x2: {  	s6 =	rddreg [dreg:$0x1]  }
0x3: {  	s0 =	rddreg [dreg:$0x2];
	s2 =	simm.s32 $0x0  }
0x4: {  	s5 =	srdreg.scid;
	s3 =	stileid.u32;
	s16 =	simm.s32 $0x1  }
0x5: {  	s17 =	simm.s32 $0xB000;
	s18 =	simm.s32 $0x80;
	s19 =	simm.s32 $0x400  }
0x6: {  	s20 =	simm.s32 $0xB400;
	s21 =	simm.s32 $0xBE00;
	s22 =	simm.s32 $0x100  }
0x7: {  	s23 =	simm.s32 $0x0;
	[smem:$0x7FF] =	sst s2;
	s4 =	sadd.s32 $0x800, s6  }
0x8: {  	s10 =	sand.u32 $0x1, s5;
	s5 =	sadd.s32 $0x14400, s6;
	s14 =	smul.u32 $0x5000, s3  }
0x9: {  	s7 =	sshrl.u32 s3, $0x3;
	s12 =	sadd.s32 $0x3C400, s6;
	s26 =	smul.u32 $0x1400, s3  }
0xa: {  	s6 =	sadd.s32 $0x3EC00, s6;
	s13 =	sshll.u32 s3, $0x7;
	s9 =	smul.u32 $0xA0000, s10  }
0xb: {  	_ =	strace $0x80000047;
	s8 =	ssub.s32 $0x2, s10;
	s7 =	smul.u32 $0x50000, s7  }
0xc: {  	s13 =	sand.u32 $0x380, s13;
	s28 =	sshll.u32 s10, $0x7;
	s30 =	sshll.u32 s10, $0x4  }
0xd: {  	vm2 =	vcmask $0x3F30;
	s11 =	sshrl.u32 s8, $0x1;
	s31 =	sor.u32 s3, s30;
	s7 =	sadd.s32 s9, s7  }
0xe: {  	s15 =	ssub.s32 s8, s11;
	s9 =	sadd.s32 s14, s9;
	s11 =	sor.u32 s28, s26  }
0xf: {  	s25 =	sor.u32 s13, s7;
	s7 =	smul.u32 $0x4E20, s3;
	s29 =	sshrl.u32 s9, $0x3  }
0x10: {  	v2 =	vlaneseq.u32;
	v0 =	vimm.f32 $0.0e+00;
	s11 =	sshrl.u32 s11, $0x3;
	s13 =	smul.u32 $0x2710, s31;
	s14 =	smax.u32 s15, $0x1  }
0x11: {  	vm0 =	vcmask $0x1F10;
	vm1 =	vcmask $0x2F20;
	v1 =	vshrl.u32 v2, $0x2;
	s15 =	simm.s32 $0xA000;
	s8 =	sshrl.u32 s25, $0x3;
	s10 =	sadd.s32 s5, s29  }
0x12: {  	v2 =	vand.u32 $0x3, v2;
	v3 =	vor.u32 $0x3E0, v1;
	v4 =	vor.u32 $0x3E4, v1;
	s11 =	sadd.s32 s12, s11;
	s12 =	sadd.s32 s12, s30;
	s8 =	sadd.s32 s5, s8  }
.LBB2_1:
0x13: {  	s24 =	simm.s32 $0x0  }
.LBB2_2:
0x14: {  	p0 =	sne.s32 s24, $0x27FC0  }
.Ltmp0:
0x15: {  	_ = 	snop;
	(pc) =	sbr.rel @p0 .LBB2_2-.Ltmp0, $3  }
0x16: {  	_ =	sdelay $0x1  }
0x17: {  	s25 =	sshra.s32 s24, $0x2  }
0x18: {  	s24 =	sadd.s32 $0x40, s24;
	[tilespmem:s25+$0x0] =	vst v0  }
0x19: {  	s24 =	simm.s32 $0x0  }
.LBB2_4:
0x1a: {  	s25 =	smul.u32 $0x3E8, s24;
	_ =	sdelay $0x1  }
0x1b: {  	s25 =	sadd.s32 s7, s25  }
0x1c: {  	s26 =	sshrl.u32 s25, $0x1  }
0x1d: {  	s26 =	sadd.s32 s1, s26  }
0x1e: {  	[tilespmem:s15], [sflag:$0x1] =	stream.linear.gather [hbm4b:s26+s2], $0xFA0, $0x38;
	[tilespmem:$0xC800] =	vst v63  }
0x1f: {  	_ =	swait.ge [sflag:s16], $0xFA0  }
0x20: {  	s25 =	sshrl.u32 s25, $0x3;
	[sflag:s16] =	ssyncset.done $0x0  }
0x21: {  	s25 =	sadd.s32 s4, s25;
	[sflag:s16] =	ssyncadd.s32 $0xFFFFF060  }
0x22: {  	[tilespmem:s17], [sflag:$0x1] =	stream.linear.gather [hbm4b:s25+s2], $0x3E8, $0x38;
	[tilespmem:$0xC800] =	vst v63  }
0x23: {  	_ =	swait.ge [sflag:s16], $0x3E8  }
0x24: {  	[sflag:s16] =	ssyncset.done $0x0  }
0x25: {  	s25 =	simm.s32 $0xA020;
	[sflag:s16] =	ssyncadd.s32 $0xFFFFFC18  }
0x26: {  	s31 =	simm.s32 $0x0;
	v5 =	vld [tilespmem:s25+$0xFFFFFFE0]  }
0x27: {  	v6 =	vor.u32 s31, v1;
	_ =	sdelay $0x3  }
0x28: {  	v5 =	vmul.f32 $1.442695020e+00, v5  }
0x29: {  	v6 =	vld.idx.msk [tilespmem:v6+s17+$0x0], $0xffff  }
0x2a: {  	(erf) = vpow2.f32 v5;
	_ =	sdelay $0x3  }
0x2b: {  	v5 =	vshll.u32 v6, $0x2  }
0x2c: {  	v5 =	vor.u32 v2, v5;
	_ =	sdelay $0x3  }
0x2d: {  	v6 =	vpop (erf)  }
0x2e: {  	[tilespmem:v5+s2+$0x0] =	vst.idx.add.f32.msk $0xf, v6  }
0x2f: {  	[tilespmem:v5+s2+$0x0] =	vst.idx.add.f32.msk vm0, v6  }
0x30: {  	[tilespmem:v5+s2+$0x0] =	vst.idx.add.f32.msk vm1, v6  }
0x31: {  	[tilespmem:v5+s2+$0x0] =	vst.idx.add.f32.msk vm2, v6  }
0x32: {  	s29 =	simm.s32 $0x4;
	v5 =	vld [tilespmem:s25+$0xFFFFFFF0]  }
0x33: {  	v6 =	vor.u32 s29, v1;
	_ =	sdelay $0x3  }
0x34: {  	v5 =	vmul.f32 $1.442695020e+00, v5  }
0x35: {  	v6 =	vld.idx.msk [tilespmem:v6+s17+$0x0], $0xffff  }
0x36: {  	(erf) = vpow2.f32 v5;
	_ =	sdelay $0x3  }
0x37: {  	v5 =	vshll.u32 v6, $0x2  }
0x38: {  	v5 =	vor.u32 v2, v5;
	_ =	sdelay $0x3  }
0x39: {  	v6 =	vpop (erf)  }
0x3a: {  	[tilespmem:v5+s2+$0x0] =	vst.idx.add.f32.msk $0xf, v6  }
0x3b: {  	[tilespmem:v5+s2+$0x0] =	vst.idx.add.f32.msk vm0, v6  }
0x3c: {  	[tilespmem:v5+s2+$0x0] =	vst.idx.add.f32.msk vm1, v6  }
0x3d: {  	[tilespmem:v5+s2+$0x0] =	vst.idx.add.f32.msk vm2, v6  }
0x3e: {  	s30 =	simm.s32 $0x8;
	v5 =	vld [tilespmem:s25+$0x0]  }
0x3f: {  	v6 =	vor.u32 s30, v1;
	_ =	sdelay $0x3  }
0x40: {  	v5 =	vmul.f32 $1.442695020e+00, v5  }
0x41: {  	v6 =	vld.idx.msk [tilespmem:v6+s17+$0x0], $0xffff  }
0x42: {  	(erf) = vpow2.f32 v5;
	_ =	sdelay $0x3  }
0x43: {  	v5 =	vshll.u32 v6, $0x2  }
0x44: {  	v5 =	vor.u32 v2, v5;
	_ =	sdelay $0x3  }
0x45: {  	v6 =	vpop (erf)  }
0x46: {  	[tilespmem:v5+s2+$0x0] =	vst.idx.add.f32.msk $0xf, v6  }
0x47: {  	[tilespmem:v5+s2+$0x0] =	vst.idx.add.f32.msk vm0, v6  }
0x48: {  	[tilespmem:v5+s2+$0x0] =	vst.idx.add.f32.msk vm1, v6  }
0x49: {  	[tilespmem:v5+s2+$0x0] =	vst.idx.add.f32.msk vm2, v6  }
0x4a: {  	s31 =	simm.s32 $0xC;
	v5 =	vld [tilespmem:s25+$0x10]  }
0x4b: {  	v6 =	vor.u32 s31, v1;
	_ =	sdelay $0x3  }
0x4c: {  	v5 =	vmul.f32 $1.442695020e+00, v5  }
0x4d: {  	v6 =	vld.idx.msk [tilespmem:v6+s17+$0x0], $0xffff  }
0x4e: {  	(erf) = vpow2.f32 v5;
	_ =	sdelay $0x3  }
0x4f: {  	v5 =	vshll.u32 v6, $0x2  }
0x50: {  	v5 =	vor.u32 v2, v5;
	_ =	sdelay $0x3  }
0x51: {  	v6 =	vpop (erf)  }
0x52: {  	[tilespmem:v5+s2+$0x0] =	vst.idx.add.f32.msk $0xf, v6  }
0x53: {  	[tilespmem:v5+s2+$0x0] =	vst.idx.add.f32.msk vm0, v6  }
0x54: {  	s28 =	simm.s32 $0x4;
	s26 =	simm.s32 $0x1C;
	[tilespmem:v5+s2+$0x0] =	vst.idx.add.f32.msk vm1, v6  }
.LBB2_5:
0x55: {  	s28 =	sadd.s32 $0x4, s28;
	s29 =	sadd.s32 $0xFFFFFFF4, s26;
	[tilespmem:v5+s2+$0x0] =	vst.idx.add.f32.msk vm2, v6;
	s25 =	sadd.s32 $0x40, s25  }
0x56: {  	p0 =	slt.u32 s28, $0xF4;
	v5 =	vld [tilespmem:s25+$0xFFFFFFE0];
	v6 =	vor.u32 s29, v1;
	_ =	sdelay $0x4  }
0x57: {  	v5 =	vmul.f32 $1.442695020e+00, v5;
	v6 =	vld.idx.msk [tilespmem:v6+s17+$0x0], $0xffff;
	_ =	sdelay $0x1  }
0x58: {  	(erf) = vpow2.f32 v5;
	_ =	sdelay $0x3  }
0x59: {  	v5 =	vshll.u32 v6, $0x2  }
0x5a: {  	v5 =	vor.u32 v2, v5;
	_ =	sdelay $0x3  }
0x5b: {  	v6 =	vpop (erf)  }
0x5c: {  	[tilespmem:v5+s2+$0x0] =	vst.idx.add.f32.msk $0xf, v6  }
0x5d: {  	[tilespmem:v5+s2+$0x0] =	vst.idx.add.f32.msk vm0, v6  }
0x5e: {  	[tilespmem:v5+s2+$0x0] =	vst.idx.add.f32.msk vm1, v6  }
0x5f: {  	s29 =	sadd.s32 $0xFFFFFFF8, s26;
	[tilespmem:v5+s2+$0x0] =	vst.idx.add.f32.msk vm2, v6  }
0x60: {  	v6 =	vor.u32 s29, v1;
	v5 =	vld [tilespmem:s25+$0xFFFFFFF0];
	_ =	sdelay $0x4  }
0x61: {  	v5 =	vmul.f32 $1.442695020e+00, v5;
	v6 =	vld.idx.msk [tilespmem:v6+s17+$0x0], $0xffff;
	_ =	sdelay $0x1  }
0x62: {  	(erf) = vpow2.f32 v5;
	_ =	sdelay $0x3  }
0x63: {  	v5 =	vshll.u32 v6, $0x2  }
0x64: {  	v5 =	vor.u32 v2, v5;
	_ =	sdelay $0x3  }
0x65: {  	v6 =	vpop (erf)  }
0x66: {  	[tilespmem:v5+s2+$0x0] =	vst.idx.add.f32.msk $0xf, v6  }
0x67: {  	[tilespmem:v5+s2+$0x0] =	vst.idx.add.f32.msk vm0, v6  }
0x68: {  	[tilespmem:v5+s2+$0x0] =	vst.idx.add.f32.msk vm1, v6  }
0x69: {  	s29 =	sadd.s32 $0xFFFFFFFC, s26;
	[tilespmem:v5+s2+$0x0] =	vst.idx.add.f32.msk vm2, v6  }
0x6a: {  	v6 =	vor.u32 s29, v1;
	v5 =	vld [tilespmem:s25+$0x0];
	_ =	sdelay $0x4  }
0x6b: {  	v5 =	vmul.f32 $1.442695020e+00, v5;
	v6 =	vld.idx.msk [tilespmem:v6+s17+$0x0], $0xffff;
	_ =	sdelay $0x1  }
0x6c: {  	(erf) = vpow2.f32 v5;
	_ =	sdelay $0x3  }
0x6d: {  	v5 =	vshll.u32 v6, $0x2  }
0x6e: {  	v5 =	vor.u32 v2, v5;
	_ =	sdelay $0x3  }
0x6f: {  	v6 =	vpop (erf)  }
0x70: {  	v7 =	vor.u32 s26, v1;
	[tilespmem:v5+s2+$0x0] =	vst.idx.add.f32.msk $0xf, v6  }
0x71: {  	[tilespmem:v5+s2+$0x0] =	vst.idx.add.f32.msk vm0, v6  }
0x72: {  	[tilespmem:v5+s2+$0x0] =	vst.idx.add.f32.msk vm1, v6  }
0x73: {  	[tilespmem:v5+s2+$0x0] =	vst.idx.add.f32.msk vm2, v6  }
0x74: {  	v5 =	vld [tilespmem:s25+$0x10]  }
0x75: {  	v6 =	vld.idx.msk [tilespmem:v7+s17+$0x0], $0xffff;
	_ =	sdelay $0x3  }
0x76: {  	v5 =	vmul.f32 $1.442695020e+00, v5;
	_ =	sdelay $0x1  }
0x77: {  	v6 =	vshll.u32 v6, $0x2;
	(erf) = vpow2.f32 v5;
	_ =	sdelay $0x4  }
0x78: {  	v5 =	vor.u32 v2, v6;
	_ =	sdelay $0x2  }
.Ltmp1:
0x79: {  	(pc) =	sbr.rel @p0 .LBB2_5-.Ltmp1, $4  }
0x7a: {  	v6 =	vpop (erf)  }
0x7b: {  	[tilespmem:v5+s2+$0x0] =	vst.idx.add.f32.msk $0xf, v6  }
0x7c: {  	[tilespmem:v5+s2+$0x0] =	vst.idx.add.f32.msk vm0, v6  }
0x7d: {  	s26 =	sadd.s32 $0x10, s26;
	[tilespmem:v5+s2+$0x0] =	vst.idx.add.f32.msk vm1, v6  }
0x7e: {  	_ =	sdelay $0x4  }
0x7f: {  	[tilespmem:v5+s2+$0x0] =	vst.idx.add.f32.msk vm2, v6;
	s25 =	sadd.s32 $0x40, s25  }
0x80: {  	s28 =	sadd.s32 $0xFFFFFFF4, s26;
	v5 =	vld [tilespmem:s25+$0xFFFFFFE0]  }
0x81: {  	v6 =	vor.u32 s28, v1;
	_ =	sdelay $0x3  }
0x82: {  	v5 =	vmul.f32 $1.442695020e+00, v5  }
0x83: {  	v6 =	vld.idx.msk [tilespmem:v6+s17+$0x0], $0xffff  }
0x84: {  	(erf) = vpow2.f32 v5;
	_ =	sdelay $0x3  }
0x85: {  	v5 =	vshll.u32 v6, $0x2  }
0x86: {  	v5 =	vor.u32 v2, v5;
	_ =	sdelay $0x3  }
0x87: {  	v6 =	vpop (erf)  }
0x88: {  	[tilespmem:v5+s2+$0x0] =	vst.idx.add.f32.msk $0xf, v6  }
0x89: {  	[tilespmem:v5+s2+$0x0] =	vst.idx.add.f32.msk vm0, v6  }
0x8a: {  	[tilespmem:v5+s2+$0x0] =	vst.idx.add.f32.msk vm1, v6  }
0x8b: {  	[tilespmem:v5+s2+$0x0] =	vst.idx.add.f32.msk vm2, v6  }
0x8c: {  	s30 =	sadd.s32 $0xFFFFFFF8, s26;
	v5 =	vld [tilespmem:s25+$0xFFFFFFF0]  }
0x8d: {  	v6 =	vor.u32 s30, v1;
	_ =	sdelay $0x3  }
0x8e: {  	v5 =	vmul.f32 $1.442695020e+00, v5  }
0x8f: {  	v6 =	vld.idx.msk [tilespmem:v6+s17+$0x0], $0xffff  }
0x90: {  	(erf) = vpow2.f32 v5;
	_ =	sdelay $0x3  }
0x91: {  	v5 =	vshll.u32 v6, $0x2  }
0x92: {  	v5 =	vor.u32 v2, v5;
	_ =	sdelay $0x3  }
0x93: {  	v6 =	vpop (erf)  }
0x94: {  	[tilespmem:v5+s2+$0x0] =	vst.idx.add.f32.msk $0xf, v6  }
0x95: {  	[tilespmem:v5+s2+$0x0] =	vst.idx.add.f32.msk vm0, v6  }
0x96: {  	[tilespmem:v5+s2+$0x0] =	vst.idx.add.f32.msk vm1, v6  }
0x97: {  	[tilespmem:v5+s2+$0x0] =	vst.idx.add.f32.msk vm2, v6  }
0x98: {  	s31 =	sadd.s32 $0xFFFFFFFC, s26;
	v5 =	vld [tilespmem:s25+$0x0]  }
0x99: {  	v6 =	vor.u32 s31, v1;
	_ =	sdelay $0x3  }
0x9a: {  	v5 =	vmul.f32 $1.442695020e+00, v5  }
0x9b: {  	v6 =	vld.idx.msk [tilespmem:v6+s17+$0x0], $0xffff  }
0x9c: {  	(erf) = vpow2.f32 v5;
	_ =	sdelay $0x3  }
0x9d: {  	v5 =	vshll.u32 v6, $0x2  }
0x9e: {  	v5 =	vor.u32 v2, v5;
	_ =	sdelay $0x3  }
0x9f: {  	v6 =	vpop (erf)  }
0xa0: {  	[tilespmem:v5+s2+$0x0] =	vst.idx.add.f32.msk $0xf, v6  }
0xa1: {  	[tilespmem:v5+s2+$0x0] =	vst.idx.add.f32.msk vm0, v6  }
0xa2: {  	[tilespmem:v5+s2+$0x0] =	vst.idx.add.f32.msk vm1, v6  }
0xa3: {  	[tilespmem:v5+s2+$0x0] =	vst.idx.add.f32.msk vm2, v6  }
0xa4: {  	v5 =	vld [tilespmem:s25+$0x10]  }
0xa5: {  	v6 =	vor.u32 s26, v1;
	_ =	sdelay $0x3  }
0xa6: {  	v5 =	vmul.f32 $1.442695020e+00, v5  }
0xa7: {  	v6 =	vld.idx.msk [tilespmem:v6+s17+$0x0], $0xffff  }
0xa8: {  	(erf) = vpow2.f32 v5;
	_ =	sdelay $0x3  }
0xa9: {  	v5 =	vshll.u32 v6, $0x2  }
0xaa: {  	v5 =	vor.u32 v2, v5;
	_ =	sdelay $0x3  }
0xab: {  	v6 =	vpop (erf)  }
0xac: {  	[tilespmem:v5+s2+$0x0] =	vst.idx.add.f32.msk $0xf, v6  }
0xad: {  	[tilespmem:v5+s2+$0x0] =	vst.idx.add.f32.msk vm0, v6  }
0xae: {  	[tilespmem:v5+s2+$0x0] =	vst.idx.add.f32.msk vm1, v6  }
0xaf: {  	[tilespmem:v5+s2+$0x0] =	vst.idx.add.f32.msk vm2, v6  }
0xb0: {  	v5 =	vld [tilespmem:$0xAF80];
	_ =	sdelay $0x4  }
0xb1: {  	v5 =	vmul.f32 $1.442695020e+00, v5  }
0xb2: {  	v6 =	vld.idx.msk [tilespmem:v3+s17+$0x0], $0xffff  }
0xb3: {  	(erf) = vpow2.f32 v5;
	_ =	sdelay $0x3  }
0xb4: {  	v5 =	vshll.u32 v6, $0x2  }
0xb5: {  	v5 =	vor.u32 v2, v5;
	_ =	sdelay $0x3  }
0xb6: {  	v6 =	vpop (erf)  }
0xb7: {  	[tilespmem:v5+s2+$0x0] =	vst.idx.add.f32.msk $0xf, v6  }
0xb8: {  	[tilespmem:v5+s2+$0x0] =	vst.idx.add.f32.msk vm0, v6  }
0xb9: {  	[tilespmem:v5+s2+$0x0] =	vst.idx.add.f32.msk vm1, v6  }
0xba: {  	[tilespmem:v5+s2+$0x0] =	vst.idx.add.f32.msk vm2, v6  }
0xbb: {  	v5 =	vld [tilespmem:$0xAF90];
	_ =	sdelay $0x4  }
0xbc: {  	v5 =	vmul.f32 $1.442695020e+00, v5  }
0xbd: {  	v6 =	vld.idx.msk [tilespmem:v4+s17+$0x0], $0xffff  }
0xbe: {  	(erf) = vpow2.f32 v5;
	_ =	sdelay $0x3  }
0xbf: {  	v5 =	vshll.u32 v6, $0x2  }
0xc0: {  	v5 =	vor.u32 v2, v5;
	_ =	sdelay $0x1  }
0xc1: {  	s24 =	sadd.s32 $0x1, s24  }
0xc2: {  	p0 =	sne.s32 s24, $0x14  }
.Ltmp2:
0xc3: {  	v6 =	vpop (erf);
	(pc) =	sbr.rel @p0 .LBB2_4-.Ltmp2, $4  }
0xc4: {  	[tilespmem:v5+s2+$0x0] =	vst.idx.add.f32.msk $0xf, v6  }
0xc5: {  	[tilespmem:v5+s2+$0x0] =	vst.idx.add.f32.msk vm0, v6  }
0xc6: {  	[tilespmem:v5+s2+$0x0] =	vst.idx.add.f32.msk vm1, v6  }
0xc7: {  	[tilespmem:v5+s2+$0x0] =	vst.idx.add.f32.msk vm2, v6  }
0xc8: {  	s24 =	simm.s32 $0x0  }
0xc9: {  	[hbm4b:s8+s18] =	stream.strided.scatter [tilespmem:s24], [sflag:$0x1], $0xA000, s19, s18, $0x38;
	[tilespmem:$0xC800] =	vst v63  }
0xca: {  	_ =	swait.ge [sflag:s16], $0xA000  }
0xcb: {  	[sflag:s16] =	ssyncset.done $0x0  }
0xcc: {  	[sflag:s16] =	ssyncadd.s32 $0xFFFF6000  }
0xcd: {  	[bflag:$0x0] =	sbarrier.arrive $0xFFFF  }
0xce: {  	[tilespmem:s20], [sflag:$0x1] =	stream.strided.gather [hbm4b:s10+s18], $0xA00, s19, s18, $0x38;
	[tilespmem:$0xC800] =	vst v63  }
0xcf: {  	_ =	swait.ge [sflag:s16], $0xA00  }
0xd0: {  	[sflag:s16] =	ssyncset.done $0x0  }
0xd1: {  	[sflag:s16] =	ssyncadd.s32 $0xFFFFF600  }
.LBB2_9:
0xd2: {  	s24 =	sadd.s32 $0x1, s24  }
0xd3: {  	s25 =	sshrl.u32 s24, $0x3  }
0xd4: {  	s25 =	smul.u32 $0x50000, s25  }
0xd5: {  	s26 =	sshll.u32 s24, $0x7  }
0xd6: {  	s26 =	sand.u32 $0x380, s26;
	s25 =	sadd.s32 s25, s9  }
0xd7: {  	s25 =	sor.u32 s26, s25  }
0xd8: {  	s25 =	sshrl.u32 s25, $0x3  }
0xd9: {  	s25 =	sadd.s32 s5, s25  }
0xda: {  	[tilespmem:s21], [sflag:$0x1] =	stream.strided.gather [hbm4b:s25+s18], $0xA00, s19, s18, $0x38;
	[tilespmem:$0xC800] =	vst v63  }
0xdb: {  	_ =	swait.ge [sflag:s16], $0xA00  }
0xdc: {  	[sflag:s16] =	ssyncset.done $0x0  }
0xdd: {  	s25 =	simm.s32 $0x0;
	[sflag:s16] =	ssyncadd.s32 $0xFFFFF600  }
0xde: {  	s26 =	simm.s32 $0x40;
	v5 =	vld [tilespmem:s25+$0xBE00]  }
.LBB2_10:
0xdf: {  	p0 =	seq.s32 s26, $0x27C0;
	v6 =	vld [tilespmem:s25+$0xB400];
	_ =	sdelay $0x2  }
.Ltmp3:
0xe0: {  	(pc) =	sbr.rel @!p0 .LBB2_10-.Ltmp3, $4  }
0xe1: {  	_ = 	snop  }
0xe2: {  	v6 =	vadd.f32 v5, v6  }
0xe3: {  	s28 =	sshra.s32 s26, $0x2  }
0xe4: {  	s26 =	sadd.s32 $0x40, s26;
	v5 =	vld [tilespmem:s28+$0xBE00];
	[tilespmem:s25+$0xB400] =	vst v6;
	s25 =	smov.u32 s28  }
0xe5: {  	v6 =	vld [tilespmem:s25+$0xB400];
	_ =	sdelay $0x4  }
0xe6: {  	v5 =	vadd.f32 v5, v6;
	_ =	sdelay $0x1  }
0xe7: {  	[tilespmem:s25+$0xB400] =	vst v5  }
0xe8: {  	p0 =	seq.s32 s24, $0xF  }
.Ltmp4:
0xe9: {  	_ = 	snop;
	(pc) =	sbr.rel @!p0 .LBB2_9-.Ltmp4, $1  }
0xea: {  	_ =	sdelay $0x3  }
0xeb: {  	[hbm4b:s11+s18] =	stream.strided.scatter [tilespmem:s20], [sflag:$0x1], $0xA00, s22, s18, $0x38;
	[tilespmem:$0xC800] =	vst v63  }
0xec: {  	_ =	swait.ge [sflag:s16], $0xA00  }
0xed: {  	[sflag:s16] =	ssyncset.done $0x0  }
0xee: {  	[sflag:s16] =	ssyncadd.s32 $0xFFFFF600  }
0xef: {  	s24 =	simm.s32 $0x0;
	[bflag:$0x0] =	sbarrier.arrive $0xFFFF  }
0xf0: {  	[tilespmem:s24], [sflag:$0x1] =	stream.strided.gather [hbm4b:s12+s18], $0xA000, s22, s18, $0x38;
	[tilespmem:$0xC800] =	vst v63  }
0xf1: {  	_ =	swait.ge [sflag:s16], $0xA000  }
0xf2: {  	[sflag:s16] =	ssyncset.done $0x0  }
0xf3: {  	s25 =	simm.s32 $0x0;
	[sflag:s16] =	ssyncadd.s32 $0xFFFF6000  }
.LBB2_13:
0xf4: {  	s26 =	smul.u32 $0x3E8, s25;
	_ =	sdelay $0x1  }
0xf5: {  	s28 =	sadd.s32 s13, s26  }
0xf6: {  	s26 =	sshrl.u32 s28, $0x1  }
0xf7: {  	s29 =	sadd.s32 s1, s26  }
0xf8: {  	[tilespmem:s15], [sflag:$0x1] =	stream.linear.gather [hbm4b:s29+s24], $0xFA0, $0x38;
	[tilespmem:$0xC800] =	vst v63  }
0xf9: {  	_ =	swait.ge [sflag:s16], $0xFA0  }
0xfa: {  	s28 =	sshrl.u32 s28, $0x3;
	[sflag:s16] =	ssyncset.done $0x0  }
0xfb: {  	s28 =	sadd.s32 s4, s28;
	[sflag:s16] =	ssyncadd.s32 $0xFFFFF060  }
0xfc: {  	[tilespmem:s17], [sflag:$0x1] =	stream.linear.gather [hbm4b:s28+s24], $0x3E8, $0x38;
	[tilespmem:$0xC800] =	vst v63  }
0xfd: {  	_ =	swait.ge [sflag:s16], $0x3E8  }
0xfe: {  	s30 =	simm.s32 $0x0;
	[sflag:s16] =	ssyncset.done $0x0  }
0xff: {  	s29 =	simm.s32 $0xA020;
	s28 =	simm.s32 $0xFFFFFFFC;
	[sflag:s16] =	ssyncadd.s32 $0xFFFFFC18  }
.LBB2_14:
0x100: {  	v5 =	vor.u32 s30, v1;
	_ =	sdelay $0x4  }
0x101: {  	v5 =	vld.idx.msk [tilespmem:v5+s17+$0x0], $0xffff;
	_ =	sdelay $0x4  }
0x102: {  	v5 =	vshll.u32 v5, $0x2  }
0x103: {  	v5 =	vor.u32 v2, v5;
	_ =	sdelay $0x3  }
0x104: {  	v6 =	vld [tilespmem:s29+$0xFFFFFFE0]  }
0x105: {  	v5 =	vld.idx.msk [tilespmem:v5+s2+$0x0], $0xffff;
	_ =	sdelay $0x3  }
0x106: {  	v6 =	vmul.f32 $1.442695020e+00, v6  }
0x107: {  	v5 =	vadd.f32 $1.000000020e-16, v5  }
0x108: {  	(erf) = vpow2.f32 v6  }
0x109: {  	(erf) = vrcp.f32 v5;
	_ =	sdelay $0x6  }
0x10a: {  	s31 =	sadd.s32 $0x4, s30  }
0x10b: {  	v6 =	vor.u32 s31, v1;
	v5 =	vpop (erf)  }
0x10c: {  	v7 =	vpop (erf)  }
0x10d: {  	v5 =	vmul.f32 v5, v7;
	_ =	sdelay $0x1  }
0x10e: {  	[tilespmem:s29+$0xFFFFFFE0] =	vst v5  }
0x10f: {  	v5 =	vld.idx.msk [tilespmem:v6+s17+$0x0], $0xffff;
	_ =	sdelay $0x4  }
0x110: {  	v5 =	vshll.u32 v5, $0x2  }
0x111: {  	v5 =	vor.u32 v2, v5;
	_ =	sdelay $0x3  }
0x112: {  	v6 =	vld [tilespmem:s29+$0xFFFFFFF0]  }
0x113: {  	v5 =	vld.idx.msk [tilespmem:v5+s2+$0x0], $0xffff;
	_ =	sdelay $0x3  }
0x114: {  	v6 =	vmul.f32 $1.442695020e+00, v6  }
0x115: {  	v5 =	vadd.f32 $1.000000020e-16, v5  }
0x116: {  	(erf) = vpow2.f32 v6  }
0x117: {  	(erf) = vrcp.f32 v5;
	_ =	sdelay $0x6  }
0x118: {  	s31 =	sadd.s32 $0x8, s30  }
0x119: {  	v6 =	vor.u32 s31, v1;
	v5 =	vpop (erf)  }
0x11a: {  	v7 =	vpop (erf)  }
0x11b: {  	v5 =	vmul.f32 v5, v7;
	_ =	sdelay $0x1  }
0x11c: {  	[tilespmem:s29+$0xFFFFFFF0] =	vst v5  }
0x11d: {  	v5 =	vld.idx.msk [tilespmem:v6+s17+$0x0], $0xffff;
	_ =	sdelay $0x4  }
0x11e: {  	v5 =	vshll.u32 v5, $0x2  }
0x11f: {  	v5 =	vor.u32 v2, v5;
	_ =	sdelay $0x3  }
0x120: {  	v6 =	vld [tilespmem:s29+$0x0]  }
0x121: {  	v5 =	vld.idx.msk [tilespmem:v5+s2+$0x0], $0xffff;
	_ =	sdelay $0x3  }
0x122: {  	v6 =	vmul.f32 $1.442695020e+00, v6  }
0x123: {  	v5 =	vadd.f32 $1.000000020e-16, v5  }
0x124: {  	(erf) = vpow2.f32 v6  }
0x125: {  	(erf) = vrcp.f32 v5;
	_ =	sdelay $0x6  }
0x126: {  	s31 =	sadd.s32 $0xC, s30  }
0x127: {  	v6 =	vor.u32 s31, v1;
	v5 =	vpop (erf)  }
0x128: {  	v7 =	vpop (erf)  }
0x129: {  	v5 =	vmul.f32 v5, v7;
	_ =	sdelay $0x1  }
0x12a: {  	[tilespmem:s29+$0x0] =	vst v5  }
0x12b: {  	v5 =	vld.idx.msk [tilespmem:v6+s17+$0x0], $0xffff;
	_ =	sdelay $0x4  }
0x12c: {  	v5 =	vshll.u32 v5, $0x2  }
0x12d: {  	v5 =	vor.u32 v2, v5;
	_ =	sdelay $0x3  }
0x12e: {  	v6 =	vld [tilespmem:s29+$0x10]  }
0x12f: {  	v5 =	vld.idx.msk [tilespmem:v5+s2+$0x0], $0xffff;
	_ =	sdelay $0x3  }
0x130: {  	v6 =	vmul.f32 $1.442695020e+00, v6  }
0x131: {  	v5 =	vadd.f32 $1.000000020e-16, v5  }
0x132: {  	(erf) = vpow2.f32 v6  }
0x133: {  	(erf) = vrcp.f32 v5;
	_ =	sdelay $0x5  }
0x134: {  	s28 =	sadd.s32 $0x4, s28  }
0x135: {  	p0 =	slt.u32 s28, $0xF4  }
.Ltmp5:
0x136: {  	v5 =	vpop (erf);
	(pc) =	sbr.rel @p0 .LBB2_14-.Ltmp5, $3  }
0x137: {  	v6 =	vpop (erf)  }
0x138: {  	v5 =	vmul.f32 v5, v6;
	_ =	sdelay $0x1  }
0x139: {  	s30 =	sadd.s32 $0x10, s30;
	[tilespmem:s29+$0x10] =	vst v5;
	s29 =	sadd.s32 $0x40, s29  }
0x13a: {  	_ =	sdelay $0x3  }
0x13b: {  	v5 =	vld.idx.msk [tilespmem:v3+s17+$0x0], $0xffff;
	_ =	sdelay $0x4  }
0x13c: {  	v5 =	vshll.u32 v5, $0x2  }
0x13d: {  	v5 =	vor.u32 v2, v5;
	_ =	sdelay $0x3  }
0x13e: {  	v6 =	vld [tilespmem:$0xAF80]  }
0x13f: {  	v5 =	vld.idx.msk [tilespmem:v5+s2+$0x0], $0xffff;
	_ =	sdelay $0x3  }
0x140: {  	v6 =	vmul.f32 $1.442695020e+00, v6  }
0x141: {  	v5 =	vadd.f32 $1.000000020e-16, v5  }
0x142: {  	(erf) = vpow2.f32 v6  }
0x143: {  	(erf) = vrcp.f32 v5;
	_ =	sdelay $0x7  }
0x144: {  	v5 =	vpop (erf)  }
0x145: {  	v6 =	vpop (erf)  }
0x146: {  	v5 =	vmul.f32 v5, v6;
	_ =	sdelay $0x1  }
0x147: {  	[tilespmem:$0xAF80] =	vst v5  }
0x148: {  	v5 =	vld.idx.msk [tilespmem:v4+s17+$0x0], $0xffff;
	_ =	sdelay $0x4  }
0x149: {  	v5 =	vshll.u32 v5, $0x2  }
0x14a: {  	v5 =	vor.u32 v2, v5;
	_ =	sdelay $0x3  }
0x14b: {  	v6 =	vld [tilespmem:$0xAF90]  }
0x14c: {  	v5 =	vld.idx.msk [tilespmem:v5+s2+$0x0], $0xffff;
	_ =	sdelay $0x3  }
0x14d: {  	v6 =	vmul.f32 $1.442695020e+00, v6  }
0x14e: {  	v5 =	vadd.f32 $1.000000020e-16, v5  }
0x14f: {  	(erf) = vpow2.f32 v6  }
0x150: {  	(erf) = vrcp.f32 v5;
	_ =	sdelay $0x7  }
0x151: {  	v5 =	vpop (erf)  }
0x152: {  	v6 =	vpop (erf)  }
0x153: {  	s25 =	sadd.s32 $0x1, s25;
	v5 =	vmul.f32 v5, v6  }
0x154: {  	p0 =	sne.s32 s25, $0xA  }
.Ltmp6:
0x155: {  	s26 =	sadd.s32 s6, s26;
	[tilespmem:$0xAF90] =	vst v5;
	(pc) =	sbr.rel @p0 .LBB2_13-.Ltmp6, $4  }
0x156: {  	[hbm4b:s26+s2] =	stream.linear.scatter [tilespmem:s15], [sflag:$0x1], $0xFA0, $0x38;
	[tilespmem:$0xC800] =	vst v63  }
0x157: {  	_ =	swait.ge [sflag:s16], $0xFA0  }
0x158: {  	[sflag:s16] =	ssyncset.done $0x0  }
0x159: {  	[sflag:s16] =	ssyncadd.s32 $0xFFFFF060  }
0x15a: {  	s23 =	sadd.s32 $0x1, s23  }
0x15b: {  	p0 =	sne.s32 s23, s14  }
.Ltmp7:
0x15c: {  	_ = 	snop;
	(pc) =	sbr.rel @p0 .LBB2_1-.Ltmp7, $1  }
0x15d: {  	_ =	sdelay $0x3  }
0x15e: {  	_ =	sfence.sel $0x180000  }
0x15f: {  	[bflag:$0x0] =	sbarrier.arrive $0xFFFF  }
0x160: {  	p0 =	sne.s32 s3, $0x0;
	_ =	strace $0x90000047  }
0x161: {  	s0 =	sadd.s32 @!p0 $0x100000, s0;
	[bflag:$0x2] =	sbarrier.arrive $0xFFFF  }
0x162: {  	[sflag:s0] =	ssyncadd.tile.s32 @!p0 $0x1;
	_ =	shalt  }
.Lfunc_end2:
_tile_overlayer_lowered:
.L_overlay_start_2:
0x163: {  	(tag) =	ssettag $0x2  }
0x164: {  	s0 =	rddreg [dreg:$0x0];
	s2 =	stileid.u32  }
0x165: {  	s1 =	rddreg [dreg:$0x1];
	p0 =	sne.s32 s2, $0x0  }
0x166: {  	s3 =	rddreg [dreg:$0x2];
	[bflag:$0x3] =	sbarrier.arrive $0xFFFF;
	s2 =	simm.s32 @!p0 $0x1C01  }
0x167: {  	[timem:s3], [sflag:s2] =	dma.local @!p0 [hbm:s0], s1  }
0x168: {  	s0 =	simm.s32 @!p0 $0x1  }
0x169: {  	_ =	swait.ge @!p0 [sflag:s0], s1  }
0x16a: {  	s1 =	ssub.s32 @!p0 $0x0, s1;
	[sflag:s0] =	ssyncset.done @!p0 $0x0  }
0x16b: {  	[sflag:s0] =	ssyncadd.s32 @!p0 s1  }
0x16c: {  	[bflag:$0x3] =	sbarrier.arrive $0xFFFF  }
0x16d: {  	_ =	shalt  }

// kernel: kernel.8.cloned.1.call-start
scs
__scs_entry_jumppad:
0x0: {  	(pc) =	sbr.rel $0x88, $3  }
0x1: {  	(tag) =	ssettag $0x0;
	lr =	simm.s32 $0x1  }
0x2: {  	[smem:$0x3F9E] =	sst lr;
	_ =	strace $0xD0000000  }
0x3: {  	_ = 	snop  }
0x4: {  	_ = 	snop  }
0x5: {  	_ = 	snop  }
0x6: {  	_ = 	snop  }
0x7: {  	_ = 	snop  }
__scs_overlays_trampoline_lowered:
0x8: {  	[smem:$0x3FAD] =	sst s0  }
0x9: {  	[smem:$0x3FAE] =	sst s1  }
0xa: {  	[smem:$0x3FAF] =	sst s2  }
0xb: {  	[smem:$0x3FB0] =	sst s3  }
0xc: {  	[smem:$0x3FB1] =	sst s4  }
0xd: {  	[smem:$0x3FB2] =	sst s5  }
0xe: {  	[smem:$0x3FB3] =	sst s6  }
0xf: {  	[smem:$0x3FB4] =	sst s7  }
0x10: {  	[smem:$0x3FB5] =	sst s8  }
0x11: {  	[smem:$0x3FB6] =	sst s9;
	s0 =	simm.s32 @!p0 $0x0  }
0x12: {  	s1 =	sld [smem:$0x3F9C];
	s0 =	simm.s32 @p0 $0x1  }
0x13: {  	[smem:$0x3FB7] =	sst s0;
	s0 =	simm.s32 @!p1 $0x0  }
0x14: {  	s2 =	sld [smem:$0x3F9B];
	s0 =	simm.s32 @p1 $0x1  }
0x15: {  	[smem:$0x3FB8] =	sst s0;
	s0 =	simm.s32 @!p2 $0x0  }
0x16: {  	s3 =	sld [smem:$0x3FDB];
	s0 =	simm.s32 @p2 $0x1  }
0x17: {  	s4 =	simm.s32 $0x1BF5;
	[smem:$0x3FBA] =	sst s0  }
0x18: {  	s0 =	sld [smem:$0x3F9D];
	_ =	swait.ge [sflag:s4], $0x0  }
0x19: {  	s7 =	sld [smem:$0x3F9E]  }
0x1a: {  	s8 =	sadd.s32 $0xFFFFE003, lr  }
0x1b: {  	s9 =	sadd.s32 $0xFFFFFEF7, lr;
	s5 =	simm.s32 $0xFFFFFFFF;
	p2 =	slt.u32 s8, $0xFFFFF086  }
0x1c: {  	p1 =	slt.u32 s9, $0xF7A;
	s5 =	simm.s32 @!p2 $0x0  }
0x1d: {  	s5 =	simm.s32 @p1 $0x1;
	p0 =	seq.s32 s7, s2  }
0x1e: {  	s7 =	smul.u32 @!p0 $0xF7A, s2;
	p2 =	seq.s32 @!p0 s5, $0x0  }
0x1f: {  	s9 =	smul.u32 $0xF7A, s1;
	s8 =	simm.s32 @!p0 $0x1BF5;
	p2 =	por !p2, p0  }
0x20: {  	[sflag:s8] =	ssyncset.s32 @!p0 $0xFFFFF086;
	s6 =	sadd.s32 @!p0 s3, s7;
	s7 =	simm.s32 @!p0 $0x108  }
0x21: {  	s3 =	sadd.s32 s3, s9;
	s6 =	sadd.s32 @!p0 $0x88, s6;
	s7 =	simm.s32 @p2 $0x1082  }
0x22: {  	[simem:s7], [sflag:s8] =	dma.local @!p0 [hbm:s6], $0xF7A  }
0x23: {  	s9 =	sor.u32 $0xD0000000, s2;
	s6 =	simm.s32 $0x108;
	_ =	swait.ge @!p0 [sflag:s8], $0x0  }
0x24: {  	s3 =	sadd.s32 $0x88, s3;
	s6 =	simm.s32 @!p1 $0x1082;
	[sflag:s4] =	ssyncset.s32 $0xFFFFF086  }
0x25: {  	[simem:s6], [sflag:s4] =	dma.local [hbm:s3], $0xF7A  }
0x26: {  	[smem:$0x3F9E] =	sst s1;
	(tag) =	ssettag s2;
	_ =	strace s9  }
0x27: {  	s1 =	sld [smem:$0x3FAE]  }
0x28: {  	s2 =	sld [smem:$0x3FAF]  }
0x29: {  	s4 =	sld [smem:$0x3FB1]  }
0x2a: {  	p0 =	seq.s32 s5, $0x0;
	s5 =	sld [smem:$0x3FB2]  }
0x2b: {  	s6 =	sld [smem:$0x3FB3]  }
0x2c: {  	s7 =	sld [smem:$0x3FB4]  }
0x2d: {  	s3 =	simm.s32 $0x108;
	s8 =	sld [smem:$0x3FB5]  }
0x2e: {  	s3 =	simm.s32 @!p0 $0x1082;
	s9 =	sld [smem:$0x3FB6]  }
0x2f: {  	lr =	sadd.s32 s0, s3;
	s0 =	sld [smem:$0x3FAD]  }
0x30: {  	s3 =	sld [smem:$0x3FB0]  }
0x31: {  	[smem:$0x3FB9] =	sst s10  }
0x32: {  	s10 =	sld [smem:$0x3FB7];
	_ =	sdelay $0x3  }
0x33: {  	p0 =	seq.s32 s10, $0x1;
	s10 =	sld [smem:$0x3FB9];
	_ =	sdelay $0x3  }
0x34: {  	[smem:$0x3FB9] =	sst s10  }
0x35: {  	s10 =	sld [smem:$0x3FB8];
	_ =	sdelay $0x3  }
0x36: {  	p1 =	seq.s32 s10, $0x1;
	s10 =	sld [smem:$0x3FB9];
	_ =	sdelay $0x3  }
0x37: {  	[smem:$0x3FB9] =	sst s10  }
0x38: {  	s10 =	sld [smem:$0x3FBA]  }
0x39: {  	_ = 	snop;
	(pc) =	sbr.ind lr, $3  }
0x3a: {  	_ = 	snop  }
0x3b: {  	_ = 	snop  }
0x3c: {  	p2 =	seq.s32 s10, $0x1;
	s10 =	sld [smem:$0x3FB9]  }
0x3d: {  	_ =	shalt  }
0x3e: {  	_ =	shalt  }
0x3f: {  	_ =	shalt  }
0x40: {  	_ =	shalt  }
0x41: {  	_ =	shalt  }
0x42: {  	_ =	shalt  }
0x43: {  	_ =	shalt  }
0x44: {  	_ =	shalt  }
0x45: {  	_ =	shalt  }
0x46: {  	_ =	shalt  }
0x47: {  	_ =	shalt  }
0x48: {  	_ =	shalt  }
0x49: {  	_ =	shalt  }
0x4a: {  	_ =	shalt  }
0x4b: {  	_ =	shalt  }
0x4c: {  	_ =	shalt  }
0x4d: {  	_ =	shalt  }
0x4e: {  	_ =	shalt  }
0x4f: {  	_ =	shalt  }
0x50: {  	_ =	shalt  }
0x51: {  	_ =	shalt  }
0x52: {  	_ =	shalt  }
0x53: {  	_ =	shalt  }
0x54: {  	_ =	shalt  }
0x55: {  	_ =	shalt  }
0x56: {  	_ =	shalt  }
0x57: {  	_ =	shalt  }
0x58: {  	_ =	shalt  }
0x59: {  	_ =	shalt  }
0x5a: {  	_ =	shalt  }
0x5b: {  	_ =	shalt  }
0x5c: {  	_ =	shalt  }
0x5d: {  	_ =	shalt  }
0x5e: {  	_ =	shalt  }
0x5f: {  	_ =	shalt  }
0x60: {  	_ =	shalt  }
0x61: {  	_ =	shalt  }
0x62: {  	_ =	shalt  }
0x63: {  	_ =	shalt  }
0x64: {  	_ =	shalt  }
0x65: {  	_ =	shalt  }
0x66: {  	_ =	shalt  }
0x67: {  	_ =	shalt  }
0x68: {  	_ =	shalt  }
0x69: {  	_ =	shalt  }
0x6a: {  	_ =	shalt  }
0x6b: {  	_ =	shalt  }
0x6c: {  	_ =	shalt  }
0x6d: {  	_ =	shalt  }
0x6e: {  	_ =	shalt  }
0x6f: {  	_ =	shalt  }
0x70: {  	_ =	shalt  }
0x71: {  	_ =	shalt  }
0x72: {  	_ =	shalt  }
0x73: {  	_ =	shalt  }
0x74: {  	_ =	shalt  }
0x75: {  	_ =	shalt  }
0x76: {  	_ =	shalt  }
0x77: {  	_ =	shalt  }
0x78: {  	_ =	shalt  }
0x79: {  	_ =	shalt  }
0x7a: {  	_ =	shalt  }
0x7b: {  	_ =	shalt  }
0x7c: {  	_ =	shalt  }
0x7d: {  	_ =	shalt  }
0x7e: {  	_ =	shalt  }
0x7f: {  	_ =	shalt  }
0x80: {  	_ =	shalt  }
0x81: {  	_ =	shalt  }
0x82: {  	_ =	shalt  }
0x83: {  	_ =	shalt  }
0x84: {  	_ =	shalt  }
0x85: {  	_ =	shalt  }
0x86: {  	_ =	shalt  }
0x87: {  	_ =	shalt  }
.Lfunc_end0:
.L_simem_size_0:
called_computation.1_lowered:
.L_overlay_start_0:
0x88: {  	s2 =	sld [smem:$0x3FD9]  }
0x89: {  	s3 =	sld [smem:$0x3FFE];
	_ =	sdelay $0x1  }
0x8a: {  	s1 =	srdreg.scid  }
0x8b: {  	s0 =	sand.u32 $0x1, s1  }
0x8c: {  	s17 =	sshll.u32 s0, $0xA;
	s2 =	sadd.s32 s3, s2  }
0x8d: {  	s2 =	sadd.s32 s2, s17  }
0x8e: {  	[smem:$0x3FC5] =	sst s2  }
0x8f: {  	_ = 	snop  }
0x90: {  	s2 =	sld [smem:$0x3FD0];
	(tm) =	ssettm $0x1  }
0x91: {  	s18 =	sld [smem:$0x3FFB];
	_ =	sdelay $0x3  }
0x92: {  	_ =	strace s18  }
0x93: {  	s3 =	sld [smem:$0x3FFC];
	_ =	sdelay $0x3  }
0x94: {  	_ =	strace s3  }
0x95: {  	s3 =	sld [smem:$0x3FFD];
	_ =	sdelay $0x3  }
0x96: {  	_ =	strace s3  }
0x97: {  	_ =	strace $0x8FFFFFFF  }
0x98: {  	s19 =	sld [smem:$0x3FDB];
	_ =	sdelay $0x1  }
0x99: {  	s4 =	simm.s32 $_scs_section_size  }
0x9a: {  	s5 =	simm.s32 $_size__tile_overlayer_lowered;
	s6 =	simm.s32 $_tile_overlayer_lowered  }
0x9b: {  	s22 =	simm.s32 $0x1BFF;
	s21 =	sshll.u32 s6, $0x1;
	s3 =	sadd.s32 s4, s19  }
0x9c: {  	s7 =	simm.s32 $0x0;
	s20 =	sshll.u32 s5, $0x1;
	s5 =	sadd.s32 s21, s3  }
0x9d: {  	[timem:s7], [sflag:s22] =	dma.local [hbm:s5], s20  }
0x9e: {  	_ =	swait.ge [sflag:s22], s20  }
0x9f: {  	s4 =	ssub.s32 $0x0, s20;
	[sflag:s22] =	ssyncset.done $0x0  }
0xa0: {  	[sflag:s22] =	ssyncadd.s32 s4;
	_ =	sdelay $0x1  }
0xa1: {  	s23 =	simm.s32 $0x1B8B  }
0xa2: {  	_ =	swait.ge [sflag:s23], $0x1  }
0xa3: {  	[sflag:s23] =	ssyncset.done $0x0  }
0xa4: {  	s25 =	simm.s32 $0x1B8E;
	s24 =	sld [smem:$0x3FFE];
	[sflag:s23] =	ssyncadd.s32 $0xFFFFFFFF  }
0xa5: {  	s26 =	simm.s32 $execute0_lowered;
	[smem:$0x3FD2] =	sst s25  }
0xa6: {  	s5 =	sshll.u32 s26, $0x1;
	_ =	strace $0x80000049;
	[dreg:$0x1] =	wrdreg $0xFFFFFFFF  }
0xa7: {  	s28 =	simm.s32 $_size_execute0_lowered;
	s3 =	sadd.s32 s3, s5;
	[dreg:$0x0] =	wrdreg $0x0  }
0xa8: {  	s5 =	sshll.u32 s28, $0x1;
	[dreg:$0x2] =	wrdreg s3  }
0xa9: {  	[dreg:$0x3] =	wrdreg s5  }
0xaa: {  	[dreg:$0x4] =	wrdreg $0xC0  }
0xab: {  	_ =	task [dreg:s7], $0x5FFFF  }
0xac: {  	[dreg:$0x1] =	wrdreg $0xFFFFFFFF  }
0xad: {  	[dreg:$0x0] =	wrdreg $0x60  }
0xae: {  	[dreg:$0x2] =	wrdreg s24  }
0xaf: {  	[dreg:$0x3] =	wrdreg s2  }
0xb0: {  	[dreg:$0x4] =	wrdreg $0x0  }
0xb1: {  	[dreg:$0x5] =	wrdreg $0x9  }
0xb2: {  	_ =	task.clear_ibuf [dreg:s7], $0x6FFFF;
	_ =	strace $0x90000049  }
0xb3: {  	s29 =	simm.s32 $0x9;
	_ =	strace $0x8000004B  }
0xb4: {  	_ =	swait.ge [sflag:s29], $0x1  }
0xb5: {  	[sflag:s29] =	ssyncadd.s32 $0xFFFFFFFF  }
0xb6: {  	_ =	strace $0x9000004B  }
0xb7: {  	_ =	sfence  }
0xb8: {  	s30 =	sld [smem:$0x0];
	_ =	sdelay $0x2  }
0xb9: {  	s31 =	sshll.u32 s1, $0xD;
	s1 =	sshrl.u32 s1, $0x2  }
0xba: {  	s3 =	sand.u32 $0x4000, s31;
	s1 =	sadd.s32 s1, s30  }
0xbb: {  	s0 =	sor.u32 s3, s0;
	s1 =	sshll.u32 s1, $0x11  }
0xbc: {  	s0 =	sor.u32 s1, s0  }
0xbd: {  	s0 =	sadd.s32 $0x8F2B, s0  }
0xbe: {  	[sflag:s0] =	ssyncadd.remote.s32 $0x1  }
0xbf: {  	_ =	sfence.sel $0xFFFF  }
0xc0: {  	[dreg:$0x0] =	wrdreg $0xFFFFFFFF;
	(pc) =	sbr.abs _section_cstart, $3  }
0xc1: {  	[dreg:$0x1] =	wrdreg $0xFFFFFFFF  }
0xc2: {  	_ =	task.clear_ibuf [dreg:s7], $0x2FFFF;
	_ =	strace $0x9FFFFFFF  }
0xc3: {  	(tm) =	ssettm $0x7FFFFFFF  }
tec
execute0_lowered:
.L_overlay_start_1:
0x0: {  	(tag) =	ssettag $0x1  }
0x1: {  	s0 =	rddreg [dreg:$0x0]  }
0x2: {  	s2 =	rddreg [dreg:$0x2];
	s1 =	srdreg.scid;
	s4 =	simm.s32 $0x0  }
0x3: {  	s10 =	stileid.u32;
	s17 =	simm.s32 $0x3;
	s18 =	simm.s32 $0x14000  }
0x4: {  	s19 =	simm.s32 $0x19000;
	s20 =	simm.s32 $0x19300;
	s21 =	simm.s32 $0x16800  }
0x5: {  	s22 =	simm.s32 $0x19180;
	s23 =	simm.s32 $0x19380;
	s24 =	simm.s32 $0x1  }
0x6: {  	s25 =	simm.s32 $0x50;
	s26 =	simm.s32 $0x2;
	s28 =	simm.s32 $0x0  }
0x7: {  	s1 =	sand.u32 $0x1, s1;
	[smem:$0x7FF] =	sst s4;
	s7 =	smul.u32 $0x14000, s10  }
0x8: {  	s5 =	sadd.s32 $0x65E00, s0;
	s6 =	sadd.s32 $0x3EC00, s0;
	s9 =	smul.u32 $0x50000, s10  }
0x9: {  	s3 =	smul.u32 $0x140000, s1;
	s8 =	sshll.u32 s1, $0x4;
	s1 =	ssub.s32 $0x2, s1  }
0xa: {  	_ =	strace $0x8000004A;
	s8 =	sor.u32 s10, s8;
	s29 =	sshrl.u32 s1, $0x1  }
0xb: {  	s30 =	sshrl.u32 s9, $0x2;
	s10 =	sshll.u32 s10, $0x6;
	s13 =	smul.u32 $0x2710, s8  }
0xc: {  	v0 =	vimm.s32 $0x0;
	s3 =	sadd.s32 s7, s3;
	s7 =	sadd.s32 $0xA600, s0;
	s31 =	smul.u32 $0x27100, s8  }
0xd: {  	v1 =	vimm.s32 $0x1;
	v2 =	vimm.s32 $0x2;
	v3 =	vimm.s32 $0x3;
	s1 =	ssub.s32 s1, s29;
	s11 =	smul.u32 $0x1388, s8;
	s3 =	sshrl.u32 s3, $0x3  }
0xe: {  	v4 =	vimm.s32 $0x4;
	v5 =	vimm.s32 $0x5;
	v6 =	vimm.s32 $0x6;
	s8 =	sor.u32 $0x1C03, s10;
	s15 =	smax.u32 s1, $0x1;
	s0 =	sadd.s32 s3, s0  }
0xf: {  	v7 =	vimm.s32 $0x7;
	v8 =	vimm.s32 $0x8;
	v9 =	vimm.s32 $0x9;
	s3 =	sadd.s32 s30, s2;
	s9 =	sadd.s32 s5, s31;
	s12 =	sshrl.u32 s13, $0x3  }
0x10: {  	v10 =	vimm.s32 $0xA;
	v11 =	vimm.s32 $0xB;
	v12 =	vimm.s32 $0xC;
	s10 =	sadd.s32 s6, s11;
	s11 =	sadd.s32 s7, s12;
	s12 =	sadd.s32 $0x50, s13  }
0x11: {  	v13 =	vimm.s32 $0xD;
	v14 =	vimm.s32 $0xE;
	v15 =	vimm.s32 $0xF;
	s13 =	sadd.s32 $0xA0, s13;
	s14 =	sadd.s32 $0x547E00, s0;
	s16 =	sshrl.u32 s3, $0x3  }
.LBB2_1:
0x12: {  	s0 =	rddreg [dreg:$0x1]  }
0x13: {  	[spmem:s16], [sflag:s8] =	dma.local [hbm:s0], $0x2800  }
0x14: {  	_ =	swait.ge [sflag:s17], $0x2800  }
0x15: {  	[sflag:s17] =	ssyncset.done $0x0  }
0x16: {  	[sflag:s17] =	ssyncadd.s32 $0xFFFFD800  }
0x17: {  	[bflag:$0x0] =	sbarrier.arrive $0xFFFF  }
0x18: {  	[tilespmem:s18], [sflag:$0x1] =	stream.linear.gather [hbm4b:s9+s4], $0x2800, $0x38;
	[tilespmem:$0x19400] =	vst v63  }
0x19: {  	_ = 	snop  }
0x1a: {  	[tilespmem:s19], [sflag:$0x1] =	stream.linear.gather [hbm4b:s10+s4], $0x140, $0x38;
	[tilespmem:$0x19400] =	vst v63  }
0x1b: {  	s29 =	simm.s32 $0x0  }
0x1c: {  	[tilespmem:s20], [sflag:$0x1] =	stream.linear.gather [hbm4b:s11+s4], $0x50, $0x38;
	[tilespmem:$0x19400] =	vst v63  }
.LBB2_2:
0x1d: {  	s30 =	smul.u32 $0xA0, s29;
	_ =	sdelay $0x1  }
0x1e: {  	s0 =	sadd.s32 s30, s12  }
0x1f: {  	s1 =	sshll.u32 s0, $0x4  }
0x20: {  	s3 =	simm.s32 $0x0;
	s1 =	sadd.s32 s5, s1  }
0x21: {  	[tilespmem:s21], [sflag:$0x2] =	stream.linear.gather [hbm4b:s1+s3], $0x2800, $0x38;
	[tilespmem:$0x19400] =	vst v63  }
0x22: {  	s1 =	sshrl.u32 s0, $0x1  }
0x23: {  	s0 =	sshrl.u32 s0, $0x3;
	s1 =	sadd.s32 s6, s1  }
0x24: {  	[tilespmem:s22], [sflag:$0x2] =	stream.linear.gather [hbm4b:s1+s3], $0x140, $0x38;
	[tilespmem:$0x19400] =	vst v63  }
0x25: {  	s0 =	sadd.s32 s7, s0  }
0x26: {  	[tilespmem:s23], [sflag:$0x2] =	stream.linear.gather [hbm4b:s0+s3], $0x50, $0x38;
	[tilespmem:$0x19400] =	vst v63  }
0x27: {  	_ =	swait.ge [sflag:s24], $0x2800  }
0x28: {  	[sflag:s24] =	ssyncset.done $0x0  }
0x29: {  	[sflag:s24] =	ssyncadd.s32 $0xFFFFD800  }
0x2a: {  	_ =	swait.ge [sflag:s24], $0x140  }
0x2b: {  	[sflag:s24] =	ssyncset.done $0x0  }
0x2c: {  	[sflag:s24] =	ssyncadd.s32 $0xFFFFFEC0  }
0x2d: {  	_ =	swait.ge [sflag:s24], $0x50  }
0x2e: {  	[sflag:s24] =	ssyncset.done $0x0  }
0x2f: {  	s31 =	simm.s32 $0x14100;
	[sflag:s24] =	ssyncadd.s32 $0xFFFFFFB0  }
0x30: {  	v21 =	vld [tilespmem:s31+$0xFFFFFFA0]  }
0x31: {  	v19 =	vld [tilespmem:s31+$0xFFFFFFF0]  }
0x32: {  	v16 =	vld [tilespmem:s31+$0xFFFFFF60]  }
0x33: {  	v22 =	vld [tilespmem:s31+$0xFFFFFFD0]  }
0x34: {  	v23 =	vld [tilespmem:s31+$0x80]  }
0x35: {  	v26 =	vld [tilespmem:s31+$0xFFFFFF10]  }
0x36: {  	v30 =	vld [tilespmem:s31+$0xE0]  }
0x37: {  	v25 =	vld [tilespmem:s31+$0xFFFFFF40]  }
0x38: {  	s3 =	simm.s32 $0x0;
	v17 =	vld [tilespmem:s31+$0xFFFFFF90]  }
0x39: {  	v18 =	vld [tilespmem:s3+$0x19000]  }
0x3a: {  	v24 =	vld [tilespmem:s31+$0xFFFFFFC0]  }
0x3b: {  	v27 =	vld [tilespmem:s31+$0xFFFFFF00]  }
0x3c: {  	v28 =	vld [tilespmem:s31+$0xD0]  }
0x3d: {  	v37 =	vld [tilespmem:s31+$0xC0]  }
0x3e: {  	v35 =	vld [tilespmem:s31+$0x90];
	v33 =	vperm.xlane v18, v0;
	v20 =	vperm.xlane v18, v15  }
0x3f: {  	v36 =	vld [tilespmem:s31+$0xFFFFFF50];
	v34 =	vperm.xlane v18, v2;
	v32 =	vperm.xlane v18, v14  }
0x40: {  	v31 =	vld [tilespmem:s31+$0xB0];
	v29 =	vperm.xlane v18, v12;
	v39 =	vmul.f32 v27, v33  }
0x41: {  	s0 =	simm.s32 $0x40;
	s3 =	simm.s32 $0x14100;
	v27 =	vperm.xlane v18, v13;
	v38 =	vmul.f32 v25, v34;
	v25 =	vld [tilespmem:s31+$0x60]  }
.LBB2_3:
0x42: {  	p0 =	sne.s32 s0, $0x4C0  }
0x43: {  	[tilespmem:s31+$0xFFFFFF00] =	vst v39;
	v39 =	vld [tilespmem:s31+$0xFFFFFFB0];
	v37 =	vmul.f32 v37, v32;
	v30 =	vmul.f32 v30, v20;
	s3 =	sadd.s32 $0x200, s3;
	s1 =	smov.u32 s0;
	s0 =	sadd.s32 $0x40, s0  }
0x44: {  	[tilespmem:s31+$0xFFFFFF40] =	vst v38;
	v38 =	vperm.xlane v18, v10;
	v35 =	vmul.f32 v35, v29;
	v40 =	vld [tilespmem:s31+$0xA0]  }
0x45: {  	v26 =	vmul.f32 v26, v33;
	v33 =	vmul.f32 v36, v34;
	v34 =	vld [tilespmem:s31+$0x70];
	[tilespmem:s31+$0xE0] =	vst v30  }
0x46: {  	v30 =	vperm.xlane v18, v5;
	v36 =	vld [tilespmem:s31+$0xFFFFFFE0];
	v31 =	vmul.f32 v31, v27;
	[tilespmem:s31+$0xC0] =	vst v37  }
0x47: {  	v28 =	vmul.f32 v28, v32;
	[tilespmem:s31+$0xFFFFFF10] =	vst v26;
	v26 =	vperm.xlane v18, v6;
	v37 =	vld [tilespmem:s31+$0x40]  }
0x48: {  	v41 =	vperm.xlane v18, v11;
	v21 =	vmul.f32 v21, v30;
	v32 =	vld [tilespmem:s31+$0xFFFFFF20];
	[tilespmem:s31+$0x90] =	vst v35  }
0x49: {  	[tilespmem:s31+$0xFFFFFF50] =	vst v33;
	v33 =	vperm.xlane v18, v9;
	v35 =	vld [tilespmem:s31+$0x20];
	v27 =	vmul.f32 v40, v27  }
0x4a: {  	v30 =	vmul.f32 v39, v30;
	v39 =	vld [tilespmem:s31+$0x50];
	v34 =	vmul.f32 v34, v41;
	[tilespmem:s31+$0xD0] =	vst v28  }
0x4b: {  	v23 =	vmul.f32 v23, v29;
	v28 =	vperm.xlane v18, v7;
	v40 =	vld [tilespmem:s31+$0x30];
	[tilespmem:s31+$0xA0] =	vst v27  }
0x4c: {  	v24 =	vmul.f32 v24, v26;
	v27 =	vperm.xlane v18, v3;
	v29 =	vld [tilespmem:s31+$0x0];
	[tilespmem:s31+$0x70] =	vst v34  }
0x4d: {  	v25 =	vmul.f32 v25, v41;
	v22 =	vmul.f32 v22, v26;
	v26 =	vld [tilespmem:s31+$0x10];
	[tilespmem:s31+$0x80] =	vst v23  }
0x4e: {  	v34 =	vperm.xlane v18, v8;
	v37 =	vmul.f32 v37, v38;
	v23 =	vld [tilespmem:s31+$0xFFFFFF30];
	[tilespmem:s31+$0xB0] =	vst v31  }
0x4f: {  	v31 =	vperm.xlane v18, v1;
	v41 =	vld [tilespmem:s31+$0xFFFFFF70];
	[tilespmem:s31+$0xFFFFFFD0] =	vst v22;
	v38 =	vmul.f32 v39, v38  }
0x50: {  	v19 =	vmul.f32 v19, v28;
	v22 =	vmul.f32 v36, v28;
	[tilespmem:s31+$0xFFFFFFC0] =	vst v24;
	v24 =	vld [tilespmem:s31+$0xF0]  }
0x51: {  	v36 =	vmul.f32 v40, v33;
	v28 =	vld [tilespmem:s31+$0xFFFFFF80];
	[tilespmem:s31+$0xFFFFFFA0] =	vst v21;
	v29 =	vmul.f32 v29, v34  }
0x52: {  	v21 =	vld [tilespmem:s3+$0xFFFFFFA0];
	[tilespmem:s31+$0xFFFFFFF0] =	vst v19;
	v34 =	vmul.f32 v26, v34;
	v26 =	vmul.f32 v35, v33  }
0x53: {  	v19 =	vmul.f32 v32, v31;
	v31 =	vmul.f32 v23, v31;
	[tilespmem:s31+$0x60] =	vst v25  }
0x54: {  	v16 =	vmul.f32 v16, v27;
	v23 =	vmul.f32 v41, v27;
	[tilespmem:s31+$0xFFFFFFB0] =	vst v30  }
0x55: {  	v18 =	vperm.xlane v18, v4;
	[tilespmem:s31+$0xFFFFFF20] =	vst v19;
	v19 =	vmul.f32 v24, v20  }
0x56: {  	[tilespmem:s31+$0xFFFFFF60] =	vst v16  }
0x57: {  	v20 =	vmul.f32 v28, v18;
	v16 =	vmul.f32 v17, v18;
	[tilespmem:s31+$0x40] =	vst v37  }
0x58: {  	[tilespmem:s31+$0xFFFFFFE0] =	vst v22  }
0x59: {  	[tilespmem:s31+$0xF0] =	vst v19  }
0x5a: {  	[tilespmem:s31+$0xFFFFFF90] =	vst v16  }
0x5b: {  	v19 =	vld [tilespmem:s3+$0xFFFFFFF0];
	[tilespmem:s31+$0xFFFFFF70] =	vst v23  }
0x5c: {  	v16 =	vld [tilespmem:s3+$0xFFFFFF60];
	[tilespmem:s31+$0x20] =	vst v26  }
0x5d: {  	v22 =	vld [tilespmem:s3+$0xFFFFFFD0];
	[tilespmem:s31+$0x30] =	vst v36  }
0x5e: {  	v23 =	vld [tilespmem:s3+$0x80];
	[tilespmem:s31+$0xFFFFFF80] =	vst v20  }
0x5f: {  	v26 =	vld [tilespmem:s3+$0xFFFFFF10];
	[tilespmem:s31+$0x50] =	vst v38  }
0x60: {  	v30 =	vld [tilespmem:s3+$0xE0];
	[tilespmem:s31+$0x0] =	vst v29  }
0x61: {  	v25 =	vld [tilespmem:s3+$0xFFFFFF40];
	[tilespmem:s31+$0xFFFFFF30] =	vst v31  }
0x62: {  	s1 =	sshra.s32 s1, $0x2;
	v17 =	vld [tilespmem:s3+$0xFFFFFF90];
	[tilespmem:s31+$0x10] =	vst v34;
	s31 =	smov.u32 s3  }
0x63: {  	v18 =	vld [tilespmem:s1+$0x19000]  }
0x64: {  	v24 =	vld [tilespmem:s3+$0xFFFFFFC0]  }
0x65: {  	v27 =	vld [tilespmem:s3+$0xFFFFFF00]  }
0x66: {  	v28 =	vld [tilespmem:s3+$0xD0]  }
.Ltmp0:
0x67: {  	v37 =	vld [tilespmem:s3+$0xC0];
	(pc) =	sbr.rel @p0 .LBB2_3-.Ltmp0, $4  }
0x68: {  	v33 =	vperm.xlane v18, v0;
	v35 =	vld [tilespmem:s3+$0x90];
	v20 =	vperm.xlane v18, v15  }
0x69: {  	v34 =	vperm.xlane v18, v2;
	v32 =	vperm.xlane v18, v14;
	v36 =	vld [tilespmem:s3+$0xFFFFFF50]  }
0x6a: {  	v39 =	vmul.f32 v27, v33;
	v27 =	vperm.xlane v18, v13;
	v31 =	vld [tilespmem:s3+$0xB0]  }
0x6b: {  	v29 =	vperm.xlane v18, v12;
	v38 =	vmul.f32 v25, v34;
	v25 =	vld [tilespmem:s3+$0x60]  }
0x6c: {  	[tilespmem:s31+$0xFFFFFF00] =	vst v39;
	v30 =	vmul.f32 v30, v20  }
0x6d: {  	v37 =	vmul.f32 v37, v32;
	[tilespmem:s31+$0xFFFFFF40] =	vst v38  }
0x6e: {  	v26 =	vmul.f32 v26, v33;
	[tilespmem:s31+$0xE0] =	vst v30  }
0x6f: {  	v54 =	vld [tilespmem:s31+$0xA0];
	v23 =	vmul.f32 v23, v29;
	[tilespmem:s31+$0xC0] =	vst v37  }
0x70: {  	v55 =	vld [tilespmem:s31+$0x70];
	v30 =	vmul.f32 v35, v29;
	[tilespmem:s31+$0xFFFFFF10] =	vst v26  }
0x71: {  	v57 =	vperm.xlane v18, v11;
	v34 =	vmul.f32 v36, v34;
	[tilespmem:s31+$0x80] =	vst v23  }
0x72: {  	v26 =	vmul.f32 v28, v32;
	[tilespmem:s31+$0x90] =	vst v30  }
0x73: {  	[tilespmem:s31+$0xFFFFFF50] =	vst v34;
	v25 =	vmul.f32 v25, v57  }
0x74: {  	[tilespmem:s31+$0xD0] =	vst v26;
	v58 =	vmul.f32 v54, v27  }
0x75: {  	v23 =	vperm.xlane v18, v7;
	v33 =	vmul.f32 v55, v57;
	[tilespmem:s31+$0x60] =	vst v25  }
0x76: {  	v28 =	vld [tilespmem:s31+$0xFFFFFF20];
	v26 =	vperm.xlane v18, v6;
	v27 =	vmul.f32 v31, v27;
	[tilespmem:s31+$0xA0] =	vst v58  }
0x77: {  	v56 =	vld [tilespmem:s31+$0xFFFFFFB0];
	v19 =	vmul.f32 v19, v23;
	[tilespmem:s31+$0x70] =	vst v33  }
0x78: {  	v30 =	vld [tilespmem:s31+$0xFFFFFFE0];
	v31 =	vperm.xlane v18, v5;
	v22 =	vmul.f32 v22, v26;
	[tilespmem:s31+$0xB0] =	vst v27  }
0x79: {  	v62 =	vperm.xlane v18, v1;
	v24 =	vmul.f32 v24, v26;
	[tilespmem:s31+$0xFFFFFFF0] =	vst v19  }
0x7a: {  	v59 =	vld [tilespmem:s31+$0x40];
	v21 =	vmul.f32 v21, v31;
	[tilespmem:s31+$0xFFFFFFD0] =	vst v22  }
0x7b: {  	v28 =	vmul.f32 v28, v62;
	[tilespmem:s31+$0xFFFFFFC0] =	vst v24  }
0x7c: {  	v63 =	vld [tilespmem:s31+$0xF0];
	[tilespmem:s31+$0xFFFFFFA0] =	vst v21;
	v21 =	vmul.f32 v56, v31;
	v31 =	vperm.xlane v18, v3  }
0x7d: {  	v27 =	vld [tilespmem:s31+$0xFFFFFF70];
	v19 =	vperm.xlane v18, v10;
	[tilespmem:s31+$0xFFFFFF20] =	vst v28;
	v23 =	vmul.f32 v30, v23  }
0x7e: {  	v29 =	vld [tilespmem:s31+$0x20];
	v28 =	vperm.xlane v18, v4;
	v16 =	vmul.f32 v16, v31;
	[tilespmem:s31+$0xFFFFFFB0] =	vst v21  }
0x7f: {  	v61 =	vld [tilespmem:s31+$0x30];
	v21 =	vmul.f32 v59, v19;
	[tilespmem:s31+$0xFFFFFFE0] =	vst v23  }
0x80: {  	v22 =	vld [tilespmem:s31+$0xFFFFFF80];
	v17 =	vmul.f32 v17, v28;
	[tilespmem:s31+$0xFFFFFF60] =	vst v16  }
0x81: {  	v60 =	vld [tilespmem:s31+$0x50];
	v16 =	vmul.f32 v63, v20;
	[tilespmem:s31+$0x40] =	vst v21;
	v20 =	vperm.xlane v18, v9  }
0x82: {  	v26 =	vld [tilespmem:s31+$0x0];
	v21 =	vmul.f32 v27, v31;
	[tilespmem:s31+$0xFFFFFF90] =	vst v17  }
0x83: {  	v25 =	vld [tilespmem:s31+$0xFFFFFF30];
	[tilespmem:s31+$0xF0] =	vst v16;
	v16 =	vmul.f32 v29, v20  }
0x84: {  	v24 =	vld [tilespmem:s31+$0x10];
	v17 =	vmul.f32 v61, v20;
	[tilespmem:s31+$0xFFFFFF70] =	vst v21  }
0x85: {  	v18 =	vperm.xlane v18, v8;
	v20 =	vmul.f32 v22, v28;
	[tilespmem:s31+$0x20] =	vst v16  }
0x86: {  	v16 =	vmul.f32 v60, v19;
	[tilespmem:s31+$0x30] =	vst v17  }
0x87: {  	v17 =	vmul.f32 v26, v18;
	[tilespmem:s31+$0xFFFFFF80] =	vst v20  }
0x88: {  	v19 =	vmul.f32 v25, v62;
	[tilespmem:s31+$0x50] =	vst v16  }
0x89: {  	v16 =	vmul.f32 v24, v18;
	[tilespmem:s31+$0x0] =	vst v17  }
0x8a: {  	[tilespmem:s31+$0xFFFFFF30] =	vst v19  }
0x8b: {  	[tilespmem:s31+$0x10] =	vst v16  }
0x8c: {  	[spmem:s2] =	stream.indirect.scatter.add.f32 [tilespmem:s18], [sflag:$0x3], $0x80, s20, s25, $0xb8;
	[tilespmem:$0x19400] =	vst v63  }
0x8d: {  	s0 =	sadd.s32 s30, s13;
	_ =	swait.ge [sflag:s17], $0x2800  }
0x8e: {  	s3 =	simm.s32 $0x0;
	s1 =	sshll.u32 s0, $0x4;
	[sflag:s17] =	ssyncset.done $0x0  }
0x8f: {  	s1 =	sadd.s32 s5, s1;
	s31 =	sshrl.u32 s0, $0x1;
	[sflag:s17] =	ssyncadd.s32 $0xFFFFD800  }
0x90: {  	[tilespmem:s18], [sflag:$0x1] =	stream.linear.gather [hbm4b:s1+s3], $0x2800, $0x38;
	[tilespmem:$0x19400] =	vst v63  }
0x91: {  	s1 =	sand.u32 $0x1FFFFFF8, s31  }
0x92: {  	s0 =	sshrl.u32 s0, $0x3;
	s1 =	sadd.s32 s6, s1  }
0x93: {  	[tilespmem:s19], [sflag:$0x1] =	stream.linear.gather [hbm4b:s1+s3], $0x140, $0x38;
	[tilespmem:$0x19400] =	vst v63  }
0x94: {  	s0 =	sadd.s32 s7, s0  }
0x95: {  	[tilespmem:s20], [sflag:$0x1] =	stream.linear.gather [hbm4b:s0+s3], $0x50, $0x38;
	[tilespmem:$0x19400] =	vst v63  }
0x96: {  	_ =	swait.ge [sflag:s26], $0x2800  }
0x97: {  	[sflag:s26] =	ssyncset.done $0x0  }
0x98: {  	[sflag:s26] =	ssyncadd.s32 $0xFFFFD800  }
0x99: {  	_ =	swait.ge [sflag:s26], $0x140  }
0x9a: {  	[sflag:s26] =	ssyncset.done $0x0  }
0x9b: {  	[sflag:s26] =	ssyncadd.s32 $0xFFFFFEC0  }
0x9c: {  	_ =	swait.ge [sflag:s26], $0x50  }
0x9d: {  	[sflag:s26] =	ssyncset.done $0x0  }
0x9e: {  	s30 =	simm.s32 $0x16900;
	[sflag:s26] =	ssyncadd.s32 $0xFFFFFFB0  }
0x9f: {  	v21 =	vld [tilespmem:s30+$0xFFFFFFA0]  }
0xa0: {  	v19 =	vld [tilespmem:s30+$0xFFFFFFF0]  }
0xa1: {  	v16 =	vld [tilespmem:s30+$0xFFFFFF60]  }
0xa2: {  	v22 =	vld [tilespmem:s30+$0xFFFFFFD0]  }
0xa3: {  	v23 =	vld [tilespmem:s30+$0x80]  }
0xa4: {  	v26 =	vld [tilespmem:s30+$0xFFFFFF10]  }
0xa5: {  	v30 =	vld [tilespmem:s30+$0xE0]  }
0xa6: {  	v25 =	vld [tilespmem:s30+$0xFFFFFF40]  }
0xa7: {  	s31 =	simm.s32 $0x0;
	v17 =	vld [tilespmem:s30+$0xFFFFFF90]  }
0xa8: {  	v18 =	vld [tilespmem:s31+$0x19180]  }
0xa9: {  	v24 =	vld [tilespmem:s30+$0xFFFFFFC0]  }
0xaa: {  	v27 =	vld [tilespmem:s30+$0xFFFFFF00]  }
0xab: {  	v28 =	vld [tilespmem:s30+$0xD0]  }
0xac: {  	v37 =	vld [tilespmem:s30+$0xC0]  }
0xad: {  	v35 =	vld [tilespmem:s30+$0x90];
	v33 =	vperm.xlane v18, v0;
	v20 =	vperm.xlane v18, v15  }
0xae: {  	v36 =	vld [tilespmem:s30+$0xFFFFFF50];
	v34 =	vperm.xlane v18, v2;
	v32 =	vperm.xlane v18, v14  }
0xaf: {  	v31 =	vld [tilespmem:s30+$0xB0];
	v29 =	vperm.xlane v18, v12;
	v39 =	vmul.f32 v27, v33  }
0xb0: {  	s0 =	simm.s32 $0x40;
	s3 =	simm.s32 $0x16900;
	v27 =	vperm.xlane v18, v13;
	v38 =	vmul.f32 v25, v34;
	v25 =	vld [tilespmem:s30+$0x60]  }
.LBB2_5:
0xb1: {  	p0 =	sne.s32 s0, $0x4C0  }
0xb2: {  	[tilespmem:s30+$0xFFFFFF00] =	vst v39;
	v39 =	vld [tilespmem:s30+$0xFFFFFFB0];
	v37 =	vmul.f32 v37, v32;
	v30 =	vmul.f32 v30, v20;
	s3 =	sadd.s32 $0x200, s3;
	s1 =	smov.u32 s0;
	s0 =	sadd.s32 $0x40, s0  }
0xb3: {  	[tilespmem:s30+$0xFFFFFF40] =	vst v38;
	v38 =	vperm.xlane v18, v10;
	v35 =	vmul.f32 v35, v29;
	v40 =	vld [tilespmem:s30+$0xA0]  }
0xb4: {  	v26 =	vmul.f32 v26, v33;
	v33 =	vmul.f32 v36, v34;
	v34 =	vld [tilespmem:s30+$0x70];
	[tilespmem:s30+$0xE0] =	vst v30  }
0xb5: {  	v30 =	vperm.xlane v18, v5;
	v36 =	vld [tilespmem:s30+$0xFFFFFFE0];
	v31 =	vmul.f32 v31, v27;
	[tilespmem:s30+$0xC0] =	vst v37  }
0xb6: {  	v28 =	vmul.f32 v28, v32;
	[tilespmem:s30+$0xFFFFFF10] =	vst v26;
	v26 =	vperm.xlane v18, v6;
	v37 =	vld [tilespmem:s30+$0x40]  }
0xb7: {  	v41 =	vperm.xlane v18, v11;
	v21 =	vmul.f32 v21, v30;
	v32 =	vld [tilespmem:s30+$0xFFFFFF20];
	[tilespmem:s30+$0x90] =	vst v35  }
0xb8: {  	[tilespmem:s30+$0xFFFFFF50] =	vst v33;
	v33 =	vperm.xlane v18, v9;
	v35 =	vld [tilespmem:s30+$0x20];
	v27 =	vmul.f32 v40, v27  }
0xb9: {  	v30 =	vmul.f32 v39, v30;
	v39 =	vld [tilespmem:s30+$0x50];
	v34 =	vmul.f32 v34, v41;
	[tilespmem:s30+$0xD0] =	vst v28  }
0xba: {  	v23 =	vmul.f32 v23, v29;
	v28 =	vperm.xlane v18, v7;
	v40 =	vld [tilespmem:s30+$0x30];
	[tilespmem:s30+$0xA0] =	vst v27  }
0xbb: {  	v24 =	vmul.f32 v24, v26;
	v27 =	vperm.xlane v18, v3;
	v29 =	vld [tilespmem:s30+$0x0];
	[tilespmem:s30+$0x70] =	vst v34  }
0xbc: {  	v25 =	vmul.f32 v25, v41;
	v22 =	vmul.f32 v22, v26;
	v26 =	vld [tilespmem:s30+$0x10];
	[tilespmem:s30+$0x80] =	vst v23  }
0xbd: {  	v34 =	vperm.xlane v18, v8;
	v37 =	vmul.f32 v37, v38;
	v23 =	vld [tilespmem:s30+$0xFFFFFF30];
	[tilespmem:s30+$0xB0] =	vst v31  }
0xbe: {  	v31 =	vperm.xlane v18, v1;
	v41 =	vld [tilespmem:s30+$0xFFFFFF70];
	[tilespmem:s30+$0xFFFFFFD0] =	vst v22;
	v38 =	vmul.f32 v39, v38  }
0xbf: {  	v19 =	vmul.f32 v19, v28;
	v22 =	vmul.f32 v36, v28;
	[tilespmem:s30+$0xFFFFFFC0] =	vst v24;
	v24 =	vld [tilespmem:s30+$0xF0]  }
0xc0: {  	v36 =	vmul.f32 v40, v33;
	v28 =	vld [tilespmem:s30+$0xFFFFFF80];
	[tilespmem:s30+$0xFFFFFFA0] =	vst v21;
	v29 =	vmul.f32 v29, v34  }
0xc1: {  	v21 =	vld [tilespmem:s3+$0xFFFFFFA0];
	[tilespmem:s30+$0xFFFFFFF0] =	vst v19;
	v34 =	vmul.f32 v26, v34;
	v26 =	vmul.f32 v35, v33  }
0xc2: {  	v19 =	vmul.f32 v32, v31;
	v31 =	vmul.f32 v23, v31;
	[tilespmem:s30+$0x60] =	vst v25  }
0xc3: {  	v16 =	vmul.f32 v16, v27;
	v23 =	vmul.f32 v41, v27;
	[tilespmem:s30+$0xFFFFFFB0] =	vst v30  }
0xc4: {  	v18 =	vperm.xlane v18, v4;
	[tilespmem:s30+$0xFFFFFF20] =	vst v19;
	v19 =	vmul.f32 v24, v20  }
0xc5: {  	[tilespmem:s30+$0xFFFFFF60] =	vst v16  }
0xc6: {  	v20 =	vmul.f32 v28, v18;
	v16 =	vmul.f32 v17, v18;
	[tilespmem:s30+$0x40] =	vst v37  }
0xc7: {  	[tilespmem:s30+$0xFFFFFFE0] =	vst v22  }
0xc8: {  	[tilespmem:s30+$0xF0] =	vst v19  }
0xc9: {  	[tilespmem:s30+$0xFFFFFF90] =	vst v16  }
0xca: {  	v19 =	vld [tilespmem:s3+$0xFFFFFFF0];
	[tilespmem:s30+$0xFFFFFF70] =	vst v23  }
0xcb: {  	v16 =	vld [tilespmem:s3+$0xFFFFFF60];
	[tilespmem:s30+$0x20] =	vst v26  }
0xcc: {  	v22 =	vld [tilespmem:s3+$0xFFFFFFD0];
	[tilespmem:s30+$0x30] =	vst v36  }
0xcd: {  	v23 =	vld [tilespmem:s3+$0x80];
	[tilespmem:s30+$0xFFFFFF80] =	vst v20  }
0xce: {  	v26 =	vld [tilespmem:s3+$0xFFFFFF10];
	[tilespmem:s30+$0x50] =	vst v38  }
0xcf: {  	v30 =	vld [tilespmem:s3+$0xE0];
	[tilespmem:s30+$0x0] =	vst v29  }
0xd0: {  	v25 =	vld [tilespmem:s3+$0xFFFFFF40];
	[tilespmem:s30+$0xFFFFFF30] =	vst v31  }
0xd1: {  	s1 =	sshra.s32 s1, $0x2;
	v17 =	vld [tilespmem:s3+$0xFFFFFF90];
	[tilespmem:s30+$0x10] =	vst v34;
	s30 =	smov.u32 s3  }
0xd2: {  	v18 =	vld [tilespmem:s1+$0x19180]  }
0xd3: {  	v24 =	vld [tilespmem:s3+$0xFFFFFFC0]  }
0xd4: {  	v27 =	vld [tilespmem:s3+$0xFFFFFF00]  }
0xd5: {  	v28 =	vld [tilespmem:s3+$0xD0]  }
.Ltmp1:
0xd6: {  	v37 =	vld [tilespmem:s3+$0xC0];
	(pc) =	sbr.rel @p0 .LBB2_5-.Ltmp1, $4  }
0xd7: {  	v33 =	vperm.xlane v18, v0;
	v35 =	vld [tilespmem:s3+$0x90];
	v20 =	vperm.xlane v18, v15  }
0xd8: {  	v34 =	vperm.xlane v18, v2;
	v32 =	vperm.xlane v18, v14;
	v36 =	vld [tilespmem:s3+$0xFFFFFF50]  }
0xd9: {  	v39 =	vmul.f32 v27, v33;
	v27 =	vperm.xlane v18, v13;
	v31 =	vld [tilespmem:s3+$0xB0]  }
0xda: {  	v29 =	vperm.xlane v18, v12;
	v38 =	vmul.f32 v25, v34;
	v25 =	vld [tilespmem:s3+$0x60]  }
0xdb: {  	[tilespmem:s30+$0xFFFFFF00] =	vst v39;
	v30 =	vmul.f32 v30, v20  }
0xdc: {  	v37 =	vmul.f32 v37, v32;
	[tilespmem:s30+$0xFFFFFF40] =	vst v38  }
0xdd: {  	v26 =	vmul.f32 v26, v33;
	[tilespmem:s30+$0xE0] =	vst v30  }
0xde: {  	v58 =	vmul.f32 v28, v32;
	[tilespmem:s30+$0xC0] =	vst v37  }
0xdf: {  	v56 =	vmul.f32 v35, v29;
	[tilespmem:s30+$0xFFFFFF10] =	vst v26  }
0xe0: {  	v40 =	vperm.xlane v18, v6;
	v23 =	vmul.f32 v23, v29;
	[tilespmem:s30+$0xD0] =	vst v58  }
0xe1: {  	v34 =	vmul.f32 v36, v34;
	[tilespmem:s30+$0x90] =	vst v56  }
0xe2: {  	v44 =	vperm.xlane v18, v5;
	v22 =	vmul.f32 v22, v40;
	[tilespmem:s30+$0x80] =	vst v23  }
0xe3: {  	v46 =	vperm.xlane v18, v7;
	v24 =	vmul.f32 v24, v40;
	[tilespmem:s30+$0xFFFFFF50] =	vst v34  }
0xe4: {  	v53 =	vperm.xlane v18, v3;
	v21 =	vmul.f32 v21, v44;
	[tilespmem:s30+$0xFFFFFFD0] =	vst v22  }
0xe5: {  	v54 =	vld [tilespmem:s30+$0xA0];
	v19 =	vmul.f32 v19, v46;
	[tilespmem:s30+$0xFFFFFFC0] =	vst v24  }
0xe6: {  	v55 =	vld [tilespmem:s30+$0x70];
	v60 =	vperm.xlane v18, v11;
	v16 =	vmul.f32 v16, v53;
	[tilespmem:s30+$0xFFFFFFA0] =	vst v21  }
0xe7: {  	v57 =	vld [tilespmem:s30+$0xFFFFFFB0];
	v58 =	vperm.xlane v18, v4;
	v42 =	vmul.f32 v31, v27;
	[tilespmem:s30+$0xFFFFFFF0] =	vst v19  }
0xe8: {  	v59 =	vld [tilespmem:s30+$0xFFFFFF20];
	v25 =	vmul.f32 v25, v60;
	[tilespmem:s30+$0xFFFFFF60] =	vst v16  }
0xe9: {  	v61 =	vld [tilespmem:s30+$0xFFFFFFE0];
	v17 =	vmul.f32 v17, v58;
	[tilespmem:s30+$0xB0] =	vst v42  }
0xea: {  	v48 =	vld [tilespmem:s30+$0xFFFFFF70];
	v62 =	vmul.f32 v54, v27;
	[tilespmem:s30+$0x60] =	vst v25  }
0xeb: {  	v63 =	vld [tilespmem:s30+$0x40];
	v51 =	vperm.xlane v18, v1;
	v33 =	vmul.f32 v55, v60;
	[tilespmem:s30+$0xFFFFFF90] =	vst v17  }
0xec: {  	v45 =	vld [tilespmem:s30+$0x30];
	v52 =	vmul.f32 v57, v44;
	[tilespmem:s30+$0xA0] =	vst v62  }
0xed: {  	v54 =	vld [tilespmem:s30+$0xF0];
	v28 =	vmul.f32 v59, v51;
	[tilespmem:s30+$0x70] =	vst v33  }
0xee: {  	v49 =	vld [tilespmem:s30+$0xFFFFFF80];
	v55 =	vperm.xlane v18, v10;
	v23 =	vmul.f32 v61, v46;
	[tilespmem:s30+$0xFFFFFFB0] =	vst v52  }
0xef: {  	v43 =	vld [tilespmem:s30+$0x20];
	v59 =	vperm.xlane v18, v9;
	v60 =	vmul.f32 v48, v53;
	[tilespmem:s30+$0xFFFFFF20] =	vst v28  }
0xf0: {  	v56 =	vld [tilespmem:s30+$0xFFFFFF30];
	v57 =	vmul.f32 v63, v55;
	[tilespmem:s30+$0xFFFFFFE0] =	vst v23  }
0xf1: {  	v41 =	vld [tilespmem:s30+$0x50];
	v17 =	vmul.f32 v45, v59;
	[tilespmem:s30+$0xFFFFFF70] =	vst v60  }
0xf2: {  	v47 =	vld [tilespmem:s30+$0x0];
	[tilespmem:s30+$0x40] =	vst v57;
	v16 =	vmul.f32 v54, v20  }
0xf3: {  	v50 =	vld [tilespmem:s30+$0x10];
	v62 =	vmul.f32 v49, v58;
	[tilespmem:s30+$0x30] =	vst v17  }
0xf4: {  	[tilespmem:s30+$0xF0] =	vst v16;
	v16 =	vmul.f32 v43, v59  }
0xf5: {  	v61 =	vperm.xlane v18, v8;
	v63 =	vmul.f32 v56, v51;
	[tilespmem:s30+$0xFFFFFF80] =	vst v62  }
0xf6: {  	[tilespmem:s30+$0x20] =	vst v16;
	v16 =	vmul.f32 v41, v55  }
0xf7: {  	v17 =	vmul.f32 v47, v61;
	[tilespmem:s30+$0xFFFFFF30] =	vst v63  }
0xf8: {  	s29 =	sadd.s32 $0x1, s29;
	[tilespmem:s30+$0x50] =	vst v16;
	v16 =	vmul.f32 v50, v61  }
0xf9: {  	p0 =	sne.s32 s29, $0x3E;
	[tilespmem:s30+$0x0] =	vst v17  }
.Ltmp2:
0xfa: {  	[tilespmem:s30+$0x10] =	vst v16;
	(pc) =	sbr.rel @p0 .LBB2_2-.Ltmp2, $4  }
0xfb: {  	[spmem:s2] =	stream.indirect.scatter.add.f32 [tilespmem:s21], [sflag:$0x3], $0x80, s23, s25, $0xb8;
	[tilespmem:$0x19400] =	vst v63  }
0xfc: {  	_ =	swait.ge [sflag:s17], $0x2800  }
0xfd: {  	[sflag:s17] =	ssyncset.done $0x0  }
0xfe: {  	[sflag:s17] =	ssyncadd.s32 $0xFFFFD800  }
0xff: {  	_ =	swait.ge [sflag:s24], $0x2800  }
0x100: {  	[sflag:s24] =	ssyncset.done $0x0  }
0x101: {  	[sflag:s24] =	ssyncadd.s32 $0xFFFFD800  }
0x102: {  	_ =	swait.ge [sflag:s24], $0x140  }
0x103: {  	[sflag:s24] =	ssyncset.done $0x0  }
0x104: {  	[sflag:s24] =	ssyncadd.s32 $0xFFFFFEC0  }
0x105: {  	_ =	swait.ge [sflag:s24], $0x50  }
0x106: {  	[sflag:s24] =	ssyncset.done $0x0  }
0x107: {  	s29 =	simm.s32 $0x14100;
	[sflag:s24] =	ssyncadd.s32 $0xFFFFFFB0  }
0x108: {  	v21 =	vld [tilespmem:s29+$0xFFFFFFA0]  }
0x109: {  	v19 =	vld [tilespmem:s29+$0xFFFFFFF0]  }
0x10a: {  	v16 =	vld [tilespmem:s29+$0xFFFFFF60]  }
0x10b: {  	v22 =	vld [tilespmem:s29+$0xFFFFFFD0]  }
0x10c: {  	v23 =	vld [tilespmem:s29+$0x80]  }
0x10d: {  	v26 =	vld [tilespmem:s29+$0xFFFFFF10]  }
0x10e: {  	v30 =	vld [tilespmem:s29+$0xE0]  }
0x10f: {  	v25 =	vld [tilespmem:s29+$0xFFFFFF40]  }
0x110: {  	s0 =	simm.s32 $0x0;
	v17 =	vld [tilespmem:s29+$0xFFFFFF90]  }
0x111: {  	v18 =	vld [tilespmem:s0+$0x19000]  }
0x112: {  	v24 =	vld [tilespmem:s29+$0xFFFFFFC0]  }
0x113: {  	v27 =	vld [tilespmem:s29+$0xFFFFFF00]  }
0x114: {  	v28 =	vld [tilespmem:s29+$0xD0]  }
0x115: {  	v37 =	vld [tilespmem:s29+$0xC0]  }
0x116: {  	v35 =	vld [tilespmem:s29+$0x90];
	v33 =	vperm.xlane v18, v0;
	v20 =	vperm.xlane v18, v15  }
0x117: {  	v36 =	vld [tilespmem:s29+$0xFFFFFF50];
	v34 =	vperm.xlane v18, v2;
	v32 =	vperm.xlane v18, v14  }
0x118: {  	v31 =	vld [tilespmem:s29+$0xB0];
	v29 =	vperm.xlane v18, v12;
	v39 =	vmul.f32 v27, v33  }
0x119: {  	s3 =	simm.s32 $0x14100;
	s0 =	simm.s32 $0x40;
	v27 =	vperm.xlane v18, v13;
	v38 =	vmul.f32 v25, v34;
	v25 =	vld [tilespmem:s29+$0x60]  }
.LBB2_8:
0x11a: {  	p0 =	sne.s32 s0, $0x4C0  }
0x11b: {  	[tilespmem:s29+$0xFFFFFF00] =	vst v39;
	v39 =	vld [tilespmem:s29+$0xFFFFFFB0];
	v37 =	vmul.f32 v37, v32;
	v30 =	vmul.f32 v30, v20;
	s3 =	sadd.s32 $0x200, s3;
	s1 =	smov.u32 s0;
	s0 =	sadd.s32 $0x40, s0  }
0x11c: {  	[tilespmem:s29+$0xFFFFFF40] =	vst v38;
	v38 =	vperm.xlane v18, v10;
	v35 =	vmul.f32 v35, v29;
	v40 =	vld [tilespmem:s29+$0xA0]  }
0x11d: {  	v26 =	vmul.f32 v26, v33;
	v33 =	vmul.f32 v36, v34;
	v34 =	vld [tilespmem:s29+$0x70];
	[tilespmem:s29+$0xE0] =	vst v30  }
0x11e: {  	v30 =	vperm.xlane v18, v5;
	v36 =	vld [tilespmem:s29+$0xFFFFFFE0];
	v31 =	vmul.f32 v31, v27;
	[tilespmem:s29+$0xC0] =	vst v37  }
0x11f: {  	v28 =	vmul.f32 v28, v32;
	[tilespmem:s29+$0xFFFFFF10] =	vst v26;
	v26 =	vperm.xlane v18, v6;
	v37 =	vld [tilespmem:s29+$0x40]  }
0x120: {  	v41 =	vperm.xlane v18, v11;
	v21 =	vmul.f32 v21, v30;
	v32 =	vld [tilespmem:s29+$0xFFFFFF20];
	[tilespmem:s29+$0x90] =	vst v35  }
0x121: {  	[tilespmem:s29+$0xFFFFFF50] =	vst v33;
	v33 =	vperm.xlane v18, v9;
	v35 =	vld [tilespmem:s29+$0x20];
	v27 =	vmul.f32 v40, v27  }
0x122: {  	v30 =	vmul.f32 v39, v30;
	v39 =	vld [tilespmem:s29+$0x50];
	v34 =	vmul.f32 v34, v41;
	[tilespmem:s29+$0xD0] =	vst v28  }
0x123: {  	v23 =	vmul.f32 v23, v29;
	v28 =	vperm.xlane v18, v7;
	v40 =	vld [tilespmem:s29+$0x30];
	[tilespmem:s29+$0xA0] =	vst v27  }
0x124: {  	v24 =	vmul.f32 v24, v26;
	v27 =	vperm.xlane v18, v3;
	v29 =	vld [tilespmem:s29+$0x0];
	[tilespmem:s29+$0x70] =	vst v34  }
0x125: {  	v25 =	vmul.f32 v25, v41;
	v22 =	vmul.f32 v22, v26;
	v26 =	vld [tilespmem:s29+$0x10];
	[tilespmem:s29+$0x80] =	vst v23  }
0x126: {  	v34 =	vperm.xlane v18, v8;
	v37 =	vmul.f32 v37, v38;
	v23 =	vld [tilespmem:s29+$0xFFFFFF30];
	[tilespmem:s29+$0xB0] =	vst v31  }
0x127: {  	v31 =	vperm.xlane v18, v1;
	v41 =	vld [tilespmem:s29+$0xFFFFFF70];
	[tilespmem:s29+$0xFFFFFFD0] =	vst v22;
	v38 =	vmul.f32 v39, v38  }
0x128: {  	v19 =	vmul.f32 v19, v28;
	v22 =	vmul.f32 v36, v28;
	[tilespmem:s29+$0xFFFFFFC0] =	vst v24;
	v24 =	vld [tilespmem:s29+$0xF0]  }
0x129: {  	v36 =	vmul.f32 v40, v33;
	v28 =	vld [tilespmem:s29+$0xFFFFFF80];
	[tilespmem:s29+$0xFFFFFFA0] =	vst v21;
	v29 =	vmul.f32 v29, v34  }
0x12a: {  	v21 =	vld [tilespmem:s3+$0xFFFFFFA0];
	[tilespmem:s29+$0xFFFFFFF0] =	vst v19;
	v34 =	vmul.f32 v26, v34;
	v26 =	vmul.f32 v35, v33  }
0x12b: {  	v19 =	vmul.f32 v32, v31;
	v31 =	vmul.f32 v23, v31;
	[tilespmem:s29+$0x60] =	vst v25  }
0x12c: {  	v16 =	vmul.f32 v16, v27;
	v23 =	vmul.f32 v41, v27;
	[tilespmem:s29+$0xFFFFFFB0] =	vst v30  }
0x12d: {  	v18 =	vperm.xlane v18, v4;
	[tilespmem:s29+$0xFFFFFF20] =	vst v19;
	v19 =	vmul.f32 v24, v20  }
0x12e: {  	[tilespmem:s29+$0xFFFFFF60] =	vst v16  }
0x12f: {  	v20 =	vmul.f32 v28, v18;
	v16 =	vmul.f32 v17, v18;
	[tilespmem:s29+$0x40] =	vst v37  }
0x130: {  	[tilespmem:s29+$0xFFFFFFE0] =	vst v22  }
0x131: {  	[tilespmem:s29+$0xF0] =	vst v19  }
0x132: {  	[tilespmem:s29+$0xFFFFFF90] =	vst v16  }
0x133: {  	v19 =	vld [tilespmem:s3+$0xFFFFFFF0];
	[tilespmem:s29+$0xFFFFFF70] =	vst v23  }
0x134: {  	v16 =	vld [tilespmem:s3+$0xFFFFFF60];
	[tilespmem:s29+$0x20] =	vst v26  }
0x135: {  	v22 =	vld [tilespmem:s3+$0xFFFFFFD0];
	[tilespmem:s29+$0x30] =	vst v36  }
0x136: {  	v23 =	vld [tilespmem:s3+$0x80];
	[tilespmem:s29+$0xFFFFFF80] =	vst v20  }
0x137: {  	v26 =	vld [tilespmem:s3+$0xFFFFFF10];
	[tilespmem:s29+$0x50] =	vst v38  }
0x138: {  	v30 =	vld [tilespmem:s3+$0xE0];
	[tilespmem:s29+$0x0] =	vst v29  }
0x139: {  	v25 =	vld [tilespmem:s3+$0xFFFFFF40];
	[tilespmem:s29+$0xFFFFFF30] =	vst v31  }
0x13a: {  	s1 =	sshra.s32 s1, $0x2;
	v17 =	vld [tilespmem:s3+$0xFFFFFF90];
	[tilespmem:s29+$0x10] =	vst v34;
	s29 =	smov.u32 s3  }
0x13b: {  	v18 =	vld [tilespmem:s1+$0x19000]  }
0x13c: {  	v24 =	vld [tilespmem:s3+$0xFFFFFFC0]  }
0x13d: {  	v27 =	vld [tilespmem:s3+$0xFFFFFF00]  }
0x13e: {  	v28 =	vld [tilespmem:s3+$0xD0]  }
.Ltmp3:
0x13f: {  	v37 =	vld [tilespmem:s3+$0xC0];
	(pc) =	sbr.rel @p0 .LBB2_8-.Ltmp3, $4  }
0x140: {  	v33 =	vperm.xlane v18, v0;
	v35 =	vld [tilespmem:s3+$0x90];
	v20 =	vperm.xlane v18, v15  }
0x141: {  	v34 =	vperm.xlane v18, v2;
	v32 =	vperm.xlane v18, v14;
	v36 =	vld [tilespmem:s3+$0xFFFFFF50]  }
0x142: {  	v39 =	vmul.f32 v27, v33;
	v27 =	vperm.xlane v18, v13;
	v31 =	vld [tilespmem:s3+$0xB0]  }
0x143: {  	v29 =	vperm.xlane v18, v12;
	v38 =	vmul.f32 v25, v34;
	v25 =	vld [tilespmem:s3+$0x60]  }
0x144: {  	[tilespmem:s29+$0xFFFFFF00] =	vst v39;
	v30 =	vmul.f32 v30, v20  }
0x145: {  	v37 =	vmul.f32 v37, v32;
	[tilespmem:s29+$0xFFFFFF40] =	vst v38  }
0x146: {  	v26 =	vmul.f32 v26, v33;
	[tilespmem:s29+$0xE0] =	vst v30  }
0x147: {  	v58 =	vmul.f32 v28, v32;
	[tilespmem:s29+$0xC0] =	vst v37  }
0x148: {  	v56 =	vmul.f32 v35, v29;
	[tilespmem:s29+$0xFFFFFF10] =	vst v26  }
0x149: {  	v40 =	vperm.xlane v18, v6;
	v23 =	vmul.f32 v23, v29;
	[tilespmem:s29+$0xD0] =	vst v58  }
0x14a: {  	v34 =	vmul.f32 v36, v34;
	[tilespmem:s29+$0x90] =	vst v56  }
0x14b: {  	v44 =	vperm.xlane v18, v5;
	v22 =	vmul.f32 v22, v40;
	[tilespmem:s29+$0x80] =	vst v23  }
0x14c: {  	v46 =	vperm.xlane v18, v7;
	v24 =	vmul.f32 v24, v40;
	[tilespmem:s29+$0xFFFFFF50] =	vst v34  }
0x14d: {  	v53 =	vperm.xlane v18, v3;
	v21 =	vmul.f32 v21, v44;
	[tilespmem:s29+$0xFFFFFFD0] =	vst v22  }
0x14e: {  	v54 =	vld [tilespmem:s29+$0xA0];
	v19 =	vmul.f32 v19, v46;
	[tilespmem:s29+$0xFFFFFFC0] =	vst v24  }
0x14f: {  	v55 =	vld [tilespmem:s29+$0x70];
	v60 =	vperm.xlane v18, v11;
	v16 =	vmul.f32 v16, v53;
	[tilespmem:s29+$0xFFFFFFA0] =	vst v21  }
0x150: {  	v57 =	vld [tilespmem:s29+$0xFFFFFFB0];
	v58 =	vperm.xlane v18, v4;
	v42 =	vmul.f32 v31, v27;
	[tilespmem:s29+$0xFFFFFFF0] =	vst v19  }
0x151: {  	v59 =	vld [tilespmem:s29+$0xFFFFFF20];
	v25 =	vmul.f32 v25, v60;
	[tilespmem:s29+$0xFFFFFF60] =	vst v16  }
0x152: {  	v61 =	vld [tilespmem:s29+$0xFFFFFFE0];
	v17 =	vmul.f32 v17, v58;
	[tilespmem:s29+$0xB0] =	vst v42  }
0x153: {  	v48 =	vld [tilespmem:s29+$0xFFFFFF70];
	v62 =	vmul.f32 v54, v27;
	[tilespmem:s29+$0x60] =	vst v25  }
0x154: {  	v63 =	vld [tilespmem:s29+$0x40];
	v51 =	vperm.xlane v18, v1;
	v33 =	vmul.f32 v55, v60;
	[tilespmem:s29+$0xFFFFFF90] =	vst v17  }
0x155: {  	v45 =	vld [tilespmem:s29+$0x30];
	v52 =	vmul.f32 v57, v44;
	[tilespmem:s29+$0xA0] =	vst v62  }
0x156: {  	v54 =	vld [tilespmem:s29+$0xF0];
	v28 =	vmul.f32 v59, v51;
	[tilespmem:s29+$0x70] =	vst v33  }
0x157: {  	v49 =	vld [tilespmem:s29+$0xFFFFFF80];
	v55 =	vperm.xlane v18, v10;
	v23 =	vmul.f32 v61, v46;
	[tilespmem:s29+$0xFFFFFFB0] =	vst v52  }
0x158: {  	v43 =	vld [tilespmem:s29+$0x20];
	v59 =	vperm.xlane v18, v9;
	v60 =	vmul.f32 v48, v53;
	[tilespmem:s29+$0xFFFFFF20] =	vst v28  }
0x159: {  	v56 =	vld [tilespmem:s29+$0xFFFFFF30];
	v57 =	vmul.f32 v63, v55;
	[tilespmem:s29+$0xFFFFFFE0] =	vst v23  }
0x15a: {  	v41 =	vld [tilespmem:s29+$0x50];
	v17 =	vmul.f32 v45, v59;
	[tilespmem:s29+$0xFFFFFF70] =	vst v60  }
0x15b: {  	v47 =	vld [tilespmem:s29+$0x0];
	[tilespmem:s29+$0x40] =	vst v57;
	v16 =	vmul.f32 v54, v20  }
0x15c: {  	v50 =	vld [tilespmem:s29+$0x10];
	v62 =	vmul.f32 v49, v58;
	[tilespmem:s29+$0x30] =	vst v17  }
0x15d: {  	[tilespmem:s29+$0xF0] =	vst v16;
	v16 =	vmul.f32 v43, v59  }
0x15e: {  	v61 =	vperm.xlane v18, v8;
	v63 =	vmul.f32 v56, v51;
	[tilespmem:s29+$0xFFFFFF80] =	vst v62  }
0x15f: {  	[tilespmem:s29+$0x20] =	vst v16;
	v16 =	vmul.f32 v41, v55  }
0x160: {  	v17 =	vmul.f32 v47, v61;
	[tilespmem:s29+$0xFFFFFF30] =	vst v63  }
0x161: {  	[tilespmem:s29+$0x50] =	vst v16;
	v16 =	vmul.f32 v50, v61  }
0x162: {  	[tilespmem:s29+$0x0] =	vst v17  }
0x163: {  	[tilespmem:s29+$0x10] =	vst v16  }
0x164: {  	[spmem:s2] =	stream.indirect.scatter.add.f32 [tilespmem:s18], [sflag:$0x3], $0x80, s20, s25, $0xb8;
	[tilespmem:$0x19400] =	vst v63  }
0x165: {  	_ =	swait.ge [sflag:s17], $0x2800  }
0x166: {  	s28 =	sadd.s32 $0x1, s28;
	[sflag:s17] =	ssyncset.done $0x0  }
0x167: {  	p0 =	sne.s32 s28, s15;
	[sflag:s17] =	ssyncadd.s32 $0xFFFFD800  }
.Ltmp4:
0x168: {  	[bflag:$0x0] =	sbarrier.arrive $0xFFFF;
	(pc) =	sbr.rel @p0 .LBB2_1-.Ltmp4, $4  }
0x169: {  	[hbm:s14], [sflag:s8] =	dma.local [spmem:s16], $0x2800  }
0x16a: {  	_ =	swait.ge [sflag:s17], $0x2800  }
0x16b: {  	[sflag:s17] =	ssyncset.done $0x0  }
0x16c: {  	[sflag:s17] =	ssyncadd.s32 $0xFFFFD800  }
0x16d: {  	_ =	sfence.sel $0x180000  }
0x16e: {  	[bflag:$0x0] =	sbarrier.arrive $0xFFFF  }
0x16f: {  	_ =	strace $0x9000004A  }
0x170: {  	s0 =	stileid.u32;
	[bflag:$0x2] =	sbarrier.arrive $0xFFFF  }
0x171: {  	p0 =	sne.s32 s0, $0x0;
	s0 =	rddreg [dreg:$0x3]  }
0x172: {  	s0 =	sadd.s32 @!p0 $0x100000, s0  }
0x173: {  	[sflag:s0] =	ssyncadd.tile.s32 @!p0 $0x1;
	_ =	shalt  }
.Lfunc_end2:
_tile_overlayer_lowered:
.L_overlay_start_2:
0x174: {  	(tag) =	ssettag $0x2  }
0x175: {  	s0 =	rddreg [dreg:$0x0];
	s2 =	stileid.u32  }
0x176: {  	s1 =	rddreg [dreg:$0x1];
	p0 =	sne.s32 s2, $0x0  }
0x177: {  	s3 =	rddreg [dreg:$0x2];
	[bflag:$0x3] =	sbarrier.arrive $0xFFFF;
	s2 =	simm.s32 @!p0 $0x1C03  }
0x178: {  	[timem:s3], [sflag:s2] =	dma.local @!p0 [hbm:s0], s1  }
0x179: {  	s0 =	simm.s32 @!p0 $0x3  }
0x17a: {  	_ =	swait.ge @!p0 [sflag:s0], s1  }
0x17b: {  	s1 =	ssub.s32 @!p0 $0x0, s1;
	[sflag:s0] =	ssyncset.done @!p0 $0x0  }
0x17c: {  	[sflag:s0] =	ssyncadd.s32 @!p0 s1  }
0x17d: {  	[bflag:$0x3] =	sbarrier.arrive $0xFFFF  }
0x17e: {  	_ =	shalt  }

</sc_bundles>
